<compile_context>
chip_gen: v7x
topology: tpu7x:2x2x1
jax: 0.10.2.dev20260603
libtpu: 0.0.44.dev20260713+nightly
codegen_flags: <defaults>
</compile_context>

<pallas_src>
import jax
import jax.numpy as jnp
from jax import lax
from jax.experimental import pallas as pl
from jax.experimental.pallas import tpu as pltpu
from jax.experimental.pallas import tpu_sc as plsc

N = 10000
E = 320000
D = 128
DLLM = 640
DPROJ = 112
NSTRUCT = 5
NC = 2
NS = 16
NW = NC * NS
CK = 128
CH = 79
EPAD = NW * CH * CK
NACC = 10112
SEG = NACC // NS
BLK = 1000
GRID = N // BLK



def _sc_deg_body(dst_hbm, deg_out, dst_v, deg_v):
    c = lax.axis_index("c")
    s = lax.axis_index("s")
    wid = c * NS + s
    pltpu.sync_copy(dst_hbm.at[wid], dst_v)

    zero16 = jnp.zeros((16,), jnp.float32)

    def zbody(i, carry):
        deg_v[pl.ds(i * 16, 16)] = zero16
        return carry

    lax.fori_loop(0, NACC // 16, zbody, 0)

    ones16 = jnp.ones((16,), jnp.float32)

    def ebody(k, carry):
        idx = dst_v[pl.ds(k * 16, 16)]
        plsc.addupdate_scatter(deg_v, [idx], ones16)
        return carry

    lax.fori_loop(0, (CH * CK) // 16, ebody, 0)
    pltpu.sync_copy(deg_v, deg_out.at[wid])


_sc_deg = pl.kernel(
    _sc_deg_body,
    out_type=jax.ShapeDtypeStruct((NW, NACC), jnp.float32),
    mesh=plsc.VectorSubcoreMesh(core_axis_name="c", subcore_axis_name="s"),
    scratch_types=[
        pltpu.VMEM((CH * CK,), jnp.int32),
        pltpu.VMEM((NACC,), jnp.float32),
    ],
    compiler_params=pltpu.CompilerParams(needs_layout_passes=False),
)


def _sc_scatter_body(h_hbm, src_hbm, dst_hbm, z_hbm, out_hbm,
                     sidx_v, didx_v, rows_v, acc_sh, isem, gsem, ssem):
    c = lax.axis_index("c")
    s = lax.axis_index("s")
    wid = c * NS + s
    base = s * SEG
    pltpu.sync_copy(z_hbm.at[pl.ds(base, SEG)], acc_sh.at[pl.ds(base, SEG)])
    plsc.subcore_barrier()

    def idx_fetch(j, p):
        pltpu.async_copy(src_hbm.at[wid, j], sidx_v.at[p], isem)
        pltpu.async_copy(dst_hbm.at[wid, j], didx_v.at[p], isem)

    def idx_wait():
        pltpu.make_async_copy(src_hbm.at[0, 0], sidx_v.at[0], isem).wait()
        pltpu.make_async_copy(src_hbm.at[0, 0], didx_v.at[0], isem).wait()

    def gather(p):
        pltpu.async_copy(h_hbm.at[sidx_v.at[p]], rows_v.at[p], gsem)

    def gwait(p):
        pltpu.make_async_copy(h_hbm.at[sidx_v.at[0]], rows_v.at[p],
                              gsem).wait()

    def scatter(p):
        pltpu.async_copy(rows_v.at[p], acc_sh.at[didx_v.at[p]], ssem,
                         add=True)

    def swait(p):
        pltpu.make_async_copy(rows_v.at[p], acc_sh.at[didx_v.at[0]],
                              ssem).wait()

    idx_fetch(0, 0)
    idx_wait()
    gather(0)
    idx_fetch(1, 1)
    gwait(0)
    idx_fetch(2, 2)
    idx_wait()
    gather(1)
    scatter(0)

    def half(g, p):
        gwait(p)
        swait((p + 2) % 3)
        idx_fetch(lax.rem(g + 2, CH), (p + 2) % 3)
        idx_wait()
        gather((p + 1) % 3)
        scatter(p)

    def body(i, carry):
        half(3 * i + 1, 1)
        half(3 * i + 2, 2)
        half(3 * i + 3, 0)
        return carry

    lax.fori_loop(0, (CH - 1) // 3, body, 0)
    swait((CH - 1) % 3)
    gwait(CH % 3)
    idx_wait()
    plsc.subcore_barrier()
    pltpu.sync_copy(acc_sh.at[pl.ds(base, SEG)],
                    out_hbm.at[c, pl.ds(base, SEG)])


_sc_scatter = pl.kernel(
    _sc_scatter_body,
    out_type=jax.ShapeDtypeStruct((NC, NACC, D), jnp.float32),
    mesh=plsc.VectorSubcoreMesh(core_axis_name="c", subcore_axis_name="s"),
    scratch_types=[
        pltpu.VMEM((3, CK), jnp.int32),
        pltpu.VMEM((3, CK), jnp.int32),
        pltpu.VMEM((3, CK, D), jnp.float32),
        pltpu.VMEM_SHARED((NACC, D), jnp.float32),
        pltpu.SemaphoreType.DMA,
        pltpu.SemaphoreType.DMA,
        pltpu.SemaphoreType.DMA,
    ],
)



def _tc_pre_body(llm_ref, ids_ref, wpt_ref, eemb_ref, bcat_ref, w1t_ref,
                 dinv_ref, x_ref, h_ref):
    xl = jnp.dot(llm_ref[...], wpt_ref[...], preferred_element_type=jnp.float32)
    oh = (ids_ref[...] == lax.broadcasted_iota(jnp.int32, (1, NSTRUCT), 1))
    xs = jnp.dot(oh.astype(jnp.float32), eemb_ref[...],
                 preferred_element_type=jnp.float32)
    x = xl + xs + bcat_ref[...]
    x_ref[...] = x
    h_ref[...] = jnp.dot(x, w1t_ref[...],
                         preferred_element_type=jnp.float32) * dinv_ref[...]


def _tc_mid_body(x_ref, h_ref, sp_ref, dinv_ref, b_ref, wt_ref, x2_ref, h2_ref):
    dinv = dinv_ref[...]
    out1 = (sp_ref[0] + sp_ref[1] + h_ref[...]) * dinv + b_ref[...]
    x2 = x_ref[...] + jnp.maximum(out1, 0.0)
    x2_ref[...] = x2
    h2_ref[...] = jnp.dot(x2, wt_ref[...],
                          preferred_element_type=jnp.float32) * dinv


def _tc_fin_body(x_ref, h_ref, sp_ref, dinv_ref, b_ref, g_ref, bt_ref, y_ref):
    out2 = (sp_ref[0] + sp_ref[1] + h_ref[...]) * dinv_ref[...] + b_ref[...]
    t = x_ref[...] + jnp.maximum(out2, 0.0)
    mu = jnp.mean(t, axis=1, keepdims=True)
    d = t - mu
    var = jnp.mean(d * d, axis=1, keepdims=True)
    y_ref[...] = d * lax.rsqrt(var + 1e-5) * g_ref[...] + bt_ref[...]


def _row_spec(cols):
    return pl.BlockSpec((BLK, cols), lambda i: (i, 0))


def _full2(r, c):
    return pl.BlockSpec((r, c), lambda i: (0, 0))


_SP_SPEC = pl.BlockSpec((NC, BLK, D), lambda i: (0, i, 0))

_tc_pre = pl.pallas_call(
    _tc_pre_body,
    grid=(GRID,),
    in_specs=[_row_spec(DLLM), _row_spec(1), _full2(DLLM, D),
              _full2(NSTRUCT, D), _full2(1, D), _full2(D, D), _row_spec(1)],
    out_specs=[_row_spec(D), _row_spec(D)],
    out_shape=[jax.ShapeDtypeStruct((N, D), jnp.float32),
               jax.ShapeDtypeStruct((N, D), jnp.float32)],
)

_tc_mid = pl.pallas_call(
    _tc_mid_body,
    grid=(GRID,),
    in_specs=[_row_spec(D), _row_spec(D), _SP_SPEC, _row_spec(1),
              _full2(1, D), _full2(D, D)],
    out_specs=[_row_spec(D), _row_spec(D)],
    out_shape=[jax.ShapeDtypeStruct((N, D), jnp.float32),
               jax.ShapeDtypeStruct((N, D), jnp.float32)],
)

_tc_fin = pl.pallas_call(
    _tc_fin_body,
    grid=(GRID,),
    in_specs=[_row_spec(D), _row_spec(D), _SP_SPEC, _row_spec(1),
              _full2(1, D), _full2(1, D), _full2(1, D)],
    out_specs=_row_spec(D),
    out_shape=jax.ShapeDtypeStruct((N, D), jnp.float32),
)



def kernel(llm_feat, struct_type_ids, edge_index, Wp, bp, Eemb,
           W1, b1, W2, b2, gamma, beta):
    f32 = jnp.float32
    src = edge_index[0].astype(jnp.int32)
    dst = edge_index[1].astype(jnp.int32)
    pad = EPAD - E
    pi = jnp.arange(pad, dtype=jnp.int32)
    srcp = jnp.concatenate([src, pi % N]).reshape(NW, CH, CK)
    dstp = jnp.concatenate([dst, N + pi % (NACC - N)]).reshape(NW, CH, CK)
    dst_flat = dstp.reshape(NW, CH * CK)

    z2 = jnp.zeros((NACC, D), f32)

    degp = _sc_deg(dst_flat)
    deg = degp.sum(axis=0)[:N] + 1.0
    dinv = lax.rsqrt(deg).reshape(N, 1)

    ids = struct_type_ids.astype(jnp.int32).reshape(N, 1)
    wpt = jnp.zeros((DLLM, D), f32).at[:, :DPROJ].set(Wp.T)
    eemb_pad = jnp.zeros((NSTRUCT, D), f32).at[:, DPROJ:].set(Eemb)
    bcat = jnp.zeros((1, D), f32).at[0, :DPROJ].set(bp)

    xcat, h1 = _tc_pre(llm_feat, ids, wpt, eemb_pad, bcat, W1.T, dinv)
    s1 = _sc_scatter(h1, srcp, dstp, z2)
    x2, h2 = _tc_mid(xcat, h1, s1, dinv, b1.reshape(1, D), W2.T)
    s2 = _sc_scatter(h2, srcp, dstp, z2)
    return _tc_fin(x2, h2, s2, dinv, b2.reshape(1, D),
                   gamma.reshape(1, D), beta.reshape(1, D))

# --- scband reference (transcript-rebuilt; emitter-appended) ---
"""Pipeline reference for scband-structure-aware-adapter-49563922595873 (READ-ONLY COPY).

The authoritative reference and input builder live on the scoring server;
editing this copy changes nothing except your own understanding.
"""

import jax, jax.numpy as jnp
import numpy as np

N = 10000
E = 320000
LLM_DIM = 640
HIDDEN = 128
STRUCT_DIM = 16
N_STRUCT = 5


def gcn_conv(x, edge_index, W, b):
    n = x.shape[0]
    loop = jnp.arange(n, dtype=edge_index.dtype)
    src = jnp.concatenate([edge_index[0], loop])
    dst = jnp.concatenate([edge_index[1], loop])
    deg = jnp.zeros((n,), dtype=x.dtype).at[dst].add(1.0)
    dinv = jnp.where(deg > 0, jax.lax.rsqrt(jnp.maximum(deg, 1e-12)), 0.0)
    norm = dinv[src] * dinv[dst]
    h = x @ W.T
    msg = h[src] * norm[:, None]
    out = jnp.zeros((n, h.shape[1]), dtype=x.dtype).at[dst].add(msg)
    return out + b


def layer_norm(x, g, b, eps=1e-5):
    mu = jnp.mean(x, axis=-1, keepdims=True)
    var = jnp.mean((x - mu) ** 2, axis=-1, keepdims=True)
    return (x - mu) / jnp.sqrt(var + eps) * g + b


def setup_inputs(seed: int = 0):
    key = jax.random.key(seed)
    ks = jax.random.split(key, 10)
    llm_feat = jax.random.normal(ks[0], (N, LLM_DIM), dtype=jnp.float32)
    struct_type_ids = jax.random.randint(ks[1], (N,), 0, N_STRUCT, dtype=jnp.int64 if jax.config.jax_enable_x64 else jnp.int32)
    edge_index = jax.random.randint(ks[2], (2, E), 0, N, dtype=jnp.int64 if jax.config.jax_enable_x64 else jnp.int32)
    Wp = jax.random.normal(ks[3], (HIDDEN - STRUCT_DIM, LLM_DIM), dtype=jnp.float32) * 0.02
    bp = jnp.zeros((HIDDEN - STRUCT_DIM,), dtype=jnp.float32)
    Eemb = jax.random.normal(ks[4], (N_STRUCT, STRUCT_DIM), dtype=jnp.float32) * 0.02
    W1 = jax.random.normal(ks[5], (HIDDEN, HIDDEN), dtype=jnp.float32) * 0.05
    b1 = jnp.zeros((HIDDEN,), dtype=jnp.float32)
    W2 = jax.random.normal(ks[6], (HIDDEN, HIDDEN), dtype=jnp.float32) * 0.05
    b2 = jnp.zeros((HIDDEN,), dtype=jnp.float32)
    gamma = jnp.ones((HIDDEN,), dtype=jnp.float32)
    beta = jnp.zeros((HIDDEN,), dtype=jnp.float32)
    return {"llm_feat": llm_feat, "struct_type_ids": struct_type_ids, "edge_index": edge_index, "Wp": Wp, "bp": bp, "Eemb": Eemb, "W1": W1, "b1": b1, "W2": W2, "b2": b2, "gamma": gamma, "beta": beta}


def reference(llm_feat, struct_type_ids, edge_index, Wp, bp, Eemb, W1, b1, W2, b2, gamma, beta):
    x_llm = llm_feat @ Wp.T + bp
    x_struct = Eemb[struct_type_ids]
    x = jnp.concatenate([x_llm, x_struct], axis=-1)
    for W, b in ((W1, b1), (W2, b2)):
        x_new = jax.nn.relu(gcn_conv(x, edge_index, W, b))
        x = x + x_new  # dropout is identity in eval mode
    return layer_norm(x, gamma, beta)

if __name__ == "__main__":
    import jax
    _d = setup_inputs()
    print(jax.jit(kernel)(*tuple(_d.values())))

</pallas_src>

<mosaic_0001>
#map = affine_map<(d0, d1) -> (0, 0)>
module attributes {stable_mosaic.version = 14 : i64} {
  func.func @_sc_deg_body(%arg0: i32, %arg1: i32, %arg2: memref<32x10112xi32, #tpu.memory_space<hbm>>, %arg3: memref<32x10112xf32, #tpu.memory_space<hbm>>, %arg4: memref<10112xi32, #tpu.memory_space<vmem>>, %arg5: memref<10112xf32, #tpu.memory_space<vmem>>) attributes {dimension_semantics = [#tpu.dimension_semantics<core_parallel>, #tpu.dimension_semantics<subcore_parallel>], iteration_bounds = array<i64: 2, 16>, scalar_prefetch = 0 : i64, scratch_operands = 2 : i64, tpu.core_type = #tpu.core_type<sc_vector_subcore>, window_params = [{transform_indices = #map}, {transform_indices = #map}]} {
    %mul3A = arith.constant 16 : i32
    %mul3A_0 = arith.muli %arg0, %mul3A : i32
    %add3A = arith.addi %mul3A_0, %arg1 : i32
    "tpu.region"() ({
      %run_scoped3A = tpu.sem_alloc : memref<!tpu.dma_semaphore, #tpu.memory_space<semaphore_mem>>
      %dma_start3A = arith.constant 0 : i32
      %dma_start3A_15 = tpu.memref_slice %arg2[%add3A, %dma_start3A] : memref<32x10112xi32, #tpu.memory_space<hbm>> -> memref<1x10112xi32, #tpu.memory_space<hbm>>
      %dma_start3A_16 = tpu.memref_squeeze %dma_start3A_15 : memref<1x10112xi32, #tpu.memory_space<hbm>> -> memref<10112xi32, #tpu.memory_space<hbm>>
      %dma_start3A_17 = arith.constant 0 : i32
      %dma_start3A_18 = tpu.memref_slice %arg2[%add3A, %dma_start3A_17] : memref<32x10112xi32, #tpu.memory_space<hbm>> -> memref<1x10112xi32, #tpu.memory_space<hbm>>
      %dma_start3A_19 = tpu.memref_squeeze %dma_start3A_18 : memref<1x10112xi32, #tpu.memory_space<hbm>> -> memref<10112xi32, #tpu.memory_space<hbm>>
      tpu.enqueue_dma source(%dma_start3A_19 : memref<10112xi32, #tpu.memory_space<hbm>>) target(%arg4 : memref<10112xi32, #tpu.memory_space<vmem>>) target_semaphore(%run_scoped3A : memref<!tpu.dma_semaphore, #tpu.memory_space<semaphore_mem>>)
      %dma_wait3A = arith.constant 0 : i32
      %dma_wait3A_20 = tpu.memref_slice %arg2[%add3A, %dma_wait3A] : memref<32x10112xi32, #tpu.memory_space<hbm>> -> memref<1x10112xi32, #tpu.memory_space<hbm>>
      %dma_wait3A_21 = tpu.memref_squeeze %dma_wait3A_20 : memref<1x10112xi32, #tpu.memory_space<hbm>> -> memref<10112xi32, #tpu.memory_space<hbm>>
      %dma_wait3A_22 = arith.constant 0 : i32
      %dma_wait3A_23 = tpu.memref_slice %arg2[%add3A, %dma_wait3A_22] : memref<32x10112xi32, #tpu.memory_space<hbm>> -> memref<1x10112xi32, #tpu.memory_space<hbm>>
      %dma_wait3A_24 = tpu.memref_squeeze %dma_wait3A_23 : memref<1x10112xi32, #tpu.memory_space<hbm>> -> memref<10112xi32, #tpu.memory_space<hbm>>
      tpu.wait_dma2 semaphore(%run_scoped3A : memref<!tpu.dma_semaphore, #tpu.memory_space<semaphore_mem>>) src(%dma_wait3A_24 : memref<10112xi32, #tpu.memory_space<hbm>>) dst(%arg4 : memref<10112xi32, #tpu.memory_space<vmem>>)
      tpu.yield
    }) : () -> ()
    %broadcast_in_dim3A = arith.constant 0.000000e+00 : f32
    %broadcast_in_dim3A_1 = vector.broadcast %broadcast_in_dim3A : f32 to vector<16xf32>
    %scan3A = arith.constant 0 : i32
    %scan3A_2 = arith.constant 0 : i32
    %scan3A_3 = arith.constant 632 : i32
    %scan3A_4 = arith.addi %scan3A_2, %scan3A_3 : i32
    %scan3A_5 = arith.constant 1 : i32
    scf.for %scan3A_15 = %scan3A_2 to %scan3A_4 step %scan3A_5  : i32 {
      %mul3A_16 = arith.constant 16 : i32
      %mul3A_17 = arith.muli %scan3A_15, %mul3A_16 : i32
      %swap3A = arith.index_cast %mul3A_17 : i32 to index
      %swap3A_18 = tpu.vector_load %arg5[%swap3A] {strides = array<i32>} : memref<10112xf32, #tpu.memory_space<vmem>>, vector<16xf32>,
      tpu.vector_store %arg5[%swap3A], %broadcast_in_dim3A_1 {strides = array<i32>} : memref<10112xf32, #tpu.memory_space<vmem>>, vector<16xf32>,
    }
    %scan3A_6 = arith.constant 632 : i32
    %broadcast_in_dim3A_7 = arith.constant 1.000000e+00 : f32
    %broadcast_in_dim3A_8 = vector.broadcast %broadcast_in_dim3A_7 : f32 to vector<16xf32>
    %scan3A_9 = arith.constant 0 : i32
    %scan3A_10 = arith.constant 0 : i32
    %scan3A_11 = arith.constant 632 : i32
    %scan3A_12 = arith.addi %scan3A_10, %scan3A_11 : i32
    %scan3A_13 = arith.constant 1 : i32
    scf.for %scan3A_15 = %scan3A_10 to %scan3A_12 step %scan3A_13  : i32 {
      %mul3A_16 = arith.constant 16 : i32
      %mul3A_17 = arith.muli %scan3A_15, %mul3A_16 : i32
      %get3A = arith.index_cast %mul3A_17 : i32 to index
      %get3A_18 = tpu.vector_load %arg4[%get3A] {strides = array<i32>} : memref<10112xi32, #tpu.memory_space<vmem>>, vector<16xi32>,
      tpu.vector_store_idx %arg5[%get3A_18], %broadcast_in_dim3A_8 {add = true} : memref<10112xf32, #tpu.memory_space<vmem>>[vector<16xi32>], vector<16xf32>,
    }
    %scan3A_14 = arith.constant 632 : i32
    "tpu.region"() ({
      %run_scoped3A = tpu.sem_alloc : memref<!tpu.dma_semaphore, #tpu.memory_space<semaphore_mem>>
      %dma_start3A = arith.constant 0 : i32
      %dma_start3A_15 = tpu.memref_slice %arg3[%add3A, %dma_start3A] : memref<32x10112xf32, #tpu.memory_space<hbm>> -> memref<1x10112xf32, #tpu.memory_space<hbm>>
      %dma_start3A_16 = tpu.memref_squeeze %dma_start3A_15 : memref<1x10112xf32, #tpu.memory_space<hbm>> -> memref<10112xf32, #tpu.memory_space<hbm>>
      %dma_start3A_17 = arith.constant 0 : i32
      %dma_start3A_18 = tpu.memref_slice %arg3[%add3A, %dma_start3A_17] : memref<32x10112xf32, #tpu.memory_space<hbm>> -> memref<1x10112xf32, #tpu.memory_space<hbm>>
      %dma_start3A_19 = tpu.memref_squeeze %dma_start3A_18 : memref<1x10112xf32, #tpu.memory_space<hbm>> -> memref<10112xf32, #tpu.memory_space<hbm>>
      tpu.enqueue_dma source(%arg5 : memref<10112xf32, #tpu.memory_space<vmem>>) target(%dma_start3A_19 : memref<10112xf32, #tpu.memory_space<hbm>>) target_semaphore(%run_scoped3A : memref<!tpu.dma_semaphore, #tpu.memory_space<semaphore_mem>>)
      %dma_wait3A = arith.constant 0 : i32
      %dma_wait3A_20 = tpu.memref_slice %arg3[%add3A, %dma_wait3A] : memref<32x10112xf32, #tpu.memory_space<hbm>> -> memref<1x10112xf32, #tpu.memory_space<hbm>>
      %dma_wait3A_21 = tpu.memref_squeeze %dma_wait3A_20 : memref<1x10112xf32, #tpu.memory_space<hbm>> -> memref<10112xf32, #tpu.memory_space<hbm>>
      %dma_wait3A_22 = arith.constant 0 : i32
      %dma_wait3A_23 = tpu.memref_slice %arg3[%add3A, %dma_wait3A_22] : memref<32x10112xf32, #tpu.memory_space<hbm>> -> memref<1x10112xf32, #tpu.memory_space<hbm>>
      %dma_wait3A_24 = tpu.memref_squeeze %dma_wait3A_23 : memref<1x10112xf32, #tpu.memory_space<hbm>> -> memref<10112xf32, #tpu.memory_space<hbm>>
      tpu.wait_dma2 semaphore(%run_scoped3A : memref<!tpu.dma_semaphore, #tpu.memory_space<semaphore_mem>>) src(%arg5 : memref<10112xf32, #tpu.memory_space<vmem>>) dst(%dma_wait3A_24 : memref<10112xf32, #tpu.memory_space<hbm>>)
      tpu.yield
    }) : () -> ()
    return
  }
}

#map = affine_map<(d0, d1) -> (0, 0)>
#map1 = affine_map<(d0, d1) -> (0, 0, 0)>
module attributes {stable_mosaic.version = 14 : i64} {
  func.func @_sc_scatter_body(%arg0: i32, %arg1: i32, %arg2: memref<10000x128xf32, #tpu.memory_space<hbm>>, %arg3: memref<32x79x128xi32, #tpu.memory_space<hbm>>, %arg4: memref<32x79x128xi32, #tpu.memory_space<hbm>>, %arg5: memref<10112x128xf32, #tpu.memory_space<hbm>>, %arg6: memref<2x10112x128xf32, #tpu.memory_space<hbm>>, %arg7: memref<3x128xi32, #tpu.memory_space<vmem>>, %arg8: memref<3x128xi32, #tpu.memory_space<vmem>>, %arg9: memref<3x128x128xf32, #tpu.memory_space<vmem>>, %arg10: memref<10112x128xf32, #tpu.memory_space<vmem_shared>>, %arg11: memref<!tpu.dma_semaphore, #tpu.memory_space<semaphore_mem>>, %arg12: memref<!tpu.dma_semaphore, #tpu.memory_space<semaphore_mem>>, %arg13: memref<!tpu.dma_semaphore, #tpu.memory_space<semaphore_mem>>) attributes {dimension_semantics = [#tpu.dimension_semantics<core_parallel>, #tpu.dimension_semantics<subcore_parallel>], iteration_bounds = array<i64: 2, 16>, scalar_prefetch = 0 : i64, scratch_operands = 7 : i64, tpu.core_type = #tpu.core_type<sc_vector_subcore>, window_params = [{transform_indices = #map}, {transform_indices = #map1}, {transform_indices = #map1}, {transform_indices = #map}, {transform_indices = #map1}]} {
    %mul3A = arith.constant 16 : i32
    %mul3A_0 = arith.muli %arg0, %mul3A : i32
    %add3A = arith.addi %mul3A_0, %arg1 : i32
    %mul3A_1 = arith.constant 632 : i32
    %mul3A_2 = arith.muli %arg1, %mul3A_1 : i32
    "tpu.region"() ({
      %run_scoped3A = tpu.sem_alloc : memref<!tpu.dma_semaphore, #tpu.memory_space<semaphore_mem>>
      %dma_start3A_253 = arith.constant 0 : i32
      %dma_start3A_254 = tpu.memref_slice %arg10[%mul3A_2, %dma_start3A_253] : memref<10112x128xf32, #tpu.memory_space<vmem_shared>> -> memref<632x128xf32, #tpu.memory_space<vmem_shared>>
      %dma_start3A_255 = arith.constant 0 : i32
      %dma_start3A_256 = tpu.memref_slice %arg5[%mul3A_2, %dma_start3A_255] : memref<10112x128xf32, #tpu.memory_space<hbm>> -> memref<632x128xf32, #tpu.memory_space<hbm>>
      tpu.enqueue_dma source(%dma_start3A_256 : memref<632x128xf32, #tpu.memory_space<hbm>>) target(%dma_start3A_254 : memref<632x128xf32, #tpu.memory_space<vmem_shared>>) target_semaphore(%run_scoped3A : memref<!tpu.dma_semaphore, #tpu.memory_space<semaphore_mem>>)
      %dma_wait3A_257 = arith.constant 0 : i32
      %dma_wait3A_258 = tpu.memref_slice %arg10[%mul3A_2, %dma_wait3A_257] : memref<10112x128xf32, #tpu.memory_space<vmem_shared>> -> memref<632x128xf32, #tpu.memory_space<vmem_shared>>
      %dma_wait3A_259 = arith.constant 0 : i32
      %dma_wait3A_260 = tpu.memref_slice %arg5[%mul3A_2, %dma_wait3A_259] : memref<10112x128xf32, #tpu.memory_space<hbm>> -> memref<632x128xf32, #tpu.memory_space<hbm>>
      tpu.wait_dma2 semaphore(%run_scoped3A : memref<!tpu.dma_semaphore, #tpu.memory_space<semaphore_mem>>) src(%dma_wait3A_260 : memref<632x128xf32, #tpu.memory_space<hbm>>) dst(%dma_wait3A_258 : memref<632x128xf32, #tpu.memory_space<vmem_shared>>)
      tpu.yield
    }) : () -> ()
    %barrier3A = arith.constant 0 : index
    tpu.barrier barrier_id(%barrier3A)
    %dma_start3A = arith.constant 0 : i32
    %dma_start3A_3 = arith.constant 0 : i32
    %dma_start3A_4 = arith.constant 0 : i32
    %dma_start3A_5 = tpu.memref_slice %arg7[%dma_start3A_3, %dma_start3A_4] : memref<3x128xi32, #tpu.memory_space<vmem>> -> memref<1x128xi32, #tpu.memory_space<vmem>>
    %dma_start3A_6 = tpu.memref_squeeze %dma_start3A_5 : memref<1x128xi32, #tpu.memory_space<vmem>> -> memref<128xi32, #tpu.memory_space<vmem>>
    %dma_start3A_7 = arith.constant 0 : i32
    %dma_start3A_8 = tpu.memref_slice %arg3[%add3A, %dma_start3A, %dma_start3A_7] : memref<32x79x128xi32, #tpu.memory_space<hbm>> -> memref<1x1x128xi32, #tpu.memory_space<hbm>>
    %dma_start3A_9 = tpu.memref_squeeze %dma_start3A_8 : memref<1x1x128xi32, #tpu.memory_space<hbm>> -> memref<128xi32, #tpu.memory_space<hbm>>
    %dma_start3A_10 = arith.constant 0 : i32
    %dma_start3A_11 = tpu.memref_slice %arg7[%dma_start3A_3, %dma_start3A_10] : memref<3x128xi32, #tpu.memory_space<vmem>> -> memref<1x128xi32, #tpu.memory_space<vmem>>
    %dma_start3A_12 = tpu.memref_squeeze %dma_start3A_11 : memref<1x128xi32, #tpu.memory_space<vmem>> -> memref<128xi32, #tpu.memory_space<vmem>>
    %dma_start3A_13 = arith.constant 0 : i32
    %dma_start3A_14 = tpu.memref_slice %arg3[%add3A, %dma_start3A, %dma_start3A_13] : memref<32x79x128xi32, #tpu.memory_space<hbm>> -> memref<1x1x128xi32, #tpu.memory_space<hbm>>
    %dma_start3A_15 = tpu.memref_squeeze %dma_start3A_14 : memref<1x1x128xi32, #tpu.memory_space<hbm>> -> memref<128xi32, #tpu.memory_space<hbm>>
    tpu.enqueue_dma source(%dma_start3A_15 : memref<128xi32, #tpu.memory_space<hbm>>) target(%dma_start3A_12 : memref<128xi32, #tpu.memory_space<vmem>>) target_semaphore(%arg11 : memref<!tpu.dma_semaphore, #tpu.memory_space<semaphore_mem>>)
    %dma_start3A_16 = arith.constant 0 : i32
    %dma_start3A_17 = arith.constant 0 : i32
    %dma_start3A_18 = arith.constant 0 : i32
    %dma_start3A_19 = tpu.memref_slice %arg8[%dma_start3A_17, %dma_start3A_18] : memref<3x128xi32, #tpu.memory_space<vmem>> -> memref<1x128xi32, #tpu.memory_space<vmem>>
    %dma_start3A_20 = tpu.memref_squeeze %dma_start3A_19 : memref<1x128xi32, #tpu.memory_space<vmem>> -> memref<128xi32, #tpu.memory_space<vmem>>
    %dma_start3A_21 = arith.constant 0 : i32
    %dma_start3A_22 = tpu.memref_slice %arg4[%add3A, %dma_start3A_16, %dma_start3A_21] : memref<32x79x128xi32, #tpu.memory_space<hbm>> -> memref<1x1x128xi32, #tpu.memory_space<hbm>>
    %dma_start3A_23 = tpu.memref_squeeze %dma_start3A_22 : memref<1x1x128xi32, #tpu.memory_space<hbm>> -> memref<128xi32, #tpu.memory_space<hbm>>
    %dma_start3A_24 = arith.constant 0 : i32
    %dma_start3A_25 = tpu.memref_slice %arg8[%dma_start3A_17, %dma_start3A_24] : memref<3x128xi32, #tpu.memory_space<vmem>> -> memref<1x128xi32, #tpu.memory_space<vmem>>
    %dma_start3A_26 = tpu.memref_squeeze %dma_start3A_25 : memref<1x128xi32, #tpu.memory_space<vmem>> -> memref<128xi32, #tpu.memory_space<vmem>>
    %dma_start3A_27 = arith.constant 0 : i32
    %dma_start3A_28 = tpu.memref_slice %arg4[%add3A, %dma_start3A_16, %dma_start3A_27] : memref<32x79x128xi32, #tpu.memory_space<hbm>> -> memref<1x1x128xi32, #tpu.memory_space<hbm>>
    %dma_start3A_29 = tpu.memref_squeeze %dma_start3A_28 : memref<1x1x128xi32, #tpu.memory_space<hbm>> -> memref<128xi32, #tpu.memory_space<hbm>>
    tpu.enqueue_dma source(%dma_start3A_29 : memref<128xi32, #tpu.memory_space<hbm>>) target(%dma_start3A_26 : memref<128xi32, #tpu.memory_space<vmem>>) target_semaphore(%arg11 : memref<!tpu.dma_semaphore, #tpu.memory_space<semaphore_mem>>)
    %dma_wait3A = arith.constant 0 : i32
    %dma_wait3A_30 = arith.constant 0 : i32
    %dma_wait3A_31 = arith.constant 0 : i32
    %dma_wait3A_32 = arith.constant 0 : i32
    %dma_wait3A_33 = tpu.memref_slice %arg7[%dma_wait3A_31, %dma_wait3A_32] : memref<3x128xi32, #tpu.memory_space<vmem>> -> memref<1x128xi32, #tpu.memory_space<vmem>>
    %dma_wait3A_34 = tpu.memref_squeeze %dma_wait3A_33 : memref<1x128xi32, #tpu.memory_space<vmem>> -> memref<128xi32, #tpu.memory_space<vmem>>
    %dma_wait3A_35 = arith.constant 0 : i32
    %dma_wait3A_36 = tpu.memref_slice %arg3[%dma_wait3A, %dma_wait3A_30, %dma_wait3A_35] : memref<32x79x128xi32, #tpu.memory_space<hbm>> -> memref<1x1x128xi32, #tpu.memory_space<hbm>>
    %dma_wait3A_37 = tpu.memref_squeeze %dma_wait3A_36 : memref<1x1x128xi32, #tpu.memory_space<hbm>> -> memref<128xi32, #tpu.memory_space<hbm>>
    %dma_wait3A_38 = arith.constant 0 : i32
    %dma_wait3A_39 = tpu.memref_slice %arg7[%dma_wait3A_31, %dma_wait3A_38] : memref<3x128xi32, #tpu.memory_space<vmem>> -> memref<1x128xi32, #tpu.memory_space<vmem>>
    %dma_wait3A_40 = tpu.memref_squeeze %dma_wait3A_39 : memref<1x128xi32, #tpu.memory_space<vmem>> -> memref<128xi32, #tpu.memory_space<vmem>>
    %dma_wait3A_41 = arith.constant 0 : i32
    %dma_wait3A_42 = tpu.memref_slice %arg3[%dma_wait3A, %dma_wait3A_30, %dma_wait3A_41] : memref<32x79x128xi32, #tpu.memory_space<hbm>> -> memref<1x1x128xi32, #tpu.memory_space<hbm>>
    %dma_wait3A_43 = tpu.memref_squeeze %dma_wait3A_42 : memref<1x1x128xi32, #tpu.memory_space<hbm>> -> memref<128xi32, #tpu.memory_space<hbm>>
    tpu.wait_dma2 semaphore(%arg11 : memref<!tpu.dma_semaphore, #tpu.memory_space<semaphore_mem>>) src(%dma_wait3A_43 : memref<128xi32, #tpu.memory_space<hbm>>) dst(%dma_wait3A_40 : memref<128xi32, #tpu.memory_space<vmem>>)
    %dma_wait3A_44 = arith.constant 0 : i32
    %dma_wait3A_45 = arith.constant 0 : i32
    %dma_wait3A_46 = arith.constant 0 : i32
    %dma_wait3A_47 = arith.constant 0 : i32
    %dma_wait3A_48 = tpu.memref_slice %arg8[%dma_wait3A_46, %dma_wait3A_47] : memref<3x128xi32, #tpu.memory_space<vmem>> -> memref<1x128xi32, #tpu.memory_space<vmem>>
    %dma_wait3A_49 = tpu.memref_squeeze %dma_wait3A_48 : memref<1x128xi32, #tpu.memory_space<vmem>> -> memref<128xi32, #tpu.memory_space<vmem>>
    %dma_wait3A_50 = arith.constant 0 : i32
    %dma_wait3A_51 = tpu.memref_slice %arg3[%dma_wait3A_44, %dma_wait3A_45, %dma_wait3A_50] : memref<32x79x128xi32, #tpu.memory_space<hbm>> -> memref<1x1x128xi32, #tpu.memory_space<hbm>>
    %dma_wait3A_52 = tpu.memref_squeeze %dma_wait3A_51 : memref<1x1x128xi32, #tpu.memory_space<hbm>> -> memref<128xi32, #tpu.memory_space<hbm>>
    %dma_wait3A_53 = arith.constant 0 : i32
    %dma_wait3A_54 = tpu.memref_slice %arg8[%dma_wait3A_46, %dma_wait3A_53] : memref<3x128xi32, #tpu.memory_space<vmem>> -> memref<1x128xi32, #tpu.memory_space<vmem>>
    %dma_wait3A_55 = tpu.memref_squeeze %dma_wait3A_54 : memref<1x128xi32, #tpu.memory_space<vmem>> -> memref<128xi32, #tpu.memory_space<vmem>>
    %dma_wait3A_56 = arith.constant 0 : i32
    %dma_wait3A_57 = tpu.memref_slice %arg3[%dma_wait3A_44, %dma_wait3A_45, %dma_wait3A_56] : memref<32x79x128xi32, #tpu.memory_space<hbm>> -> memref<1x1x128xi32, #tpu.memory_space<hbm>>
    %dma_wait3A_58 = tpu.memref_squeeze %dma_wait3A_57 : memref<1x1x128xi32, #tpu.memory_space<hbm>> -> memref<128xi32, #tpu.memory_space<hbm>>
    tpu.wait_dma2 semaphore(%arg11 : memref<!tpu.dma_semaphore, #tpu.memory_space<semaphore_mem>>) src(%dma_wait3A_58 : memref<128xi32, #tpu.memory_space<hbm>>) dst(%dma_wait3A_55 : memref<128xi32, #tpu.memory_space<vmem>>)
    %dma_start3A_59 = arith.constant 0 : i32
    %dma_start3A_60 = arith.constant 0 : i32
    %dma_start3A_61 = arith.constant 0 : i32
    %dma_start3A_62 = arith.constant 0 : i32
    %dma_start3A_63 = tpu.memref_slice %arg9[%dma_start3A_60, %dma_start3A_61, %dma_start3A_62] : memref<3x128x128xf32, #tpu.memory_space<vmem>> -> memref<1x128x128xf32, #tpu.memory_space<vmem>>
    %dma_start3A_64 = tpu.memref_squeeze %dma_start3A_63 : memref<1x128x128xf32, #tpu.memory_space<vmem>> -> memref<128x128xf32, #tpu.memory_space<vmem>>
    %dma_start3A_65 = arith.constant 0 : i32
    %dma_start3A_66 = tpu.memref_slice %arg7[%dma_start3A_59, %dma_start3A_65] : memref<3x128xi32, #tpu.memory_space<vmem>> -> memref<1x128xi32, #tpu.memory_space<vmem>>
    %dma_start3A_67 = tpu.memref_squeeze %dma_start3A_66 : memref<1x128xi32, #tpu.memory_space<vmem>> -> memref<128xi32, #tpu.memory_space<vmem>>
    %dma_start3A_68 = arith.constant 0 : i32
    %dma_start3A_69 = arith.constant 0 : i32
    %dma_start3A_70 = tpu.memref_slice %arg2[%dma_start3A_68, %dma_start3A_69] : memref<10000x128xf32, #tpu.memory_space<hbm>> -> memref<10000x128xf32, #tpu.memory_space<hbm>>
    tpu.enqueue_indirect_dma source(%dma_start3A_70 : memref<10000x128xf32, #tpu.memory_space<hbm>>) target(%dma_start3A_64 : memref<128x128xf32, #tpu.memory_space<vmem>>) offsets(%dma_start3A_67 : memref<128xi32, #tpu.memory_space<vmem>>) semaphore(%arg12 : memref<!tpu.dma_semaphore, #tpu.memory_space<semaphore_mem>>)
    %dma_start3A_71 = arith.constant 1 : i32
    %dma_start3A_72 = arith.constant 1 : i32
    %dma_start3A_73 = arith.constant 0 : i32
    %dma_start3A_74 = tpu.memref_slice %arg7[%dma_start3A_72, %dma_start3A_73] : memref<3x128xi32, #tpu.memory_space<vmem>> -> memref<1x128xi32, #tpu.memory_space<vmem>>
    %dma_start3A_75 = tpu.memref_squeeze %dma_start3A_74 : memref<1x128xi32, #tpu.memory_space<vmem>> -> memref<128xi32, #tpu.memory_space<vmem>>
    %dma_start3A_76 = arith.constant 0 : i32
    %dma_start3A_77 = tpu.memref_slice %arg3[%add3A, %dma_start3A_71, %dma_start3A_76] : memref<32x79x128xi32, #tpu.memory_space<hbm>> -> memref<1x1x128xi32, #tpu.memory_space<hbm>>
    %dma_start3A_78 = tpu.memref_squeeze %dma_start3A_77 : memref<1x1x128xi32, #tpu.memory_space<hbm>> -> memref<128xi32, #tpu.memory_space<hbm>>
    %dma_start3A_79 = arith.constant 0 : i32
    %dma_start3A_80 = tpu.memref_slice %arg7[%dma_start3A_72, %dma_start3A_79] : memref<3x128xi32, #tpu.memory_space<vmem>> -> memref<1x128xi32, #tpu.memory_space<vmem>>
    %dma_start3A_81 = tpu.memref_squeeze %dma_start3A_80 : memref<1x128xi32, #tpu.memory_space<vmem>> -> memref<128xi32, #tpu.memory_space<vmem>>
    %dma_start3A_82 = arith.constant 0 : i32
    %dma_start3A_83 = tpu.memref_slice %arg3[%add3A, %dma_start3A_71, %dma_start3A_82] : memref<32x79x128xi32, #tpu.memory_space<hbm>> -> memref<1x1x128xi32, #tpu.memory_space<hbm>>
    %dma_start3A_84 = tpu.memref_squeeze %dma_start3A_83 : memref<1x1x128xi32, #tpu.memory_space<hbm>> -> memref<128xi32, #tpu.memory_space<hbm>>
    tpu.enqueue_dma source(%dma_start3A_84 : memref<128xi32, #tpu.memory_space<hbm>>) target(%dma_start3A_81 : memref<128xi32, #tpu.memory_space<vmem>>) target_semaphore(%arg11 : memref<!tpu.dma_semaphore, #tpu.memory_space<semaphore_mem>>)
    %dma_start3A_85 = arith.constant 1 : i32
    %dma_start3A_86 = arith.constant 1 : i32
    %dma_start3A_87 = arith.constant 0 : i32
    %dma_start3A_88 = tpu.memref_slice %arg8[%dma_start3A_86, %dma_start3A_87] : memref<3x128xi32, #tpu.memory_space<vmem>> -> memref<1x128xi32, #tpu.memory_space<vmem>>
    %dma_start3A_89 = tpu.memref_squeeze %dma_start3A_88 : memref<1x128xi32, #tpu.memory_space<vmem>> -> memref<128xi32, #tpu.memory_space<vmem>>
    %dma_start3A_90 = arith.constant 0 : i32
    %dma_start3A_91 = tpu.memref_slice %arg4[%add3A, %dma_start3A_85, %dma_start3A_90] : memref<32x79x128xi32, #tpu.memory_space<hbm>> -> memref<1x1x128xi32, #tpu.memory_space<hbm>>
    %dma_start3A_92 = tpu.memref_squeeze %dma_start3A_91 : memref<1x1x128xi32, #tpu.memory_space<hbm>> -> memref<128xi32, #tpu.memory_space<hbm>>
    %dma_start3A_93 = arith.constant 0 : i32
    %dma_start3A_94 = tpu.memref_slice %arg8[%dma_start3A_86, %dma_start3A_93] : memref<3x128xi32, #tpu.memory_space<vmem>> -> memref<1x128xi32, #tpu.memory_space<vmem>>
    %dma_start3A_95 = tpu.memref_squeeze %dma_start3A_94 : memref<1x128xi32, #tpu.memory_space<vmem>> -> memref<128xi32, #tpu.memory_space<vmem>>
    %dma_start3A_96 = arith.constant 0 : i32
    %dma_start3A_97 = tpu.memref_slice %arg4[%add3A, %dma_start3A_85, %dma_start3A_96] : memref<32x79x128xi32, #tpu.memory_space<hbm>> -> memref<1x1x128xi32, #tpu.memory_space<hbm>>
    %dma_start3A_98 = tpu.memref_squeeze %dma_start3A_97 : memref<1x1x128xi32, #tpu.memory_space<hbm>> -> memref<128xi32, #tpu.memory_space<hbm>>
    tpu.enqueue_dma source(%dma_start3A_98 : memref<128xi32, #tpu.memory_space<hbm>>) target(%dma_start3A_95 : memref<128xi32, #tpu.memory_space<vmem>>) target_semaphore(%arg11 : memref<!tpu.dma_semaphore, #tpu.memory_space<semaphore_mem>>)
    %dma_wait3A_99 = arith.constant 0 : i32
    %dma_wait3A_100 = arith.constant 0 : i32
    %dma_wait3A_101 = arith.constant 0 : i32
    %dma_wait3A_102 = arith.constant 0 : i32
    %dma_wait3A_103 = tpu.memref_slice %arg9[%dma_wait3A_100, %dma_wait3A_101, %dma_wait3A_102] : memref<3x128x128xf32, #tpu.memory_space<vmem>> -> memref<1x128x128xf32, #tpu.memory_space<vmem>>
    %dma_wait3A_104 = tpu.memref_squeeze %dma_wait3A_103 : memref<1x128x128xf32, #tpu.memory_space<vmem>> -> memref<128x128xf32, #tpu.memory_space<vmem>>
    %dma_wait3A_105 = arith.constant 0 : i32
    %dma_wait3A_106 = tpu.memref_slice %arg7[%dma_wait3A_99, %dma_wait3A_105] : memref<3x128xi32, #tpu.memory_space<vmem>> -> memref<1x128xi32, #tpu.memory_space<vmem>>
    %dma_wait3A_107 = tpu.memref_squeeze %dma_wait3A_106 : memref<1x128xi32, #tpu.memory_space<vmem>> -> memref<128xi32, #tpu.memory_space<vmem>>
    %dma_wait3A_108 = arith.constant 0 : i32
    %dma_wait3A_109 = arith.constant 0 : i32
    %dma_wait3A_110 = tpu.memref_slice %arg2[%dma_wait3A_108, %dma_wait3A_109] : memref<10000x128xf32, #tpu.memory_space<hbm>> -> memref<10000x128xf32, #tpu.memory_space<hbm>>
    tpu.wait_indirect_dma semaphore(%arg12 : memref<!tpu.dma_semaphore, #tpu.memory_space<semaphore_mem>>) src(%dma_wait3A_110 : memref<10000x128xf32, #tpu.memory_space<hbm>>) dst(%dma_wait3A_104 : memref<128x128xf32, #tpu.memory_space<vmem>>)
    %dma_start3A_111 = arith.constant 2 : i32
    %dma_start3A_112 = arith.constant 2 : i32
    %dma_start3A_113 = arith.constant 0 : i32
    %dma_start3A_114 = tpu.memref_slice %arg7[%dma_start3A_112, %dma_start3A_113] : memref<3x128xi32, #tpu.memory_space<vmem>> -> memref<1x128xi32, #tpu.memory_space<vmem>>
    %dma_start3A_115 = tpu.memref_squeeze %dma_start3A_114 : memref<1x128xi32, #tpu.memory_space<vmem>> -> memref<128xi32, #tpu.memory_space<vmem>>
    %dma_start3A_116 = arith.constant 0 : i32
    %dma_start3A_117 = tpu.memref_slice %arg3[%add3A, %dma_start3A_111, %dma_start3A_116] : memref<32x79x128xi32, #tpu.memory_space<hbm>> -> memref<1x1x128xi32, #tpu.memory_space<hbm>>
    %dma_start3A_118 = tpu.memref_squeeze %dma_start3A_117 : memref<1x1x128xi32, #tpu.memory_space<hbm>> -> memref<128xi32, #tpu.memory_space<hbm>>
    %dma_start3A_119 = arith.constant 0 : i32
    %dma_start3A_120 = tpu.memref_slice %arg7[%dma_start3A_112, %dma_start3A_119] : memref<3x128xi32, #tpu.memory_space<vmem>> -> memref<1x128xi32, #tpu.memory_space<vmem>>
    %dma_start3A_121 = tpu.memref_squeeze %dma_start3A_120 : memref<1x128xi32, #tpu.memory_space<vmem>> -> memref<128xi32, #tpu.memory_space<vmem>>
    %dma_start3A_122 = arith.constant 0 : i32
    %dma_start3A_123 = tpu.memref_slice %arg3[%add3A, %dma_start3A_111, %dma_start3A_122] : memref<32x79x128xi32, #tpu.memory_space<hbm>> -> memref<1x1x128xi32, #tpu.memory_space<hbm>>
    %dma_start3A_124 = tpu.memref_squeeze %dma_start3A_123 : memref<1x1x128xi32, #tpu.memory_space<hbm>> -> memref<128xi32, #tpu.memory_space<hbm>>
    tpu.enqueue_dma source(%dma_start3A_124 : memref<128xi32, #tpu.memory_space<hbm>>) target(%dma_start3A_121 : memref<128xi32, #tpu.memory_space<vmem>>) target_semaphore(%arg11 : memref<!tpu.dma_semaphore, #tpu.memory_space<semaphore_mem>>)
    %dma_start3A_125 = arith.constant 2 : i32
    %dma_start3A_126 = arith.constant 2 : i32
    %dma_start3A_127 = arith.constant 0 : i32
    %dma_start3A_128 = tpu.memref_slice %arg8[%dma_start3A_126, %dma_start3A_127] : memref<3x128xi32, #tpu.memory_space<vmem>> -> memref<1x128xi32, #tpu.memory_space<vmem>>
    %dma_start3A_129 = tpu.memref_squeeze %dma_start3A_128 : memref<1x128xi32, #tpu.memory_space<vmem>> -> memref<128xi32, #tpu.memory_space<vmem>>
    %dma_start3A_130 = arith.constant 0 : i32
    %dma_start3A_131 = tpu.memref_slice %arg4[%add3A, %dma_start3A_125, %dma_start3A_130] : memref<32x79x128xi32, #tpu.memory_space<hbm>> -> memref<1x1x128xi32, #tpu.memory_space<hbm>>
    %dma_start3A_132 = tpu.memref_squeeze %dma_start3A_131 : memref<1x1x128xi32, #tpu.memory_space<hbm>> -> memref<128xi32, #tpu.memory_space<hbm>>
    %dma_start3A_133 = arith.constant 0 : i32
    %dma_start3A_134 = tpu.memref_slice %arg8[%dma_start3A_126, %dma_start3A_133] : memref<3x128xi32, #tpu.memory_space<vmem>> -> memref<1x128xi32, #tpu.memory_space<vmem>>
    %dma_start3A_135 = tpu.memref_squeeze %dma_start3A_134 : memref<1x128xi32, #tpu.memory_space<vmem>> -> memref<128xi32, #tpu.memory_space<vmem>>
    %dma_start3A_136 = arith.constant 0 : i32
    %dma_start3A_137 = tpu.memref_slice %arg4[%add3A, %dma_start3A_125, %dma_start3A_136] : memref<32x79x128xi32, #tpu.memory_space<hbm>> -> memref<1x1x128xi32, #tpu.memory_space<hbm>>
    %dma_start3A_138 = tpu.memref_squeeze %dma_start3A_137 : memref<1x1x128xi32, #tpu.memory_space<hbm>> -> memref<128xi32, #tpu.memory_space<hbm>>
    tpu.enqueue_dma source(%dma_start3A_138 : memref<128xi32, #tpu.memory_space<hbm>>) target(%dma_start3A_135 : memref<128xi32, #tpu.memory_space<vmem>>) target_semaphore(%arg11 : memref<!tpu.dma_semaphore, #tpu.memory_space<semaphore_mem>>)
    %dma_wait3A_139 = arith.constant 0 : i32
    %dma_wait3A_140 = arith.constant 0 : i32
    %dma_wait3A_141 = arith.constant 0 : i32
    %dma_wait3A_142 = arith.constant 0 : i32
    %dma_wait3A_143 = tpu.memref_slice %arg7[%dma_wait3A_141, %dma_wait3A_142] : memref<3x128xi32, #tpu.memory_space<vmem>> -> memref<1x128xi32, #tpu.memory_space<vmem>>
    %dma_wait3A_144 = tpu.memref_squeeze %dma_wait3A_143 : memref<1x128xi32, #tpu.memory_space<vmem>> -> memref<128xi32, #tpu.memory_space<vmem>>
    %dma_wait3A_145 = arith.constant 0 : i32
    %dma_wait3A_146 = tpu.memref_slice %arg3[%dma_wait3A_139, %dma_wait3A_140, %dma_wait3A_145] : memref<32x79x128xi32, #tpu.memory_space<hbm>> -> memref<1x1x128xi32, #tpu.memory_space<hbm>>
    %dma_wait3A_147 = tpu.memref_squeeze %dma_wait3A_146 : memref<1x1x128xi32, #tpu.memory_space<hbm>> -> memref<128xi32, #tpu.memory_space<hbm>>
    %dma_wait3A_148 = arith.constant 0 : i32
    %dma_wait3A_149 = tpu.memref_slice %arg7[%dma_wait3A_141, %dma_wait3A_148] : memref<3x128xi32, #tpu.memory_space<vmem>> -> memref<1x128xi32, #tpu.memory_space<vmem>>
    %dma_wait3A_150 = tpu.memref_squeeze %dma_wait3A_149 : memref<1x128xi32, #tpu.memory_space<vmem>> -> memref<128xi32, #tpu.memory_space<vmem>>
    %dma_wait3A_151 = arith.constant 0 : i32
    %dma_wait3A_152 = tpu.memref_slice %arg3[%dma_wait3A_139, %dma_wait3A_140, %dma_wait3A_151] : memref<32x79x128xi32, #tpu.memory_space<hbm>> -> memref<1x1x128xi32, #tpu.memory_space<hbm>>
    %dma_wait3A_153 = tpu.memref_squeeze %dma_wait3A_152 : memref<1x1x128xi32, #tpu.memory_space<hbm>> -> memref<128xi32, #tpu.memory_space<hbm>>
    tpu.wait_dma2 semaphore(%arg11 : memref<!tpu.dma_semaphore, #tpu.memory_space<semaphore_mem>>) src(%dma_wait3A_153 : memref<128xi32, #tpu.memory_space<hbm>>) dst(%dma_wait3A_150 : memref<128xi32, #tpu.memory_space<vmem>>)
    %dma_wait3A_154 = arith.constant 0 : i32
    %dma_wait3A_155 = arith.constant 0 : i32
    %dma_wait3A_156 = arith.constant 0 : i32
    %dma_wait3A_157 = arith.constant 0 : i32
    %dma_wait3A_158 = tpu.memref_slice %arg8[%dma_wait3A_156, %dma_wait3A_157] : memref<3x128xi32, #tpu.memory_space<vmem>> -> memref<1x128xi32, #tpu.memory_space<vmem>>
    %dma_wait3A_159 = tpu.memref_squeeze %dma_wait3A_158 : memref<1x128xi32, #tpu.memory_space<vmem>> -> memref<128xi32, #tpu.memory_space<vmem>>
    %dma_wait3A_160 = arith.constant 0 : i32
    %dma_wait3A_161 = tpu.memref_slice %arg3[%dma_wait3A_154, %dma_wait3A_155, %dma_wait3A_160] : memref<32x79x128xi32, #tpu.memory_space<hbm>> -> memref<1x1x128xi32, #tpu.memory_space<hbm>>
    %dma_wait3A_162 = tpu.memref_squeeze %dma_wait3A_161 : memref<1x1x128xi32, #tpu.memory_space<hbm>> -> memref<128xi32, #tpu.memory_space<hbm>>
    %dma_wait3A_163 = arith.constant 0 : i32
    %dma_wait3A_164 = tpu.memref_slice %arg8[%dma_wait3A_156, %dma_wait3A_163] : memref<3x128xi32, #tpu.memory_space<vmem>> -> memref<1x128xi32, #tpu.memory_space<vmem>>
    %dma_wait3A_165 = tpu.memref_squeeze %dma_wait3A_164 : memref<1x128xi32, #tpu.memory_space<vmem>> -> memref<128xi32, #tpu.memory_space<vmem>>
    %dma_wait3A_166 = arith.constant 0 : i32
    %dma_wait3A_167 = tpu.memref_slice %arg3[%dma_wait3A_154, %dma_wait3A_155, %dma_wait3A_166] : memref<32x79x128xi32, #tpu.memory_space<hbm>> -> memref<1x1x128xi32, #tpu.memory_space<hbm>>
    %dma_wait3A_168 = tpu.memref_squeeze %dma_wait3A_167 : memref<1x1x128xi32, #tpu.memory_space<hbm>> -> memref<128xi32, #tpu.memory_space<hbm>>
    tpu.wait_dma2 semaphore(%arg11 : memref<!tpu.dma_semaphore, #tpu.memory_space<semaphore_mem>>) src(%dma_wait3A_168 : memref<128xi32, #tpu.memory_space<hbm>>) dst(%dma_wait3A_165 : memref<128xi32, #tpu.memory_space<vmem>>)
    %dma_start3A_169 = arith.constant 1 : i32
    %dma_start3A_170 = arith.constant 1 : i32
    %dma_start3A_171 = arith.constant 0 : i32
    %dma_start3A_172 = arith.constant 0 : i32
    %dma_start3A_173 = tpu.memref_slice %arg9[%dma_start3A_170, %dma_start3A_171, %dma_start3A_172] : memref<3x128x128xf32, #tpu.memory_space<vmem>> -> memref<1x128x128xf32, #tpu.memory_space<vmem>>
    %dma_start3A_174 = tpu.memref_squeeze %dma_start3A_173 : memref<1x128x128xf32, #tpu.memory_space<vmem>> -> memref<128x128xf32, #tpu.memory_space<vmem>>
    %dma_start3A_175 = arith.constant 0 : i32
    %dma_start3A_176 = tpu.memref_slice %arg7[%dma_start3A_169, %dma_start3A_175] : memref<3x128xi32, #tpu.memory_space<vmem>> -> memref<1x128xi32, #tpu.memory_space<vmem>>
    %dma_start3A_177 = tpu.memref_squeeze %dma_start3A_176 : memref<1x128xi32, #tpu.memory_space<vmem>> -> memref<128xi32, #tpu.memory_space<vmem>>
    %dma_start3A_178 = arith.constant 0 : i32
    %dma_start3A_179 = arith.constant 0 : i32
    %dma_start3A_180 = tpu.memref_slice %arg2[%dma_start3A_178, %dma_start3A_179] : memref<10000x128xf32, #tpu.memory_space<hbm>> -> memref<10000x128xf32, #tpu.memory_space<hbm>>
    tpu.enqueue_indirect_dma source(%dma_start3A_180 : memref<10000x128xf32, #tpu.memory_space<hbm>>) target(%dma_start3A_174 : memref<128x128xf32, #tpu.memory_space<vmem>>) offsets(%dma_start3A_177 : memref<128xi32, #tpu.memory_space<vmem>>) semaphore(%arg12 : memref<!tpu.dma_semaphore, #tpu.memory_space<semaphore_mem>>)
    %dma_start3A_181 = arith.constant 0 : i32
    %dma_start3A_182 = arith.constant 0 : i32
    %dma_start3A_183 = arith.constant 0 : i32
    %dma_start3A_184 = arith.constant 0 : i32
    %dma_start3A_185 = tpu.memref_slice %arg9[%dma_start3A_181, %dma_start3A_183, %dma_start3A_184] : memref<3x128x128xf32, #tpu.memory_space<vmem>> -> memref<1x128x128xf32, #tpu.memory_space<vmem>>
    %dma_start3A_186 = tpu.memref_squeeze %dma_start3A_185 : memref<1x128x128xf32, #tpu.memory_space<vmem>> -> memref<128x128xf32, #tpu.memory_space<vmem>>
    %dma_start3A_187 = arith.constant 0 : i32
    %dma_start3A_188 = tpu.memref_slice %arg8[%dma_start3A_182, %dma_start3A_187] : memref<3x128xi32, #tpu.memory_space<vmem>> -> memref<1x128xi32, #tpu.memory_space<vmem>>
    %dma_start3A_189 = tpu.memref_squeeze %dma_start3A_188 : memref<1x128xi32, #tpu.memory_space<vmem>> -> memref<128xi32, #tpu.memory_space<vmem>>
    %dma_start3A_190 = arith.constant 0 : i32
    %dma_start3A_191 = arith.constant 0 : i32
    %dma_start3A_192 = tpu.memref_slice %arg10[%dma_start3A_190, %dma_start3A_191] : memref<10112x128xf32, #tpu.memory_space<vmem_shared>> -> memref<10112x128xf32, #tpu.memory_space<vmem_shared>>
    tpu.enqueue_indirect_dma source(%dma_start3A_186 : memref<128x128xf32, #tpu.memory_space<vmem>>) target(%dma_start3A_192 : memref<10112x128xf32, #tpu.memory_space<vmem_shared>>) offsets(%dma_start3A_189 : memref<128xi32, #tpu.memory_space<vmem>>) semaphore(%arg13 : memref<!tpu.dma_semaphore, #tpu.memory_space<semaphore_mem>>) {add = true}
    %scan3A = arith.constant 0 : i32
    %scan3A_193 = arith.constant 0 : i32
    %scan3A_194 = arith.constant 26 : i32
    %scan3A_195 = arith.addi %scan3A_193, %scan3A_194 : i32
    %scan3A_196 = arith.constant 1 : i32
    scf.for %scan3A_253 = %scan3A_193 to %scan3A_195 step %scan3A_196  : i32 {
      %mul3A_254 = arith.constant 3 : i32
      %mul3A_255 = arith.muli %mul3A_254, %scan3A_253 : i32
      %add3A_256 = arith.constant 1 : i32
      %add3A_257 = arith.addi %mul3A_255, %add3A_256 : i32
      %dma_wait3A_258 = arith.constant 0 : i32
      %dma_wait3A_259 = arith.constant 1 : i32
      %dma_wait3A_260 = arith.constant 0 : i32
      %dma_wait3A_261 = arith.constant 0 : i32
      %dma_wait3A_262 = tpu.memref_slice %arg9[%dma_wait3A_259, %dma_wait3A_260, %dma_wait3A_261] : memref<3x128x128xf32, #tpu.memory_space<vmem>> -> memref<1x128x128xf32, #tpu.memory_space<vmem>>
      %dma_wait3A_263 = tpu.memref_squeeze %dma_wait3A_262 : memref<1x128x128xf32, #tpu.memory_space<vmem>> -> memref<128x128xf32, #tpu.memory_space<vmem>>
      %dma_wait3A_264 = arith.constant 0 : i32
      %dma_wait3A_265 = tpu.memref_slice %arg7[%dma_wait3A_258, %dma_wait3A_264] : memref<3x128xi32, #tpu.memory_space<vmem>> -> memref<1x128xi32, #tpu.memory_space<vmem>>
      %dma_wait3A_266 = tpu.memref_squeeze %dma_wait3A_265 : memref<1x128xi32, #tpu.memory_space<vmem>> -> memref<128xi32, #tpu.memory_space<vmem>>
      %dma_wait3A_267 = arith.constant 0 : i32
      %dma_wait3A_268 = arith.constant 0 : i32
      %dma_wait3A_269 = tpu.memref_slice %arg2[%dma_wait3A_267, %dma_wait3A_268] : memref<10000x128xf32, #tpu.memory_space<hbm>> -> memref<10000x128xf32, #tpu.memory_space<hbm>>
      tpu.wait_indirect_dma semaphore(%arg12 : memref<!tpu.dma_semaphore, #tpu.memory_space<semaphore_mem>>) src(%dma_wait3A_269 : memref<10000x128xf32, #tpu.memory_space<hbm>>) dst(%dma_wait3A_263 : memref<128x128xf32, #tpu.memory_space<vmem>>)
      %dma_wait3A_270 = arith.constant 0 : i32
      %dma_wait3A_271 = arith.constant 0 : i32
      %dma_wait3A_272 = arith.constant 0 : i32
      %dma_wait3A_273 = arith.constant 0 : i32
      %dma_wait3A_274 = tpu.memref_slice %arg9[%dma_wait3A_270, %dma_wait3A_272, %dma_wait3A_273] : memref<3x128x128xf32, #tpu.memory_space<vmem>> -> memref<1x128x128xf32, #tpu.memory_space<vmem>>
      %dma_wait3A_275 = tpu.memref_squeeze %dma_wait3A_274 : memref<1x128x128xf32, #tpu.memory_space<vmem>> -> memref<128x128xf32, #tpu.memory_space<vmem>>
      %dma_wait3A_276 = arith.constant 0 : i32
      %dma_wait3A_277 = tpu.memref_slice %arg8[%dma_wait3A_271, %dma_wait3A_276] : memref<3x128xi32, #tpu.memory_space<vmem>> -> memref<1x128xi32, #tpu.memory_space<vmem>>
      %dma_wait3A_278 = tpu.memref_squeeze %dma_wait3A_277 : memref<1x128xi32, #tpu.memory_space<vmem>> -> memref<128xi32, #tpu.memory_space<vmem>>
      %dma_wait3A_279 = arith.constant 0 : i32
      %dma_wait3A_280 = arith.constant 0 : i32
      %dma_wait3A_281 = tpu.memref_slice %arg10[%dma_wait3A_279, %dma_wait3A_280] : memref<10112x128xf32, #tpu.memory_space<vmem_shared>> -> memref<10112x128xf32, #tpu.memory_space<vmem_shared>>
      tpu.wait_indirect_dma semaphore(%arg13 : memref<!tpu.dma_semaphore, #tpu.memory_space<semaphore_mem>>) src(%dma_wait3A_275 : memref<128x128xf32, #tpu.memory_space<vmem>>) dst(%dma_wait3A_281 : memref<10112x128xf32, #tpu.memory_space<vmem_shared>>)
      %add3A_282 = arith.constant 2 : i32
      %add3A_283 = arith.addi %add3A_257, %add3A_282 : i32
      %rem3A = arith.constant 79 : i32
      %rem3A_284 = arith.remsi %add3A_283, %rem3A : i32
      %dma_start3A_285 = arith.constant 0 : i32
      %dma_start3A_286 = arith.constant 0 : i32
      %dma_start3A_287 = tpu.memref_slice %arg7[%dma_start3A_285, %dma_start3A_286] : memref<3x128xi32, #tpu.memory_space<vmem>> -> memref<1x128xi32, #tpu.memory_space<vmem>>
      %dma_start3A_288 = tpu.memref_squeeze %dma_start3A_287 : memref<1x128xi32, #tpu.memory_space<vmem>> -> memref<128xi32, #tpu.memory_space<vmem>>
      %dma_start3A_289 = arith.constant 0 : i32
      %dma_start3A_290 = tpu.memref_slice %arg3[%add3A, %rem3A_284, %dma_start3A_289] : memref<32x79x128xi32, #tpu.memory_space<hbm>> -> memref<1x1x128xi32, #tpu.memory_space<hbm>>
      %dma_start3A_291 = tpu.memref_squeeze %dma_start3A_290 : memref<1x1x128xi32, #tpu.memory_space<hbm>> -> memref<128xi32, #tpu.memory_space<hbm>>
      %dma_start3A_292 = arith.constant 0 : i32
      %dma_start3A_293 = tpu.memref_slice %arg7[%dma_start3A_285, %dma_start3A_292] : memref<3x128xi32, #tpu.memory_space<vmem>> -> memref<1x128xi32, #tpu.memory_space<vmem>>
      %dma_start3A_294 = tpu.memref_squeeze %dma_start3A_293 : memref<1x128xi32, #tpu.memory_space<vmem>> -> memref<128xi32, #tpu.memory_space<vmem>>
      %dma_start3A_295 = arith.constant 0 : i32
      %dma_start3A_296 = tpu.memref_slice %arg3[%add3A, %rem3A_284, %dma_start3A_295] : memref<32x79x128xi32, #tpu.memory_space<hbm>> -> memref<1x1x128xi32, #tpu.memory_space<hbm>>
      %dma_start3A_297 = tpu.memref_squeeze %dma_start3A_296 : memref<1x1x128xi32, #tpu.memory_space<hbm>> -> memref<128xi32, #tpu.memory_space<hbm>>
      tpu.enqueue_dma source(%dma_start3A_297 : memref<128xi32, #tpu.memory_space<hbm>>) target(%dma_start3A_294 : memref<128xi32, #tpu.memory_space<vmem>>) target_semaphore(%arg11 : memref<!tpu.dma_semaphore, #tpu.memory_space<semaphore_mem>>)
      %dma_start3A_298 = arith.constant 0 : i32
      %dma_start3A_299 = arith.constant 0 : i32
      %dma_start3A_300 = tpu.memref_slice %arg8[%dma_start3A_298, %dma_start3A_299] : memref<3x128xi32, #tpu.memory_space<vmem>> -> memref<1x128xi32, #tpu.memory_space<vmem>>
      %dma_start3A_301 = tpu.memref_squeeze %dma_start3A_300 : memref<1x128xi32, #tpu.memory_space<vmem>> -> memref<128xi32, #tpu.memory_space<vmem>>
      %dma_start3A_302 = arith.constant 0 : i32
      %dma_start3A_303 = tpu.memref_slice %arg4[%add3A, %rem3A_284, %dma_start3A_302] : memref<32x79x128xi32, #tpu.memory_space<hbm>> -> memref<1x1x128xi32, #tpu.memory_space<hbm>>
      %dma_start3A_304 = tpu.memref_squeeze %dma_start3A_303 : memref<1x1x128xi32, #tpu.memory_space<hbm>> -> memref<128xi32, #tpu.memory_space<hbm>>
      %dma_start3A_305 = arith.constant 0 : i32
      %dma_start3A_306 = tpu.memref_slice %arg8[%dma_start3A_298, %dma_start3A_305] : memref<3x128xi32, #tpu.memory_space<vmem>> -> memref<1x128xi32, #tpu.memory_space<vmem>>
      %dma_start3A_307 = tpu.memref_squeeze %dma_start3A_306 : memref<1x128xi32, #tpu.memory_space<vmem>> -> memref<128xi32, #tpu.memory_space<vmem>>
      %dma_start3A_308 = arith.constant 0 : i32
      %dma_start3A_309 = tpu.memref_slice %arg4[%add3A, %rem3A_284, %dma_start3A_308] : memref<32x79x128xi32, #tpu.memory_space<hbm>> -> memref<1x1x128xi32, #tpu.memory_space<hbm>>
      %dma_start3A_310 = tpu.memref_squeeze %dma_start3A_309 : memref<1x1x128xi32, #tpu.memory_space<hbm>> -> memref<128xi32, #tpu.memory_space<hbm>>
      tpu.enqueue_dma source(%dma_start3A_310 : memref<128xi32, #tpu.memory_space<hbm>>) target(%dma_start3A_307 : memref<128xi32, #tpu.memory_space<vmem>>) target_semaphore(%arg11 : memref<!tpu.dma_semaphore, #tpu.memory_space<semaphore_mem>>)
      %dma_wait3A_311 = arith.constant 0 : i32
      %dma_wait3A_312 = arith.constant 0 : i32
      %dma_wait3A_313 = arith.constant 0 : i32
      %dma_wait3A_314 = arith.constant 0 : i32
      %dma_wait3A_315 = tpu.memref_slice %arg7[%dma_wait3A_313, %dma_wait3A_314] : memref<3x128xi32, #tpu.memory_space<vmem>> -> memref<1x128xi32, #tpu.memory_space<vmem>>
      %dma_wait3A_316 = tpu.memref_squeeze %dma_wait3A_315 : memref<1x128xi32, #tpu.memory_space<vmem>> -> memref<128xi32, #tpu.memory_space<vmem>>
      %dma_wait3A_317 = arith.constant 0 : i32
      %dma_wait3A_318 = tpu.memref_slice %arg3[%dma_wait3A_311, %dma_wait3A_312, %dma_wait3A_317] : memref<32x79x128xi32, #tpu.memory_space<hbm>> -> memref<1x1x128xi32, #tpu.memory_space<hbm>>
      %dma_wait3A_319 = tpu.memref_squeeze %dma_wait3A_318 : memref<1x1x128xi32, #tpu.memory_space<hbm>> -> memref<128xi32, #tpu.memory_space<hbm>>
      %dma_wait3A_320 = arith.constant 0 : i32
      %dma_wait3A_321 = tpu.memref_slice %arg7[%dma_wait3A_313, %dma_wait3A_320] : memref<3x128xi32, #tpu.memory_space<vmem>> -> memref<1x128xi32, #tpu.memory_space<vmem>>
      %dma_wait3A_322 = tpu.memref_squeeze %dma_wait3A_321 : memref<1x128xi32, #tpu.memory_space<vmem>> -> memref<128xi32, #tpu.memory_space<vmem>>
      %dma_wait3A_323 = arith.constant 0 : i32
      %dma_wait3A_324 = tpu.memref_slice %arg3[%dma_wait3A_311, %dma_wait3A_312, %dma_wait3A_323] : memref<32x79x128xi32, #tpu.memory_space<hbm>> -> memref<1x1x128xi32, #tpu.memory_space<hbm>>
      %dma_wait3A_325 = tpu.memref_squeeze %dma_wait3A_324 : memref<1x1x128xi32, #tpu.memory_space<hbm>> -> memref<128xi32, #tpu.memory_space<hbm>>
      tpu.wait_dma2 semaphore(%arg11 : memref<!tpu.dma_semaphore, #tpu.memory_space<semaphore_mem>>) src(%dma_wait3A_325 : memref<128xi32, #tpu.memory_space<hbm>>) dst(%dma_wait3A_322 : memref<128xi32, #tpu.memory_space<vmem>>)
      %dma_wait3A_326 = arith.constant 0 : i32
      %dma_wait3A_327 = arith.constant 0 : i32
      %dma_wait3A_328 = arith.constant 0 : i32
      %dma_wait3A_329 = arith.constant 0 : i32
      %dma_wait3A_330 = tpu.memref_slice %arg8[%dma_wait3A_328, %dma_wait3A_329] : memref<3x128xi32, #tpu.memory_space<vmem>> -> memref<1x128xi32, #tpu.memory_space<vmem>>
      %dma_wait3A_331 = tpu.memref_squeeze %dma_wait3A_330 : memref<1x128xi32, #tpu.memory_space<vmem>> -> memref<128xi32, #tpu.memory_space<vmem>>
      %dma_wait3A_332 = arith.constant 0 : i32
      %dma_wait3A_333 = tpu.memref_slice %arg3[%dma_wait3A_326, %dma_wait3A_327, %dma_wait3A_332] : memref<32x79x128xi32, #tpu.memory_space<hbm>> -> memref<1x1x128xi32, #tpu.memory_space<hbm>>
      %dma_wait3A_334 = tpu.memref_squeeze %dma_wait3A_333 : memref<1x1x128xi32, #tpu.memory_space<hbm>> -> memref<128xi32, #tpu.memory_space<hbm>>
      %dma_wait3A_335 = arith.constant 0 : i32
      %dma_wait3A_336 = tpu.memref_slice %arg8[%dma_wait3A_328, %dma_wait3A_335] : memref<3x128xi32, #tpu.memory_space<vmem>> -> memref<1x128xi32, #tpu.memory_space<vmem>>
      %dma_wait3A_337 = tpu.memref_squeeze %dma_wait3A_336 : memref<1x128xi32, #tpu.memory_space<vmem>> -> memref<128xi32, #tpu.memory_space<vmem>>
      %dma_wait3A_338 = arith.constant 0 : i32
      %dma_wait3A_339 = tpu.memref_slice %arg3[%dma_wait3A_326, %dma_wait3A_327, %dma_wait3A_338] : memref<32x79x128xi32, #tpu.memory_space<hbm>> -> memref<1x1x128xi32, #tpu.memory_space<hbm>>
      %dma_wait3A_340 = tpu.memref_squeeze %dma_wait3A_339 : memref<1x1x128xi32, #tpu.memory_space<hbm>> -> memref<128xi32, #tpu.memory_space<hbm>>
      tpu.wait_dma2 semaphore(%arg11 : memref<!tpu.dma_semaphore, #tpu.memory_space<semaphore_mem>>) src(%dma_wait3A_340 : memref<128xi32, #tpu.memory_space<hbm>>) dst(%dma_wait3A_337 : memref<128xi32, #tpu.memory_space<vmem>>)
      %dma_start3A_341 = arith.constant 2 : i32
      %dma_start3A_342 = arith.constant 2 : i32
      %dma_start3A_343 = arith.constant 0 : i32
      %dma_start3A_344 = arith.constant 0 : i32
      %dma_start3A_345 = tpu.memref_slice %arg9[%dma_start3A_342, %dma_start3A_343, %dma_start3A_344] : memref<3x128x128xf32, #tpu.memory_space<vmem>> -> memref<1x128x128xf32, #tpu.memory_space<vmem>>
      %dma_start3A_346 = tpu.memref_squeeze %dma_start3A_345 : memref<1x128x128xf32, #tpu.memory_space<vmem>> -> memref<128x128xf32, #tpu.memory_space<vmem>>
      %dma_start3A_347 = arith.constant 0 : i32
      %dma_start3A_348 = tpu.memref_slice %arg7[%dma_start3A_341, %dma_start3A_347] : memref<3x128xi32, #tpu.memory_space<vmem>> -> memref<1x128xi32, #tpu.memory_space<vmem>>
      %dma_start3A_349 = tpu.memref_squeeze %dma_start3A_348 : memref<1x128xi32, #tpu.memory_space<vmem>> -> memref<128xi32, #tpu.memory_space<vmem>>
      %dma_start3A_350 = arith.constant 0 : i32
      %dma_start3A_351 = arith.constant 0 : i32
      %dma_start3A_352 = tpu.memref_slice %arg2[%dma_start3A_350, %dma_start3A_351] : memref<10000x128xf32, #tpu.memory_space<hbm>> -> memref<10000x128xf32, #tpu.memory_space<hbm>>
      tpu.enqueue_indirect_dma source(%dma_start3A_352 : memref<10000x128xf32, #tpu.memory_space<hbm>>) target(%dma_start3A_346 : memref<128x128xf32, #tpu.memory_space<vmem>>) offsets(%dma_start3A_349 : memref<128xi32, #tpu.memory_space<vmem>>) semaphore(%arg12 : memref<!tpu.dma_semaphore, #tpu.memory_space<semaphore_mem>>)
      %dma_start3A_353 = arith.constant 1 : i32
      %dma_start3A_354 = arith.constant 1 : i32
      %dma_start3A_355 = arith.constant 0 : i32
      %dma_start3A_356 = arith.constant 0 : i32
      %dma_start3A_357 = tpu.memref_slice %arg9[%dma_start3A_353, %dma_start3A_355, %dma_start3A_356] : memref<3x128x128xf32, #tpu.memory_space<vmem>> -> memref<1x128x128xf32, #tpu.memory_space<vmem>>
      %dma_start3A_358 = tpu.memref_squeeze %dma_start3A_357 : memref<1x128x128xf32, #tpu.memory_space<vmem>> -> memref<128x128xf32, #tpu.memory_space<vmem>>
      %dma_start3A_359 = arith.constant 0 : i32
      %dma_start3A_360 = tpu.memref_slice %arg8[%dma_start3A_354, %dma_start3A_359] : memref<3x128xi32, #tpu.memory_space<vmem>> -> memref<1x128xi32, #tpu.memory_space<vmem>>
      %dma_start3A_361 = tpu.memref_squeeze %dma_start3A_360 : memref<1x128xi32, #tpu.memory_space<vmem>> -> memref<128xi32, #tpu.memory_space<vmem>>
      %dma_start3A_362 = arith.constant 0 : i32
      %dma_start3A_363 = arith.constant 0 : i32
      %dma_start3A_364 = tpu.memref_slice %arg10[%dma_start3A_362, %dma_start3A_363] : memref<10112x128xf32, #tpu.memory_space<vmem_shared>> -> memref<10112x128xf32, #tpu.memory_space<vmem_shared>>
      tpu.enqueue_indirect_dma source(%dma_start3A_358 : memref<128x128xf32, #tpu.memory_space<vmem>>) target(%dma_start3A_364 : memref<10112x128xf32, #tpu.memory_space<vmem_shared>>) offsets(%dma_start3A_361 : memref<128xi32, #tpu.memory_space<vmem>>) semaphore(%arg13 : memref<!tpu.dma_semaphore, #tpu.memory_space<semaphore_mem>>) {add = true}
      %mul3A_365 = arith.constant 3 : i32
      %mul3A_366 = arith.muli %mul3A_365, %scan3A_253 : i32
      %add3A_367 = arith.constant 2 : i32
      %add3A_368 = arith.addi %mul3A_366, %add3A_367 : i32
      %dma_wait3A_369 = arith.constant 0 : i32
      %dma_wait3A_370 = arith.constant 2 : i32
      %dma_wait3A_371 = arith.constant 0 : i32
      %dma_wait3A_372 = arith.constant 0 : i32
      %dma_wait3A_373 = tpu.memref_slice %arg9[%dma_wait3A_370, %dma_wait3A_371, %dma_wait3A_372] : memref<3x128x128xf32, #tpu.memory_space<vmem>> -> memref<1x128x128xf32, #tpu.memory_space<vmem>>
      %dma_wait3A_374 = tpu.memref_squeeze %dma_wait3A_373 : memref<1x128x128xf32, #tpu.memory_space<vmem>> -> memref<128x128xf32, #tpu.memory_space<vmem>>
      %dma_wait3A_375 = arith.constant 0 : i32
      %dma_wait3A_376 = tpu.memref_slice %arg7[%dma_wait3A_369, %dma_wait3A_375] : memref<3x128xi32, #tpu.memory_space<vmem>> -> memref<1x128xi32, #tpu.memory_space<vmem>>
      %dma_wait3A_377 = tpu.memref_squeeze %dma_wait3A_376 : memref<1x128xi32, #tpu.memory_space<vmem>> -> memref<128xi32, #tpu.memory_space<vmem>>
      %dma_wait3A_378 = arith.constant 0 : i32
      %dma_wait3A_379 = arith.constant 0 : i32
      %dma_wait3A_380 = tpu.memref_slice %arg2[%dma_wait3A_378, %dma_wait3A_379] : memref<10000x128xf32, #tpu.memory_space<hbm>> -> memref<10000x128xf32, #tpu.memory_space<hbm>>
      tpu.wait_indirect_dma semaphore(%arg12 : memref<!tpu.dma_semaphore, #tpu.memory_space<semaphore_mem>>) src(%dma_wait3A_380 : memref<10000x128xf32, #tpu.memory_space<hbm>>) dst(%dma_wait3A_374 : memref<128x128xf32, #tpu.memory_space<vmem>>)
      %dma_wait3A_381 = arith.constant 1 : i32
      %dma_wait3A_382 = arith.constant 0 : i32
      %dma_wait3A_383 = arith.constant 0 : i32
      %dma_wait3A_384 = arith.constant 0 : i32
      %dma_wait3A_385 = tpu.memref_slice %arg9[%dma_wait3A_381, %dma_wait3A_383, %dma_wait3A_384] : memref<3x128x128xf32, #tpu.memory_space<vmem>> -> memref<1x128x128xf32, #tpu.memory_space<vmem>>
      %dma_wait3A_386 = tpu.memref_squeeze %dma_wait3A_385 : memref<1x128x128xf32, #tpu.memory_space<vmem>> -> memref<128x128xf32, #tpu.memory_space<vmem>>
      %dma_wait3A_387 = arith.constant 0 : i32
      %dma_wait3A_388 = tpu.memref_slice %arg8[%dma_wait3A_382, %dma_wait3A_387] : memref<3x128xi32, #tpu.memory_space<vmem>> -> memref<1x128xi32, #tpu.memory_space<vmem>>
      %dma_wait3A_389 = tpu.memref_squeeze %dma_wait3A_388 : memref<1x128xi32, #tpu.memory_space<vmem>> -> memref<128xi32, #tpu.memory_space<vmem>>
      %dma_wait3A_390 = arith.constant 0 : i32
      %dma_wait3A_391 = arith.constant 0 : i32
      %dma_wait3A_392 = tpu.memref_slice %arg10[%dma_wait3A_390, %dma_wait3A_391] : memref<10112x128xf32, #tpu.memory_space<vmem_shared>> -> memref<10112x128xf32, #tpu.memory_space<vmem_shared>>
      tpu.wait_indirect_dma semaphore(%arg13 : memref<!tpu.dma_semaphore, #tpu.memory_space<semaphore_mem>>) src(%dma_wait3A_386 : memref<128x128xf32, #tpu.memory_space<vmem>>) dst(%dma_wait3A_392 : memref<10112x128xf32, #tpu.memory_space<vmem_shared>>)
      %add3A_393 = arith.constant 2 : i32
      %add3A_394 = arith.addi %add3A_368, %add3A_393 : i32
      %rem3A_395 = arith.constant 79 : i32
      %rem3A_396 = arith.remsi %add3A_394, %rem3A_395 : i32
      %dma_start3A_397 = arith.constant 1 : i32
      %dma_start3A_398 = arith.constant 0 : i32
      %dma_start3A_399 = tpu.memref_slice %arg7[%dma_start3A_397, %dma_start3A_398] : memref<3x128xi32, #tpu.memory_space<vmem>> -> memref<1x128xi32, #tpu.memory_space<vmem>>
      %dma_start3A_400 = tpu.memref_squeeze %dma_start3A_399 : memref<1x128xi32, #tpu.memory_space<vmem>> -> memref<128xi32, #tpu.memory_space<vmem>>
      %dma_start3A_401 = arith.constant 0 : i32
      %dma_start3A_402 = tpu.memref_slice %arg3[%add3A, %rem3A_396, %dma_start3A_401] : memref<32x79x128xi32, #tpu.memory_space<hbm>> -> memref<1x1x128xi32, #tpu.memory_space<hbm>>
      %dma_start3A_403 = tpu.memref_squeeze %dma_start3A_402 : memref<1x1x128xi32, #tpu.memory_space<hbm>> -> memref<128xi32, #tpu.memory_space<hbm>>
      %dma_start3A_404 = arith.constant 0 : i32
      %dma_start3A_405 = tpu.memref_slice %arg7[%dma_start3A_397, %dma_start3A_404] : memref<3x128xi32, #tpu.memory_space<vmem>> -> memref<1x128xi32, #tpu.memory_space<vmem>>
      %dma_start3A_406 = tpu.memref_squeeze %dma_start3A_405 : memref<1x128xi32, #tpu.memory_space<vmem>> -> memref<128xi32, #tpu.memory_space<vmem>>
      %dma_start3A_407 = arith.constant 0 : i32
      %dma_start3A_408 = tpu.memref_slice %arg3[%add3A, %rem3A_396, %dma_start3A_407] : memref<32x79x128xi32, #tpu.memory_space<hbm>> -> memref<1x1x128xi32, #tpu.memory_space<hbm>>
      %dma_start3A_409 = tpu.memref_squeeze %dma_start3A_408 : memref<1x1x128xi32, #tpu.memory_space<hbm>> -> memref<128xi32, #tpu.memory_space<hbm>>
      tpu.enqueue_dma source(%dma_start3A_409 : memref<128xi32, #tpu.memory_space<hbm>>) target(%dma_start3A_406 : memref<128xi32, #tpu.memory_space<vmem>>) target_semaphore(%arg11 : memref<!tpu.dma_semaphore, #tpu.memory_space<semaphore_mem>>)
      %dma_start3A_410 = arith.constant 1 : i32
      %dma_start3A_411 = arith.constant 0 : i32
      %dma_start3A_412 = tpu.memref_slice %arg8[%dma_start3A_410, %dma_start3A_411] : memref<3x128xi32, #tpu.memory_space<vmem>> -> memref<1x128xi32, #tpu.memory_space<vmem>>
      %dma_start3A_413 = tpu.memref_squeeze %dma_start3A_412 : memref<1x128xi32, #tpu.memory_space<vmem>> -> memref<128xi32, #tpu.memory_space<vmem>>
      %dma_start3A_414 = arith.constant 0 : i32
      %dma_start3A_415 = tpu.memref_slice %arg4[%add3A, %rem3A_396, %dma_start3A_414] : memref<32x79x128xi32, #tpu.memory_space<hbm>> -> memref<1x1x128xi32, #tpu.memory_space<hbm>>
      %dma_start3A_416 = tpu.memref_squeeze %dma_start3A_415 : memref<1x1x128xi32, #tpu.memory_space<hbm>> -> memref<128xi32, #tpu.memory_space<hbm>>
      %dma_start3A_417 = arith.constant 0 : i32
      %dma_start3A_418 = tpu.memref_slice %arg8[%dma_start3A_410, %dma_start3A_417] : memref<3x128xi32, #tpu.memory_space<vmem>> -> memref<1x128xi32, #tpu.memory_space<vmem>>
      %dma_start3A_419 = tpu.memref_squeeze %dma_start3A_418 : memref<1x128xi32, #tpu.memory_space<vmem>> -> memref<128xi32, #tpu.memory_space<vmem>>
      %dma_start3A_420 = arith.constant 0 : i32
      %dma_start3A_421 = tpu.memref_slice %arg4[%add3A, %rem3A_396, %dma_start3A_420] : memref<32x79x128xi32, #tpu.memory_space<hbm>> -> memref<1x1x128xi32, #tpu.memory_space<hbm>>
      %dma_start3A_422 = tpu.memref_squeeze %dma_start3A_421 : memref<1x1x128xi32, #tpu.memory_space<hbm>> -> memref<128xi32, #tpu.memory_space<hbm>>
      tpu.enqueue_dma source(%dma_start3A_422 : memref<128xi32, #tpu.memory_space<hbm>>) target(%dma_start3A_419 : memref<128xi32, #tpu.memory_space<vmem>>) target_semaphore(%arg11 : memref<!tpu.dma_semaphore, #tpu.memory_space<semaphore_mem>>)
      %dma_wait3A_423 = arith.constant 0 : i32
      %dma_wait3A_424 = arith.constant 0 : i32
      %dma_wait3A_425 = arith.constant 0 : i32
      %dma_wait3A_426 = arith.constant 0 : i32
      %dma_wait3A_427 = tpu.memref_slice %arg7[%dma_wait3A_425, %dma_wait3A_426] : memref<3x128xi32, #tpu.memory_space<vmem>> -> memref<1x128xi32, #tpu.memory_space<vmem>>
      %dma_wait3A_428 = tpu.memref_squeeze %dma_wait3A_427 : memref<1x128xi32, #tpu.memory_space<vmem>> -> memref<128xi32, #tpu.memory_space<vmem>>
      %dma_wait3A_429 = arith.constant 0 : i32
      %dma_wait3A_430 = tpu.memref_slice %arg3[%dma_wait3A_423, %dma_wait3A_424, %dma_wait3A_429] : memref<32x79x128xi32, #tpu.memory_space<hbm>> -> memref<1x1x128xi32, #tpu.memory_space<hbm>>
      %dma_wait3A_431 = tpu.memref_squeeze %dma_wait3A_430 : memref<1x1x128xi32, #tpu.memory_space<hbm>> -> memref<128xi32, #tpu.memory_space<hbm>>
      %dma_wait3A_432 = arith.constant 0 : i32
      %dma_wait3A_433 = tpu.memref_slice %arg7[%dma_wait3A_425, %dma_wait3A_432] : memref<3x128xi32, #tpu.memory_space<vmem>> -> memref<1x128xi32, #tpu.memory_space<vmem>>
      %dma_wait3A_434 = tpu.memref_squeeze %dma_wait3A_433 : memref<1x128xi32, #tpu.memory_space<vmem>> -> memref<128xi32, #tpu.memory_space<vmem>>
      %dma_wait3A_435 = arith.constant 0 : i32
      %dma_wait3A_436 = tpu.memref_slice %arg3[%dma_wait3A_423, %dma_wait3A_424, %dma_wait3A_435] : memref<32x79x128xi32, #tpu.memory_space<hbm>> -> memref<1x1x128xi32, #tpu.memory_space<hbm>>
      %dma_wait3A_437 = tpu.memref_squeeze %dma_wait3A_436 : memref<1x1x128xi32, #tpu.memory_space<hbm>> -> memref<128xi32, #tpu.memory_space<hbm>>
      tpu.wait_dma2 semaphore(%arg11 : memref<!tpu.dma_semaphore, #tpu.memory_space<semaphore_mem>>) src(%dma_wait3A_437 : memref<128xi32, #tpu.memory_space<hbm>>) dst(%dma_wait3A_434 : memref<128xi32, #tpu.memory_space<vmem>>)
      %dma_wait3A_438 = arith.constant 0 : i32
      %dma_wait3A_439 = arith.constant 0 : i32
      %dma_wait3A_440 = arith.constant 0 : i32
      %dma_wait3A_441 = arith.constant 0 : i32
      %dma_wait3A_442 = tpu.memref_slice %arg8[%dma_wait3A_440, %dma_wait3A_441] : memref<3x128xi32, #tpu.memory_space<vmem>> -> memref<1x128xi32, #tpu.memory_space<vmem>>
      %dma_wait3A_443 = tpu.memref_squeeze %dma_wait3A_442 : memref<1x128xi32, #tpu.memory_space<vmem>> -> memref<128xi32, #tpu.memory_space<vmem>>
      %dma_wait3A_444 = arith.constant 0 : i32
      %dma_wait3A_445 = tpu.memref_slice %arg3[%dma_wait3A_438, %dma_wait3A_439, %dma_wait3A_444] : memref<32x79x128xi32, #tpu.memory_space<hbm>> -> memref<1x1x128xi32, #tpu.memory_space<hbm>>
      %dma_wait3A_446 = tpu.memref_squeeze %dma_wait3A_445 : memref<1x1x128xi32, #tpu.memory_space<hbm>> -> memref<128xi32, #tpu.memory_space<hbm>>
      %dma_wait3A_447 = arith.constant 0 : i32
      %dma_wait3A_448 = tpu.memref_slice %arg8[%dma_wait3A_440, %dma_wait3A_447] : memref<3x128xi32, #tpu.memory_space<vmem>> -> memref<1x128xi32, #tpu.memory_space<vmem>>
      %dma_wait3A_449 = tpu.memref_squeeze %dma_wait3A_448 : memref<1x128xi32, #tpu.memory_space<vmem>> -> memref<128xi32, #tpu.memory_space<vmem>>
      %dma_wait3A_450 = arith.constant 0 : i32
      %dma_wait3A_451 = tpu.memref_slice %arg3[%dma_wait3A_438, %dma_wait3A_439, %dma_wait3A_450] : memref<32x79x128xi32, #tpu.memory_space<hbm>> -> memref<1x1x128xi32, #tpu.memory_space<hbm>>
      %dma_wait3A_452 = tpu.memref_squeeze %dma_wait3A_451 : memref<1x1x128xi32, #tpu.memory_space<hbm>> -> memref<128xi32, #tpu.memory_space<hbm>>
      tpu.wait_dma2 semaphore(%arg11 : memref<!tpu.dma_semaphore, #tpu.memory_space<semaphore_mem>>) src(%dma_wait3A_452 : memref<128xi32, #tpu.memory_space<hbm>>) dst(%dma_wait3A_449 : memref<128xi32, #tpu.memory_space<vmem>>)
      %dma_start3A_453 = arith.constant 0 : i32
      %dma_start3A_454 = arith.constant 0 : i32
      %dma_start3A_455 = arith.constant 0 : i32
      %dma_start3A_456 = arith.constant 0 : i32
      %dma_start3A_457 = tpu.memref_slice %arg9[%dma_start3A_454, %dma_start3A_455, %dma_start3A_456] : memref<3x128x128xf32, #tpu.memory_space<vmem>> -> memref<1x128x128xf32, #tpu.memory_space<vmem>>
      %dma_start3A_458 = tpu.memref_squeeze %dma_start3A_457 : memref<1x128x128xf32, #tpu.memory_space<vmem>> -> memref<128x128xf32, #tpu.memory_space<vmem>>
      %dma_start3A_459 = arith.constant 0 : i32
      %dma_start3A_460 = tpu.memref_slice %arg7[%dma_start3A_453, %dma_start3A_459] : memref<3x128xi32, #tpu.memory_space<vmem>> -> memref<1x128xi32, #tpu.memory_space<vmem>>
      %dma_start3A_461 = tpu.memref_squeeze %dma_start3A_460 : memref<1x128xi32, #tpu.memory_space<vmem>> -> memref<128xi32, #tpu.memory_space<vmem>>
      %dma_start3A_462 = arith.constant 0 : i32
      %dma_start3A_463 = arith.constant 0 : i32
      %dma_start3A_464 = tpu.memref_slice %arg2[%dma_start3A_462, %dma_start3A_463] : memref<10000x128xf32, #tpu.memory_space<hbm>> -> memref<10000x128xf32, #tpu.memory_space<hbm>>
      tpu.enqueue_indirect_dma source(%dma_start3A_464 : memref<10000x128xf32, #tpu.memory_space<hbm>>) target(%dma_start3A_458 : memref<128x128xf32, #tpu.memory_space<vmem>>) offsets(%dma_start3A_461 : memref<128xi32, #tpu.memory_space<vmem>>) semaphore(%arg12 : memref<!tpu.dma_semaphore, #tpu.memory_space<semaphore_mem>>)
      %dma_start3A_465 = arith.constant 2 : i32
      %dma_start3A_466 = arith.constant 2 : i32
      %dma_start3A_467 = arith.constant 0 : i32
      %dma_start3A_468 = arith.constant 0 : i32
      %dma_start3A_469 = tpu.memref_slice %arg9[%dma_start3A_465, %dma_start3A_467, %dma_start3A_468] : memref<3x128x128xf32, #tpu.memory_space<vmem>> -> memref<1x128x128xf32, #tpu.memory_space<vmem>>
      %dma_start3A_470 = tpu.memref_squeeze %dma_start3A_469 : memref<1x128x128xf32, #tpu.memory_space<vmem>> -> memref<128x128xf32, #tpu.memory_space<vmem>>
      %dma_start3A_471 = arith.constant 0 : i32
      %dma_start3A_472 = tpu.memref_slice %arg8[%dma_start3A_466, %dma_start3A_471] : memref<3x128xi32, #tpu.memory_space<vmem>> -> memref<1x128xi32, #tpu.memory_space<vmem>>
      %dma_start3A_473 = tpu.memref_squeeze %dma_start3A_472 : memref<1x128xi32, #tpu.memory_space<vmem>> -> memref<128xi32, #tpu.memory_space<vmem>>
      %dma_start3A_474 = arith.constant 0 : i32
      %dma_start3A_475 = arith.constant 0 : i32
      %dma_start3A_476 = tpu.memref_slice %arg10[%dma_start3A_474, %dma_start3A_475] : memref<10112x128xf32, #tpu.memory_space<vmem_shared>> -> memref<10112x128xf32, #tpu.memory_space<vmem_shared>>
      tpu.enqueue_indirect_dma source(%dma_start3A_470 : memref<128x128xf32, #tpu.memory_space<vmem>>) target(%dma_start3A_476 : memref<10112x128xf32, #tpu.memory_space<vmem_shared>>) offsets(%dma_start3A_473 : memref<128xi32, #tpu.memory_space<vmem>>) semaphore(%arg13 : memref<!tpu.dma_semaphore, #tpu.memory_space<semaphore_mem>>) {add = true}
      %mul3A_477 = arith.constant 3 : i32
      %mul3A_478 = arith.muli %mul3A_477, %scan3A_253 : i32
      %add3A_479 = arith.constant 3 : i32
      %add3A_480 = arith.addi %mul3A_478, %add3A_479 : i32
      %dma_wait3A_481 = arith.constant 0 : i32
      %dma_wait3A_482 = arith.constant 0 : i32
      %dma_wait3A_483 = arith.constant 0 : i32
      %dma_wait3A_484 = arith.constant 0 : i32
      %dma_wait3A_485 = tpu.memref_slice %arg9[%dma_wait3A_482, %dma_wait3A_483, %dma_wait3A_484] : memref<3x128x128xf32, #tpu.memory_space<vmem>> -> memref<1x128x128xf32, #tpu.memory_space<vmem>>
      %dma_wait3A_486 = tpu.memref_squeeze %dma_wait3A_485 : memref<1x128x128xf32, #tpu.memory_space<vmem>> -> memref<128x128xf32, #tpu.memory_space<vmem>>
      %dma_wait3A_487 = arith.constant 0 : i32
      %dma_wait3A_488 = tpu.memref_slice %arg7[%dma_wait3A_481, %dma_wait3A_487] : memref<3x128xi32, #tpu.memory_space<vmem>> -> memref<1x128xi32, #tpu.memory_space<vmem>>
      %dma_wait3A_489 = tpu.memref_squeeze %dma_wait3A_488 : memref<1x128xi32, #tpu.memory_space<vmem>> -> memref<128xi32, #tpu.memory_space<vmem>>
      %dma_wait3A_490 = arith.constant 0 : i32
      %dma_wait3A_491 = arith.constant 0 : i32
      %dma_wait3A_492 = tpu.memref_slice %arg2[%dma_wait3A_490, %dma_wait3A_491] : memref<10000x128xf32, #tpu.memory_space<hbm>> -> memref<10000x128xf32, #tpu.memory_space<hbm>>
      tpu.wait_indirect_dma semaphore(%arg12 : memref<!tpu.dma_semaphore, #tpu.memory_space<semaphore_mem>>) src(%dma_wait3A_492 : memref<10000x128xf32, #tpu.memory_space<hbm>>) dst(%dma_wait3A_486 : memref<128x128xf32, #tpu.memory_space<vmem>>)
      %dma_wait3A_493 = arith.constant 2 : i32
      %dma_wait3A_494 = arith.constant 0 : i32
      %dma_wait3A_495 = arith.constant 0 : i32
      %dma_wait3A_496 = arith.constant 0 : i32
      %dma_wait3A_497 = tpu.memref_slice %arg9[%dma_wait3A_493, %dma_wait3A_495, %dma_wait3A_496] : memref<3x128x128xf32, #tpu.memory_space<vmem>> -> memref<1x128x128xf32, #tpu.memory_space<vmem>>
      %dma_wait3A_498 = tpu.memref_squeeze %dma_wait3A_497 : memref<1x128x128xf32, #tpu.memory_space<vmem>> -> memref<128x128xf32, #tpu.memory_space<vmem>>
      %dma_wait3A_499 = arith.constant 0 : i32
      %dma_wait3A_500 = tpu.memref_slice %arg8[%dma_wait3A_494, %dma_wait3A_499] : memref<3x128xi32, #tpu.memory_space<vmem>> -> memref<1x128xi32, #tpu.memory_space<vmem>>
      %dma_wait3A_501 = tpu.memref_squeeze %dma_wait3A_500 : memref<1x128xi32, #tpu.memory_space<vmem>> -> memref<128xi32, #tpu.memory_space<vmem>>
      %dma_wait3A_502 = arith.constant 0 : i32
      %dma_wait3A_503 = arith.constant 0 : i32
      %dma_wait3A_504 = tpu.memref_slice %arg10[%dma_wait3A_502, %dma_wait3A_503] : memref<10112x128xf32, #tpu.memory_space<vmem_shared>> -> memref<10112x128xf32, #tpu.memory_space<vmem_shared>>
      tpu.wait_indirect_dma semaphore(%arg13 : memref<!tpu.dma_semaphore, #tpu.memory_space<semaphore_mem>>) src(%dma_wait3A_498 : memref<128x128xf32, #tpu.memory_space<vmem>>) dst(%dma_wait3A_504 : memref<10112x128xf32, #tpu.memory_space<vmem_shared>>)
      %add3A_505 = arith.constant 2 : i32
      %add3A_506 = arith.addi %add3A_480, %add3A_505 : i32
      %rem3A_507 = arith.constant 79 : i32
      %rem3A_508 = arith.remsi %add3A_506, %rem3A_507 : i32
      %dma_start3A_509 = arith.constant 2 : i32
      %dma_start3A_510 = arith.constant 0 : i32
      %dma_start3A_511 = tpu.memref_slice %arg7[%dma_start3A_509, %dma_start3A_510] : memref<3x128xi32, #tpu.memory_space<vmem>> -> memref<1x128xi32, #tpu.memory_space<vmem>>
      %dma_start3A_512 = tpu.memref_squeeze %dma_start3A_511 : memref<1x128xi32, #tpu.memory_space<vmem>> -> memref<128xi32, #tpu.memory_space<vmem>>
      %dma_start3A_513 = arith.constant 0 : i32
      %dma_start3A_514 = tpu.memref_slice %arg3[%add3A, %rem3A_508, %dma_start3A_513] : memref<32x79x128xi32, #tpu.memory_space<hbm>> -> memref<1x1x128xi32, #tpu.memory_space<hbm>>
      %dma_start3A_515 = tpu.memref_squeeze %dma_start3A_514 : memref<1x1x128xi32, #tpu.memory_space<hbm>> -> memref<128xi32, #tpu.memory_space<hbm>>
      %dma_start3A_516 = arith.constant 0 : i32
      %dma_start3A_517 = tpu.memref_slice %arg7[%dma_start3A_509, %dma_start3A_516] : memref<3x128xi32, #tpu.memory_space<vmem>> -> memref<1x128xi32, #tpu.memory_space<vmem>>
      %dma_start3A_518 = tpu.memref_squeeze %dma_start3A_517 : memref<1x128xi32, #tpu.memory_space<vmem>> -> memref<128xi32, #tpu.memory_space<vmem>>
      %dma_start3A_519 = arith.constant 0 : i32
      %dma_start3A_520 = tpu.memref_slice %arg3[%add3A, %rem3A_508, %dma_start3A_519] : memref<32x79x128xi32, #tpu.memory_space<hbm>> -> memref<1x1x128xi32, #tpu.memory_space<hbm>>
      %dma_start3A_521 = tpu.memref_squeeze %dma_start3A_520 : memref<1x1x128xi32, #tpu.memory_space<hbm>> -> memref<128xi32, #tpu.memory_space<hbm>>
      tpu.enqueue_dma source(%dma_start3A_521 : memref<128xi32, #tpu.memory_space<hbm>>) target(%dma_start3A_518 : memref<128xi32, #tpu.memory_space<vmem>>) target_semaphore(%arg11 : memref<!tpu.dma_semaphore, #tpu.memory_space<semaphore_mem>>)
      %dma_start3A_522 = arith.constant 2 : i32
      %dma_start3A_523 = arith.constant 0 : i32
      %dma_start3A_524 = tpu.memref_slice %arg8[%dma_start3A_522, %dma_start3A_523] : memref<3x128xi32, #tpu.memory_space<vmem>> -> memref<1x128xi32, #tpu.memory_space<vmem>>
      %dma_start3A_525 = tpu.memref_squeeze %dma_start3A_524 : memref<1x128xi32, #tpu.memory_space<vmem>> -> memref<128xi32, #tpu.memory_space<vmem>>
      %dma_start3A_526 = arith.constant 0 : i32
      %dma_start3A_527 = tpu.memref_slice %arg4[%add3A, %rem3A_508, %dma_start3A_526] : memref<32x79x128xi32, #tpu.memory_space<hbm>> -> memref<1x1x128xi32, #tpu.memory_space<hbm>>
      %dma_start3A_528 = tpu.memref_squeeze %dma_start3A_527 : memref<1x1x128xi32, #tpu.memory_space<hbm>> -> memref<128xi32, #tpu.memory_space<hbm>>
      %dma_start3A_529 = arith.constant 0 : i32
      %dma_start3A_530 = tpu.memref_slice %arg8[%dma_start3A_522, %dma_start3A_529] : memref<3x128xi32, #tpu.memory_space<vmem>> -> memref<1x128xi32, #tpu.memory_space<vmem>>
      %dma_start3A_531 = tpu.memref_squeeze %dma_start3A_530 : memref<1x128xi32, #tpu.memory_space<vmem>> -> memref<128xi32, #tpu.memory_space<vmem>>
      %dma_start3A_532 = arith.constant 0 : i32
      %dma_start3A_533 = tpu.memref_slice %arg4[%add3A, %rem3A_508, %dma_start3A_532] : memref<32x79x128xi32, #tpu.memory_space<hbm>> -> memref<1x1x128xi32, #tpu.memory_space<hbm>>
      %dma_start3A_534 = tpu.memref_squeeze %dma_start3A_533 : memref<1x1x128xi32, #tpu.memory_space<hbm>> -> memref<128xi32, #tpu.memory_space<hbm>>
      tpu.enqueue_dma source(%dma_start3A_534 : memref<128xi32, #tpu.memory_space<hbm>>) target(%dma_start3A_531 : memref<128xi32, #tpu.memory_space<vmem>>) target_semaphore(%arg11 : memref<!tpu.dma_semaphore, #tpu.memory_space<semaphore_mem>>)
      %dma_wait3A_535 = arith.constant 0 : i32
      %dma_wait3A_536 = arith.constant 0 : i32
      %dma_wait3A_537 = arith.constant 0 : i32
      %dma_wait3A_538 = arith.constant 0 : i32
      %dma_wait3A_539 = tpu.memref_slice %arg7[%dma_wait3A_537, %dma_wait3A_538] : memref<3x128xi32, #tpu.memory_space<vmem>> -> memref<1x128xi32, #tpu.memory_space<vmem>>
      %dma_wait3A_540 = tpu.memref_squeeze %dma_wait3A_539 : memref<1x128xi32, #tpu.memory_space<vmem>> -> memref<128xi32, #tpu.memory_space<vmem>>
      %dma_wait3A_541 = arith.constant 0 : i32
      %dma_wait3A_542 = tpu.memref_slice %arg3[%dma_wait3A_535, %dma_wait3A_536, %dma_wait3A_541] : memref<32x79x128xi32, #tpu.memory_space<hbm>> -> memref<1x1x128xi32, #tpu.memory_space<hbm>>
      %dma_wait3A_543 = tpu.memref_squeeze %dma_wait3A_542 : memref<1x1x128xi32, #tpu.memory_space<hbm>> -> memref<128xi32, #tpu.memory_space<hbm>>
      %dma_wait3A_544 = arith.constant 0 : i32
      %dma_wait3A_545 = tpu.memref_slice %arg7[%dma_wait3A_537, %dma_wait3A_544] : memref<3x128xi32, #tpu.memory_space<vmem>> -> memref<1x128xi32, #tpu.memory_space<vmem>>
      %dma_wait3A_546 = tpu.memref_squeeze %dma_wait3A_545 : memref<1x128xi32, #tpu.memory_space<vmem>> -> memref<128xi32, #tpu.memory_space<vmem>>
      %dma_wait3A_547 = arith.constant 0 : i32
      %dma_wait3A_548 = tpu.memref_slice %arg3[%dma_wait3A_535, %dma_wait3A_536, %dma_wait3A_547] : memref<32x79x128xi32, #tpu.memory_space<hbm>> -> memref<1x1x128xi32, #tpu.memory_space<hbm>>
      %dma_wait3A_549 = tpu.memref_squeeze %dma_wait3A_548 : memref<1x1x128xi32, #tpu.memory_space<hbm>> -> memref<128xi32, #tpu.memory_space<hbm>>
      tpu.wait_dma2 semaphore(%arg11 : memref<!tpu.dma_semaphore, #tpu.memory_space<semaphore_mem>>) src(%dma_wait3A_549 : memref<128xi32, #tpu.memory_space<hbm>>) dst(%dma_wait3A_546 : memref<128xi32, #tpu.memory_space<vmem>>)
      %dma_wait3A_550 = arith.constant 0 : i32
      %dma_wait3A_551 = arith.constant 0 : i32
      %dma_wait3A_552 = arith.constant 0 : i32
      %dma_wait3A_553 = arith.constant 0 : i32
      %dma_wait3A_554 = tpu.memref_slice %arg8[%dma_wait3A_552, %dma_wait3A_553] : memref<3x128xi32, #tpu.memory_space<vmem>> -> memref<1x128xi32, #tpu.memory_space<vmem>>
      %dma_wait3A_555 = tpu.memref_squeeze %dma_wait3A_554 : memref<1x128xi32, #tpu.memory_space<vmem>> -> memref<128xi32, #tpu.memory_space<vmem>>
      %dma_wait3A_556 = arith.constant 0 : i32
      %dma_wait3A_557 = tpu.memref_slice %arg3[%dma_wait3A_550, %dma_wait3A_551, %dma_wait3A_556] : memref<32x79x128xi32, #tpu.memory_space<hbm>> -> memref<1x1x128xi32, #tpu.memory_space<hbm>>
      %dma_wait3A_558 = tpu.memref_squeeze %dma_wait3A_557 : memref<1x1x128xi32, #tpu.memory_space<hbm>> -> memref<128xi32, #tpu.memory_space<hbm>>
      %dma_wait3A_559 = arith.constant 0 : i32
      %dma_wait3A_560 = tpu.memref_slice %arg8[%dma_wait3A_552, %dma_wait3A_559] : memref<3x128xi32, #tpu.memory_space<vmem>> -> memref<1x128xi32, #tpu.memory_space<vmem>>
      %dma_wait3A_561 = tpu.memref_squeeze %dma_wait3A_560 : memref<1x128xi32, #tpu.memory_space<vmem>> -> memref<128xi32, #tpu.memory_space<vmem>>
      %dma_wait3A_562 = arith.constant 0 : i32
      %dma_wait3A_563 = tpu.memref_slice %arg3[%dma_wait3A_550, %dma_wait3A_551, %dma_wait3A_562] : memref<32x79x128xi32, #tpu.memory_space<hbm>> -> memref<1x1x128xi32, #tpu.memory_space<hbm>>
      %dma_wait3A_564 = tpu.memref_squeeze %dma_wait3A_563 : memref<1x1x128xi32, #tpu.memory_space<hbm>> -> memref<128xi32, #tpu.memory_space<hbm>>
      tpu.wait_dma2 semaphore(%arg11 : memref<!tpu.dma_semaphore, #tpu.memory_space<semaphore_mem>>) src(%dma_wait3A_564 : memref<128xi32, #tpu.memory_space<hbm>>) dst(%dma_wait3A_561 : memref<128xi32, #tpu.memory_space<vmem>>)
      %dma_start3A_565 = arith.constant 1 : i32
      %dma_start3A_566 = arith.constant 1 : i32
      %dma_start3A_567 = arith.constant 0 : i32
      %dma_start3A_568 = arith.constant 0 : i32
      %dma_start3A_569 = tpu.memref_slice %arg9[%dma_start3A_566, %dma_start3A_567, %dma_start3A_568] : memref<3x128x128xf32, #tpu.memory_space<vmem>> -> memref<1x128x128xf32, #tpu.memory_space<vmem>>
      %dma_start3A_570 = tpu.memref_squeeze %dma_start3A_569 : memref<1x128x128xf32, #tpu.memory_space<vmem>> -> memref<128x128xf32, #tpu.memory_space<vmem>>
      %dma_start3A_571 = arith.constant 0 : i32
      %dma_start3A_572 = tpu.memref_slice %arg7[%dma_start3A_565, %dma_start3A_571] : memref<3x128xi32, #tpu.memory_space<vmem>> -> memref<1x128xi32, #tpu.memory_space<vmem>>
      %dma_start3A_573 = tpu.memref_squeeze %dma_start3A_572 : memref<1x128xi32, #tpu.memory_space<vmem>> -> memref<128xi32, #tpu.memory_space<vmem>>
      %dma_start3A_574 = arith.constant 0 : i32
      %dma_start3A_575 = arith.constant 0 : i32
      %dma_start3A_576 = tpu.memref_slice %arg2[%dma_start3A_574, %dma_start3A_575] : memref<10000x128xf32, #tpu.memory_space<hbm>> -> memref<10000x128xf32, #tpu.memory_space<hbm>>
      tpu.enqueue_indirect_dma source(%dma_start3A_576 : memref<10000x128xf32, #tpu.memory_space<hbm>>) target(%dma_start3A_570 : memref<128x128xf32, #tpu.memory_space<vmem>>) offsets(%dma_start3A_573 : memref<128xi32, #tpu.memory_space<vmem>>) semaphore(%arg12 : memref<!tpu.dma_semaphore, #tpu.memory_space<semaphore_mem>>)
      %dma_start3A_577 = arith.constant 0 : i32
      %dma_start3A_578 = arith.constant 0 : i32
      %dma_start3A_579 = arith.constant 0 : i32
      %dma_start3A_580 = arith.constant 0 : i32
      %dma_start3A_581 = tpu.memref_slice %arg9[%dma_start3A_577, %dma_start3A_579, %dma_start3A_580] : memref<3x128x128xf32, #tpu.memory_space<vmem>> -> memref<1x128x128xf32, #tpu.memory_space<vmem>>
      %dma_start3A_582 = tpu.memref_squeeze %dma_start3A_581 : memref<1x128x128xf32, #tpu.memory_space<vmem>> -> memref<128x128xf32, #tpu.memory_space<vmem>>
      %dma_start3A_583 = arith.constant 0 : i32
      %dma_start3A_584 = tpu.memref_slice %arg8[%dma_start3A_578, %dma_start3A_583] : memref<3x128xi32, #tpu.memory_space<vmem>> -> memref<1x128xi32, #tpu.memory_space<vmem>>
      %dma_start3A_585 = tpu.memref_squeeze %dma_start3A_584 : memref<1x128xi32, #tpu.memory_space<vmem>> -> memref<128xi32, #tpu.memory_space<vmem>>
      %dma_start3A_586 = arith.constant 0 : i32
      %dma_start3A_587 = arith.constant 0 : i32
      %dma_start3A_588 = tpu.memref_slice %arg10[%dma_start3A_586, %dma_start3A_587] : memref<10112x128xf32, #tpu.memory_space<vmem_shared>> -> memref<10112x128xf32, #tpu.memory_space<vmem_shared>>
      tpu.enqueue_indirect_dma source(%dma_start3A_582 : memref<128x128xf32, #tpu.memory_space<vmem>>) target(%dma_start3A_588 : memref<10112x128xf32, #tpu.memory_space<vmem_shared>>) offsets(%dma_start3A_585 : memref<128xi32, #tpu.memory_space<vmem>>) semaphore(%arg13 : memref<!tpu.dma_semaphore, #tpu.memory_space<semaphore_mem>>) {add = true}
    }
    %scan3A_197 = arith.constant 26 : i32
    %dma_wait3A_198 = arith.constant 0 : i32
    %dma_wait3A_199 = arith.constant 0 : i32
    %dma_wait3A_200 = arith.constant 0 : i32
    %dma_wait3A_201 = arith.constant 0 : i32
    %dma_wait3A_202 = tpu.memref_slice %arg9[%dma_wait3A_198, %dma_wait3A_200, %dma_wait3A_201] : memref<3x128x128xf32, #tpu.memory_space<vmem>> -> memref<1x128x128xf32, #tpu.memory_space<vmem>>
    %dma_wait3A_203 = tpu.memref_squeeze %dma_wait3A_202 : memref<1x128x128xf32, #tpu.memory_space<vmem>> -> memref<128x128xf32, #tpu.memory_space<vmem>>
    %dma_wait3A_204 = arith.constant 0 : i32
    %dma_wait3A_205 = tpu.memref_slice %arg8[%dma_wait3A_199, %dma_wait3A_204] : memref<3x128xi32, #tpu.memory_space<vmem>> -> memref<1x128xi32, #tpu.memory_space<vmem>>
    %dma_wait3A_206 = tpu.memref_squeeze %dma_wait3A_205 : memref<1x128xi32, #tpu.memory_space<vmem>> -> memref<128xi32, #tpu.memory_space<vmem>>
    %dma_wait3A_207 = arith.constant 0 : i32
    %dma_wait3A_208 = arith.constant 0 : i32
    %dma_wait3A_209 = tpu.memref_slice %arg10[%dma_wait3A_207, %dma_wait3A_208] : memref<10112x128xf32, #tpu.memory_space<vmem_shared>> -> memref<10112x128xf32, #tpu.memory_space<vmem_shared>>
    tpu.wait_indirect_dma semaphore(%arg13 : memref<!tpu.dma_semaphore, #tpu.memory_space<semaphore_mem>>) src(%dma_wait3A_203 : memref<128x128xf32, #tpu.memory_space<vmem>>) dst(%dma_wait3A_209 : memref<10112x128xf32, #tpu.memory_space<vmem_shared>>)
    %dma_wait3A_210 = arith.constant 0 : i32
    %dma_wait3A_211 = arith.constant 1 : i32
    %dma_wait3A_212 = arith.constant 0 : i32
    %dma_wait3A_213 = arith.constant 0 : i32
    %dma_wait3A_214 = tpu.memref_slice %arg9[%dma_wait3A_211, %dma_wait3A_212, %dma_wait3A_213] : memref<3x128x128xf32, #tpu.memory_space<vmem>> -> memref<1x128x128xf32, #tpu.memory_space<vmem>>
    %dma_wait3A_215 = tpu.memref_squeeze %dma_wait3A_214 : memref<1x128x128xf32, #tpu.memory_space<vmem>> -> memref<128x128xf32, #tpu.memory_space<vmem>>
    %dma_wait3A_216 = arith.constant 0 : i32
    %dma_wait3A_217 = tpu.memref_slice %arg7[%dma_wait3A_210, %dma_wait3A_216] : memref<3x128xi32, #tpu.memory_space<vmem>> -> memref<1x128xi32, #tpu.memory_space<vmem>>
    %dma_wait3A_218 = tpu.memref_squeeze %dma_wait3A_217 : memref<1x128xi32, #tpu.memory_space<vmem>> -> memref<128xi32, #tpu.memory_space<vmem>>
    %dma_wait3A_219 = arith.constant 0 : i32
    %dma_wait3A_220 = arith.constant 0 : i32
    %dma_wait3A_221 = tpu.memref_slice %arg2[%dma_wait3A_219, %dma_wait3A_220] : memref<10000x128xf32, #tpu.memory_space<hbm>> -> memref<10000x128xf32, #tpu.memory_space<hbm>>
    tpu.wait_indirect_dma semaphore(%arg12 : memref<!tpu.dma_semaphore, #tpu.memory_space<semaphore_mem>>) src(%dma_wait3A_221 : memref<10000x128xf32, #tpu.memory_space<hbm>>) dst(%dma_wait3A_215 : memref<128x128xf32, #tpu.memory_space<vmem>>)
    %dma_wait3A_222 = arith.constant 0 : i32
    %dma_wait3A_223 = arith.constant 0 : i32
    %dma_wait3A_224 = arith.constant 0 : i32
    %dma_wait3A_225 = arith.constant 0 : i32
    %dma_wait3A_226 = tpu.memref_slice %arg7[%dma_wait3A_224, %dma_wait3A_225] : memref<3x128xi32, #tpu.memory_space<vmem>> -> memref<1x128xi32, #tpu.memory_space<vmem>>
    %dma_wait3A_227 = tpu.memref_squeeze %dma_wait3A_226 : memref<1x128xi32, #tpu.memory_space<vmem>> -> memref<128xi32, #tpu.memory_space<vmem>>
    %dma_wait3A_228 = arith.constant 0 : i32
    %dma_wait3A_229 = tpu.memref_slice %arg3[%dma_wait3A_222, %dma_wait3A_223, %dma_wait3A_228] : memref<32x79x128xi32, #tpu.memory_space<hbm>> -> memref<1x1x128xi32, #tpu.memory_space<hbm>>
    %dma_wait3A_230 = tpu.memref_squeeze %dma_wait3A_229 : memref<1x1x128xi32, #tpu.memory_space<hbm>> -> memref<128xi32, #tpu.memory_space<hbm>>
    %dma_wait3A_231 = arith.constant 0 : i32
    %dma_wait3A_232 = tpu.memref_slice %arg7[%dma_wait3A_224, %dma_wait3A_231] : memref<3x128xi32, #tpu.memory_space<vmem>> -> memref<1x128xi32, #tpu.memory_space<vmem>>
    %dma_wait3A_233 = tpu.memref_squeeze %dma_wait3A_232 : memref<1x128xi32, #tpu.memory_space<vmem>> -> memref<128xi32, #tpu.memory_space<vmem>>
    %dma_wait3A_234 = arith.constant 0 : i32
    %dma_wait3A_235 = tpu.memref_slice %arg3[%dma_wait3A_222, %dma_wait3A_223, %dma_wait3A_234] : memref<32x79x128xi32, #tpu.memory_space<hbm>> -> memref<1x1x128xi32, #tpu.memory_space<hbm>>
    %dma_wait3A_236 = tpu.memref_squeeze %dma_wait3A_235 : memref<1x1x128xi32, #tpu.memory_space<hbm>> -> memref<128xi32, #tpu.memory_space<hbm>>
    tpu.wait_dma2 semaphore(%arg11 : memref<!tpu.dma_semaphore, #tpu.memory_space<semaphore_mem>>) src(%dma_wait3A_236 : memref<128xi32, #tpu.memory_space<hbm>>) dst(%dma_wait3A_233 : memref<128xi32, #tpu.memory_space<vmem>>)
    %dma_wait3A_237 = arith.constant 0 : i32
    %dma_wait3A_238 = arith.constant 0 : i32
    %dma_wait3A_239 = arith.constant 0 : i32
    %dma_wait3A_240 = arith.constant 0 : i32
    %dma_wait3A_241 = tpu.memref_slice %arg8[%dma_wait3A_239, %dma_wait3A_240] : memref<3x128xi32, #tpu.memory_space<vmem>> -> memref<1x128xi32, #tpu.memory_space<vmem>>
    %dma_wait3A_242 = tpu.memref_squeeze %dma_wait3A_241 : memref<1x128xi32, #tpu.memory_space<vmem>> -> memref<128xi32, #tpu.memory_space<vmem>>
    %dma_wait3A_243 = arith.constant 0 : i32
    %dma_wait3A_244 = tpu.memref_slice %arg3[%dma_wait3A_237, %dma_wait3A_238, %dma_wait3A_243] : memref<32x79x128xi32, #tpu.memory_space<hbm>> -> memref<1x1x128xi32, #tpu.memory_space<hbm>>
    %dma_wait3A_245 = tpu.memref_squeeze %dma_wait3A_244 : memref<1x1x128xi32, #tpu.memory_space<hbm>> -> memref<128xi32, #tpu.memory_space<hbm>>
    %dma_wait3A_246 = arith.constant 0 : i32
    %dma_wait3A_247 = tpu.memref_slice %arg8[%dma_wait3A_239, %dma_wait3A_246] : memref<3x128xi32, #tpu.memory_space<vmem>> -> memref<1x128xi32, #tpu.memory_space<vmem>>
    %dma_wait3A_248 = tpu.memref_squeeze %dma_wait3A_247 : memref<1x128xi32, #tpu.memory_space<vmem>> -> memref<128xi32, #tpu.memory_space<vmem>>
    %dma_wait3A_249 = arith.constant 0 : i32
    %dma_wait3A_250 = tpu.memref_slice %arg3[%dma_wait3A_237, %dma_wait3A_238, %dma_wait3A_249] : memref<32x79x128xi32, #tpu.memory_space<hbm>> -> memref<1x1x128xi32, #tpu.memory_space<hbm>>
    %dma_wait3A_251 = tpu.memref_squeeze %dma_wait3A_250 : memref<1x1x128xi32, #tpu.memory_space<hbm>> -> memref<128xi32, #tpu.memory_space<hbm>>
    tpu.wait_dma2 semaphore(%arg11 : memref<!tpu.dma_semaphore, #tpu.memory_space<semaphore_mem>>) src(%dma_wait3A_251 : memref<128xi32, #tpu.memory_space<hbm>>) dst(%dma_wait3A_248 : memref<128xi32, #tpu.memory_space<vmem>>)
    %barrier3A_252 = arith.constant 0 : index
    tpu.barrier barrier_id(%barrier3A_252)
    "tpu.region"() ({
      %run_scoped3A = tpu.sem_alloc : memref<!tpu.dma_semaphore, #tpu.memory_space<semaphore_mem>>
      %dma_start3A_253 = arith.constant 0 : i32
      %dma_start3A_254 = tpu.memref_slice %arg6[%arg0, %mul3A_2, %dma_start3A_253] : memref<2x10112x128xf32, #tpu.memory_space<hbm>> -> memref<1x632x128xf32, #tpu.memory_space<hbm>>
      %dma_start3A_255 = tpu.memref_squeeze %dma_start3A_254 : memref<1x632x128xf32, #tpu.memory_space<hbm>> -> memref<632x128xf32, #tpu.memory_space<hbm>>
      %dma_start3A_256 = arith.constant 0 : i32
      %dma_start3A_257 = tpu.memref_slice %arg10[%mul3A_2, %dma_start3A_256] : memref<10112x128xf32, #tpu.memory_space<vmem_shared>> -> memref<632x128xf32, #tpu.memory_space<vmem_shared>>
      tpu.enqueue_dma source(%dma_start3A_257 : memref<632x128xf32, #tpu.memory_space<vmem_shared>>) target(%dma_start3A_255 : memref<632x128xf32, #tpu.memory_space<hbm>>) target_semaphore(%run_scoped3A : memref<!tpu.dma_semaphore, #tpu.memory_space<semaphore_mem>>)
      %dma_wait3A_258 = arith.constant 0 : i32
      %dma_wait3A_259 = tpu.memref_slice %arg6[%arg0, %mul3A_2, %dma_wait3A_258] : memref<2x10112x128xf32, #tpu.memory_space<hbm>> -> memref<1x632x128xf32, #tpu.memory_space<hbm>>
      %dma_wait3A_260 = tpu.memref_squeeze %dma_wait3A_259 : memref<1x632x128xf32, #tpu.memory_space<hbm>> -> memref<632x128xf32, #tpu.memory_space<hbm>>
      %dma_wait3A_261 = arith.constant 0 : i32
      %dma_wait3A_262 = tpu.memref_slice %arg10[%mul3A_2, %dma_wait3A_261] : memref<10112x128xf32, #tpu.memory_space<vmem_shared>> -> memref<632x128xf32, #tpu.memory_space<vmem_shared>>
      tpu.wait_dma2 semaphore(%run_scoped3A : memref<!tpu.dma_semaphore, #tpu.memory_space<semaphore_mem>>) src(%dma_wait3A_262 : memref<632x128xf32, #tpu.memory_space<vmem_shared>>) dst(%dma_wait3A_260 : memref<632x128xf32, #tpu.memory_space<hbm>>)
      tpu.yield
    }) : () -> ()
    return
  }
}

#map = affine_map<(d0, d1) -> (0, 0)>
#map1 = affine_map<(d0, d1) -> (0, 0, 0)>
module attributes {stable_mosaic.version = 14 : i64} {
  func.func @_sc_scatter_body(%arg0: i32, %arg1: i32, %arg2: memref<10000x128xf32, #tpu.memory_space<hbm>>, %arg3: memref<32x79x128xi32, #tpu.memory_space<hbm>>, %arg4: memref<32x79x128xi32, #tpu.memory_space<hbm>>, %arg5: memref<10112x128xf32, #tpu.memory_space<hbm>>, %arg6: memref<2x10112x128xf32, #tpu.memory_space<hbm>>, %arg7: memref<3x128xi32, #tpu.memory_space<vmem>>, %arg8: memref<3x128xi32, #tpu.memory_space<vmem>>, %arg9: memref<3x128x128xf32, #tpu.memory_space<vmem>>, %arg10: memref<10112x128xf32, #tpu.memory_space<vmem_shared>>, %arg11: memref<!tpu.dma_semaphore, #tpu.memory_space<semaphore_mem>>, %arg12: memref<!tpu.dma_semaphore, #tpu.memory_space<semaphore_mem>>, %arg13: memref<!tpu.dma_semaphore, #tpu.memory_space<semaphore_mem>>) attributes {dimension_semantics = [#tpu.dimension_semantics<core_parallel>, #tpu.dimension_semantics<subcore_parallel>], iteration_bounds = array<i64: 2, 16>, scalar_prefetch = 0 : i64, scratch_operands = 7 : i64, tpu.core_type = #tpu.core_type<sc_vector_subcore>, window_params = [{transform_indices = #map}, {transform_indices = #map1}, {transform_indices = #map1}, {transform_indices = #map}, {transform_indices = #map1}]} {
    %mul3A = arith.constant 16 : i32
    %mul3A_0 = arith.muli %arg0, %mul3A : i32
    %add3A = arith.addi %mul3A_0, %arg1 : i32
    %mul3A_1 = arith.constant 632 : i32
    %mul3A_2 = arith.muli %arg1, %mul3A_1 : i32
    "tpu.region"() ({
      %run_scoped3A = tpu.sem_alloc : memref<!tpu.dma_semaphore, #tpu.memory_space<semaphore_mem>>
      %dma_start3A_253 = arith.constant 0 : i32
      %dma_start3A_254 = tpu.memref_slice %arg10[%mul3A_2, %dma_start3A_253] : memref<10112x128xf32, #tpu.memory_space<vmem_shared>> -> memref<632x128xf32, #tpu.memory_space<vmem_shared>>
      %dma_start3A_255 = arith.constant 0 : i32
      %dma_start3A_256 = tpu.memref_slice %arg5[%mul3A_2, %dma_start3A_255] : memref<10112x128xf32, #tpu.memory_space<hbm>> -> memref<632x128xf32, #tpu.memory_space<hbm>>
      tpu.enqueue_dma source(%dma_start3A_256 : memref<632x128xf32, #tpu.memory_space<hbm>>) target(%dma_start3A_254 : memref<632x128xf32, #tpu.memory_space<vmem_shared>>) target_semaphore(%run_scoped3A : memref<!tpu.dma_semaphore, #tpu.memory_space<semaphore_mem>>)
      %dma_wait3A_257 = arith.constant 0 : i32
      %dma_wait3A_258 = tpu.memref_slice %arg10[%mul3A_2, %dma_wait3A_257] : memref<10112x128xf32, #tpu.memory_space<vmem_shared>> -> memref<632x128xf32, #tpu.memory_space<vmem_shared>>
      %dma_wait3A_259 = arith.constant 0 : i32
      %dma_wait3A_260 = tpu.memref_slice %arg5[%mul3A_2, %dma_wait3A_259] : memref<10112x128xf32, #tpu.memory_space<hbm>> -> memref<632x128xf32, #tpu.memory_space<hbm>>
      tpu.wait_dma2 semaphore(%run_scoped3A : memref<!tpu.dma_semaphore, #tpu.memory_space<semaphore_mem>>) src(%dma_wait3A_260 : memref<632x128xf32, #tpu.memory_space<hbm>>) dst(%dma_wait3A_258 : memref<632x128xf32, #tpu.memory_space<vmem_shared>>)
      tpu.yield
    }) : () -> ()
    %barrier3A = arith.constant 0 : index
    tpu.barrier barrier_id(%barrier3A)
    %dma_start3A = arith.constant 0 : i32
    %dma_start3A_3 = arith.constant 0 : i32
    %dma_start3A_4 = arith.constant 0 : i32
    %dma_start3A_5 = tpu.memref_slice %arg7[%dma_start3A_3, %dma_start3A_4] : memref<3x128xi32, #tpu.memory_space<vmem>> -> memref<1x128xi32, #tpu.memory_space<vmem>>
    %dma_start3A_6 = tpu.memref_squeeze %dma_start3A_5 : memref<1x128xi32, #tpu.memory_space<vmem>> -> memref<128xi32, #tpu.memory_space<vmem>>
    %dma_start3A_7 = arith.constant 0 : i32
    %dma_start3A_8 = tpu.memref_slice %arg3[%add3A, %dma_start3A, %dma_start3A_7] : memref<32x79x128xi32, #tpu.memory_space<hbm>> -> memref<1x1x128xi32, #tpu.memory_space<hbm>>
    %dma_start3A_9 = tpu.memref_squeeze %dma_start3A_8 : memref<1x1x128xi32, #tpu.memory_space<hbm>> -> memref<128xi32, #tpu.memory_space<hbm>>
    %dma_start3A_10 = arith.constant 0 : i32
    %dma_start3A_11 = tpu.memref_slice %arg7[%dma_start3A_3, %dma_start3A_10] : memref<3x128xi32, #tpu.memory_space<vmem>> -> memref<1x128xi32, #tpu.memory_space<vmem>>
    %dma_start3A_12 = tpu.memref_squeeze %dma_start3A_11 : memref<1x128xi32, #tpu.memory_space<vmem>> -> memref<128xi32, #tpu.memory_space<vmem>>
    %dma_start3A_13 = arith.constant 0 : i32
    %dma_start3A_14 = tpu.memref_slice %arg3[%add3A, %dma_start3A, %dma_start3A_13] : memref<32x79x128xi32, #tpu.memory_space<hbm>> -> memref<1x1x128xi32, #tpu.memory_space<hbm>>
    %dma_start3A_15 = tpu.memref_squeeze %dma_start3A_14 : memref<1x1x128xi32, #tpu.memory_space<hbm>> -> memref<128xi32, #tpu.memory_space<hbm>>
    tpu.enqueue_dma source(%dma_start3A_15 : memref<128xi32, #tpu.memory_space<hbm>>) target(%dma_start3A_12 : memref<128xi32, #tpu.memory_space<vmem>>) target_semaphore(%arg11 : memref<!tpu.dma_semaphore, #tpu.memory_space<semaphore_mem>>)
    %dma_start3A_16 = arith.constant 0 : i32
    %dma_start3A_17 = arith.constant 0 : i32
    %dma_start3A_18 = arith.constant 0 : i32
    %dma_start3A_19 = tpu.memref_slice %arg8[%dma_start3A_17, %dma_start3A_18] : memref<3x128xi32, #tpu.memory_space<vmem>> -> memref<1x128xi32, #tpu.memory_space<vmem>>
    %dma_start3A_20 = tpu.memref_squeeze %dma_start3A_19 : memref<1x128xi32, #tpu.memory_space<vmem>> -> memref<128xi32, #tpu.memory_space<vmem>>
    %dma_start3A_21 = arith.constant 0 : i32
    %dma_start3A_22 = tpu.memref_slice %arg4[%add3A, %dma_start3A_16, %dma_start3A_21] : memref<32x79x128xi32, #tpu.memory_space<hbm>> -> memref<1x1x128xi32, #tpu.memory_space<hbm>>
    %dma_start3A_23 = tpu.memref_squeeze %dma_start3A_22 : memref<1x1x128xi32, #tpu.memory_space<hbm>> -> memref<128xi32, #tpu.memory_space<hbm>>
    %dma_start3A_24 = arith.constant 0 : i32
    %dma_start3A_25 = tpu.memref_slice %arg8[%dma_start3A_17, %dma_start3A_24] : memref<3x128xi32, #tpu.memory_space<vmem>> -> memref<1x128xi32, #tpu.memory_space<vmem>>
    %dma_start3A_26 = tpu.memref_squeeze %dma_start3A_25 : memref<1x128xi32, #tpu.memory_space<vmem>> -> memref<128xi32, #tpu.memory_space<vmem>>
    %dma_start3A_27 = arith.constant 0 : i32
    %dma_start3A_28 = tpu.memref_slice %arg4[%add3A, %dma_start3A_16, %dma_start3A_27] : memref<32x79x128xi32, #tpu.memory_space<hbm>> -> memref<1x1x128xi32, #tpu.memory_space<hbm>>
    %dma_start3A_29 = tpu.memref_squeeze %dma_start3A_28 : memref<1x1x128xi32, #tpu.memory_space<hbm>> -> memref<128xi32, #tpu.memory_space<hbm>>
    tpu.enqueue_dma source(%dma_start3A_29 : memref<128xi32, #tpu.memory_space<hbm>>) target(%dma_start3A_26 : memref<128xi32, #tpu.memory_space<vmem>>) target_semaphore(%arg11 : memref<!tpu.dma_semaphore, #tpu.memory_space<semaphore_mem>>)
    %dma_wait3A = arith.constant 0 : i32
    %dma_wait3A_30 = arith.constant 0 : i32
    %dma_wait3A_31 = arith.constant 0 : i32
    %dma_wait3A_32 = arith.constant 0 : i32
    %dma_wait3A_33 = tpu.memref_slice %arg7[%dma_wait3A_31, %dma_wait3A_32] : memref<3x128xi32, #tpu.memory_space<vmem>> -> memref<1x128xi32, #tpu.memory_space<vmem>>
    %dma_wait3A_34 = tpu.memref_squeeze %dma_wait3A_33 : memref<1x128xi32, #tpu.memory_space<vmem>> -> memref<128xi32, #tpu.memory_space<vmem>>
    %dma_wait3A_35 = arith.constant 0 : i32
    %dma_wait3A_36 = tpu.memref_slice %arg3[%dma_wait3A, %dma_wait3A_30, %dma_wait3A_35] : memref<32x79x128xi32, #tpu.memory_space<hbm>> -> memref<1x1x128xi32, #tpu.memory_space<hbm>>
    %dma_wait3A_37 = tpu.memref_squeeze %dma_wait3A_36 : memref<1x1x128xi32, #tpu.memory_space<hbm>> -> memref<128xi32, #tpu.memory_space<hbm>>
    %dma_wait3A_38 = arith.constant 0 : i32
    %dma_wait3A_39 = tpu.memref_slice %arg7[%dma_wait3A_31, %dma_wait3A_38] : memref<3x128xi32, #tpu.memory_space<vmem>> -> memref<1x128xi32, #tpu.memory_space<vmem>>
    %dma_wait3A_40 = tpu.memref_squeeze %dma_wait3A_39 : memref<1x128xi32, #tpu.memory_space<vmem>> -> memref<128xi32, #tpu.memory_space<vmem>>
    %dma_wait3A_41 = arith.constant 0 : i32
    %dma_wait3A_42 = tpu.memref_slice %arg3[%dma_wait3A, %dma_wait3A_30, %dma_wait3A_41] : memref<32x79x128xi32, #tpu.memory_space<hbm>> -> memref<1x1x128xi32, #tpu.memory_space<hbm>>
    %dma_wait3A_43 = tpu.memref_squeeze %dma_wait3A_42 : memref<1x1x128xi32, #tpu.memory_space<hbm>> -> memref<128xi32, #tpu.memory_space<hbm>>
    tpu.wait_dma2 semaphore(%arg11 : memref<!tpu.dma_semaphore, #tpu.memory_space<semaphore_mem>>) src(%dma_wait3A_43 : memref<128xi32, #tpu.memory_space<hbm>>) dst(%dma_wait3A_40 : memref<128xi32, #tpu.memory_space<vmem>>)
    %dma_wait3A_44 = arith.constant 0 : i32
    %dma_wait3A_45 = arith.constant 0 : i32
    %dma_wait3A_46 = arith.constant 0 : i32
    %dma_wait3A_47 = arith.constant 0 : i32
    %dma_wait3A_48 = tpu.memref_slice %arg8[%dma_wait3A_46, %dma_wait3A_47] : memref<3x128xi32, #tpu.memory_space<vmem>> -> memref<1x128xi32, #tpu.memory_space<vmem>>
    %dma_wait3A_49 = tpu.memref_squeeze %dma_wait3A_48 : memref<1x128xi32, #tpu.memory_space<vmem>> -> memref<128xi32, #tpu.memory_space<vmem>>
    %dma_wait3A_50 = arith.constant 0 : i32
    %dma_wait3A_51 = tpu.memref_slice %arg3[%dma_wait3A_44, %dma_wait3A_45, %dma_wait3A_50] : memref<32x79x128xi32, #tpu.memory_space<hbm>> -> memref<1x1x128xi32, #tpu.memory_space<hbm>>
    %dma_wait3A_52 = tpu.memref_squeeze %dma_wait3A_51 : memref<1x1x128xi32, #tpu.memory_space<hbm>> -> memref<128xi32, #tpu.memory_space<hbm>>
    %dma_wait3A_53 = arith.constant 0 : i32
    %dma_wait3A_54 = tpu.memref_slice %arg8[%dma_wait3A_46, %dma_wait3A_53] : memref<3x128xi32, #tpu.memory_space<vmem>> -> memref<1x128xi32, #tpu.memory_space<vmem>>
    %dma_wait3A_55 = tpu.memref_squeeze %dma_wait3A_54 : memref<1x128xi32, #tpu.memory_space<vmem>> -> memref<128xi32, #tpu.memory_space<vmem>>
    %dma_wait3A_56 = arith.constant 0 : i32
    %dma_wait3A_57 = tpu.memref_slice %arg3[%dma_wait3A_44, %dma_wait3A_45, %dma_wait3A_56] : memref<32x79x128xi32, #tpu.memory_space<hbm>> -> memref<1x1x128xi32, #tpu.memory_space<hbm>>
    %dma_wait3A_58 = tpu.memref_squeeze %dma_wait3A_57 : memref<1x1x128xi32, #tpu.memory_space<hbm>> -> memref<128xi32, #tpu.memory_space<hbm>>
    tpu.wait_dma2 semaphore(%arg11 : memref<!tpu.dma_semaphore, #tpu.memory_space<semaphore_mem>>) src(%dma_wait3A_58 : memref<128xi32, #tpu.memory_space<hbm>>) dst(%dma_wait3A_55 : memref<128xi32, #tpu.memory_space<vmem>>)
    %dma_start3A_59 = arith.constant 0 : i32
    %dma_start3A_60 = arith.constant 0 : i32
    %dma_start3A_61 = arith.constant 0 : i32
    %dma_start3A_62 = arith.constant 0 : i32
    %dma_start3A_63 = tpu.memref_slice %arg9[%dma_start3A_60, %dma_start3A_61, %dma_start3A_62] : memref<3x128x128xf32, #tpu.memory_space<vmem>> -> memref<1x128x128xf32, #tpu.memory_space<vmem>>
    %dma_start3A_64 = tpu.memref_squeeze %dma_start3A_63 : memref<1x128x128xf32, #tpu.memory_space<vmem>> -> memref<128x128xf32, #tpu.memory_space<vmem>>
    %dma_start3A_65 = arith.constant 0 : i32
    %dma_start3A_66 = tpu.memref_slice %arg7[%dma_start3A_59, %dma_start3A_65] : memref<3x128xi32, #tpu.memory_space<vmem>> -> memref<1x128xi32, #tpu.memory_space<vmem>>
    %dma_start3A_67 = tpu.memref_squeeze %dma_start3A_66 : memref<1x128xi32, #tpu.memory_space<vmem>> -> memref<128xi32, #tpu.memory_space<vmem>>
    %dma_start3A_68 = arith.constant 0 : i32
    %dma_start3A_69 = arith.constant 0 : i32
    %dma_start3A_70 = tpu.memref_slice %arg2[%dma_start3A_68, %dma_start3A_69] : memref<10000x128xf32, #tpu.memory_space<hbm>> -> memref<10000x128xf32, #tpu.memory_space<hbm>>
    tpu.enqueue_indirect_dma source(%dma_start3A_70 : memref<10000x128xf32, #tpu.memory_space<hbm>>) target(%dma_start3A_64 : memref<128x128xf32, #tpu.memory_space<vmem>>) offsets(%dma_start3A_67 : memref<128xi32, #tpu.memory_space<vmem>>) semaphore(%arg12 : memref<!tpu.dma_semaphore, #tpu.memory_space<semaphore_mem>>)
    %dma_start3A_71 = arith.constant 1 : i32
    %dma_start3A_72 = arith.constant 1 : i32
    %dma_start3A_73 = arith.constant 0 : i32
    %dma_start3A_74 = tpu.memref_slice %arg7[%dma_start3A_72, %dma_start3A_73] : memref<3x128xi32, #tpu.memory_space<vmem>> -> memref<1x128xi32, #tpu.memory_space<vmem>>
    %dma_start3A_75 = tpu.memref_squeeze %dma_start3A_74 : memref<1x128xi32, #tpu.memory_space<vmem>> -> memref<128xi32, #tpu.memory_space<vmem>>
    %dma_start3A_76 = arith.constant 0 : i32
    %dma_start3A_77 = tpu.memref_slice %arg3[%add3A, %dma_start3A_71, %dma_start3A_76] : memref<32x79x128xi32, #tpu.memory_space<hbm>> -> memref<1x1x128xi32, #tpu.memory_space<hbm>>
    %dma_start3A_78 = tpu.memref_squeeze %dma_start3A_77 : memref<1x1x128xi32, #tpu.memory_space<hbm>> -> memref<128xi32, #tpu.memory_space<hbm>>
    %dma_start3A_79 = arith.constant 0 : i32
    %dma_start3A_80 = tpu.memref_slice %arg7[%dma_start3A_72, %dma_start3A_79] : memref<3x128xi32, #tpu.memory_space<vmem>> -> memref<1x128xi32, #tpu.memory_space<vmem>>
    %dma_start3A_81 = tpu.memref_squeeze %dma_start3A_80 : memref<1x128xi32, #tpu.memory_space<vmem>> -> memref<128xi32, #tpu.memory_space<vmem>>
    %dma_start3A_82 = arith.constant 0 : i32
    %dma_start3A_83 = tpu.memref_slice %arg3[%add3A, %dma_start3A_71, %dma_start3A_82] : memref<32x79x128xi32, #tpu.memory_space<hbm>> -> memref<1x1x128xi32, #tpu.memory_space<hbm>>
    %dma_start3A_84 = tpu.memref_squeeze %dma_start3A_83 : memref<1x1x128xi32, #tpu.memory_space<hbm>> -> memref<128xi32, #tpu.memory_space<hbm>>
    tpu.enqueue_dma source(%dma_start3A_84 : memref<128xi32, #tpu.memory_space<hbm>>) target(%dma_start3A_81 : memref<128xi32, #tpu.memory_space<vmem>>) target_semaphore(%arg11 : memref<!tpu.dma_semaphore, #tpu.memory_space<semaphore_mem>>)
    %dma_start3A_85 = arith.constant 1 : i32
    %dma_start3A_86 = arith.constant 1 : i32
    %dma_start3A_87 = arith.constant 0 : i32
    %dma_start3A_88 = tpu.memref_slice %arg8[%dma_start3A_86, %dma_start3A_87] : memref<3x128xi32, #tpu.memory_space<vmem>> -> memref<1x128xi32, #tpu.memory_space<vmem>>
    %dma_start3A_89 = tpu.memref_squeeze %dma_start3A_88 : memref<1x128xi32, #tpu.memory_space<vmem>> -> memref<128xi32, #tpu.memory_space<vmem>>
    %dma_start3A_90 = arith.constant 0 : i32
    %dma_start3A_91 = tpu.memref_slice %arg4[%add3A, %dma_start3A_85, %dma_start3A_90] : memref<32x79x128xi32, #tpu.memory_space<hbm>> -> memref<1x1x128xi32, #tpu.memory_space<hbm>>
    %dma_start3A_92 = tpu.memref_squeeze %dma_start3A_91 : memref<1x1x128xi32, #tpu.memory_space<hbm>> -> memref<128xi32, #tpu.memory_space<hbm>>
    %dma_start3A_93 = arith.constant 0 : i32
    %dma_start3A_94 = tpu.memref_slice %arg8[%dma_start3A_86, %dma_start3A_93] : memref<3x128xi32, #tpu.memory_space<vmem>> -> memref<1x128xi32, #tpu.memory_space<vmem>>
    %dma_start3A_95 = tpu.memref_squeeze %dma_start3A_94 : memref<1x128xi32, #tpu.memory_space<vmem>> -> memref<128xi32, #tpu.memory_space<vmem>>
    %dma_start3A_96 = arith.constant 0 : i32
    %dma_start3A_97 = tpu.memref_slice %arg4[%add3A, %dma_start3A_85, %dma_start3A_96] : memref<32x79x128xi32, #tpu.memory_space<hbm>> -> memref<1x1x128xi32, #tpu.memory_space<hbm>>
    %dma_start3A_98 = tpu.memref_squeeze %dma_start3A_97 : memref<1x1x128xi32, #tpu.memory_space<hbm>> -> memref<128xi32, #tpu.memory_space<hbm>>
    tpu.enqueue_dma source(%dma_start3A_98 : memref<128xi32, #tpu.memory_space<hbm>>) target(%dma_start3A_95 : memref<128xi32, #tpu.memory_space<vmem>>) target_semaphore(%arg11 : memref<!tpu.dma_semaphore, #tpu.memory_space<semaphore_mem>>)
    %dma_wait3A_99 = arith.constant 0 : i32
    %dma_wait3A_100 = arith.constant 0 : i32
    %dma_wait3A_101 = arith.constant 0 : i32
    %dma_wait3A_102 = arith.constant 0 : i32
    %dma_wait3A_103 = tpu.memref_slice %arg9[%dma_wait3A_100, %dma_wait3A_101, %dma_wait3A_102] : memref<3x128x128xf32, #tpu.memory_space<vmem>> -> memref<1x128x128xf32, #tpu.memory_space<vmem>>
    %dma_wait3A_104 = tpu.memref_squeeze %dma_wait3A_103 : memref<1x128x128xf32, #tpu.memory_space<vmem>> -> memref<128x128xf32, #tpu.memory_space<vmem>>
    %dma_wait3A_105 = arith.constant 0 : i32
    %dma_wait3A_106 = tpu.memref_slice %arg7[%dma_wait3A_99, %dma_wait3A_105] : memref<3x128xi32, #tpu.memory_space<vmem>> -> memref<1x128xi32, #tpu.memory_space<vmem>>
    %dma_wait3A_107 = tpu.memref_squeeze %dma_wait3A_106 : memref<1x128xi32, #tpu.memory_space<vmem>> -> memref<128xi32, #tpu.memory_space<vmem>>
    %dma_wait3A_108 = arith.constant 0 : i32
    %dma_wait3A_109 = arith.constant 0 : i32
    %dma_wait3A_110 = tpu.memref_slice %arg2[%dma_wait3A_108, %dma_wait3A_109] : memref<10000x128xf32, #tpu.memory_space<hbm>> -> memref<10000x128xf32, #tpu.memory_space<hbm>>
    tpu.wait_indirect_dma semaphore(%arg12 : memref<!tpu.dma_semaphore, #tpu.memory_space<semaphore_mem>>) src(%dma_wait3A_110 : memref<10000x128xf32, #tpu.memory_space<hbm>>) dst(%dma_wait3A_104 : memref<128x128xf32, #tpu.memory_space<vmem>>)
    %dma_start3A_111 = arith.constant 2 : i32
    %dma_start3A_112 = arith.constant 2 : i32
    %dma_start3A_113 = arith.constant 0 : i32
    %dma_start3A_114 = tpu.memref_slice %arg7[%dma_start3A_112, %dma_start3A_113] : memref<3x128xi32, #tpu.memory_space<vmem>> -> memref<1x128xi32, #tpu.memory_space<vmem>>
    %dma_start3A_115 = tpu.memref_squeeze %dma_start3A_114 : memref<1x128xi32, #tpu.memory_space<vmem>> -> memref<128xi32, #tpu.memory_space<vmem>>
    %dma_start3A_116 = arith.constant 0 : i32
    %dma_start3A_117 = tpu.memref_slice %arg3[%add3A, %dma_start3A_111, %dma_start3A_116] : memref<32x79x128xi32, #tpu.memory_space<hbm>> -> memref<1x1x128xi32, #tpu.memory_space<hbm>>
    %dma_start3A_118 = tpu.memref_squeeze %dma_start3A_117 : memref<1x1x128xi32, #tpu.memory_space<hbm>> -> memref<128xi32, #tpu.memory_space<hbm>>
    %dma_start3A_119 = arith.constant 0 : i32
    %dma_start3A_120 = tpu.memref_slice %arg7[%dma_start3A_112, %dma_start3A_119] : memref<3x128xi32, #tpu.memory_space<vmem>> -> memref<1x128xi32, #tpu.memory_space<vmem>>
    %dma_start3A_121 = tpu.memref_squeeze %dma_start3A_120 : memref<1x128xi32, #tpu.memory_space<vmem>> -> memref<128xi32, #tpu.memory_space<vmem>>
    %dma_start3A_122 = arith.constant 0 : i32
    %dma_start3A_123 = tpu.memref_slice %arg3[%add3A, %dma_start3A_111, %dma_start3A_122] : memref<32x79x128xi32, #tpu.memory_space<hbm>> -> memref<1x1x128xi32, #tpu.memory_space<hbm>>
    %dma_start3A_124 = tpu.memref_squeeze %dma_start3A_123 : memref<1x1x128xi32, #tpu.memory_space<hbm>> -> memref<128xi32, #tpu.memory_space<hbm>>
    tpu.enqueue_dma source(%dma_start3A_124 : memref<128xi32, #tpu.memory_space<hbm>>) target(%dma_start3A_121 : memref<128xi32, #tpu.memory_space<vmem>>) target_semaphore(%arg11 : memref<!tpu.dma_semaphore, #tpu.memory_space<semaphore_mem>>)
    %dma_start3A_125 = arith.constant 2 : i32
    %dma_start3A_126 = arith.constant 2 : i32
    %dma_start3A_127 = arith.constant 0 : i32
    %dma_start3A_128 = tpu.memref_slice %arg8[%dma_start3A_126, %dma_start3A_127] : memref<3x128xi32, #tpu.memory_space<vmem>> -> memref<1x128xi32, #tpu.memory_space<vmem>>
    %dma_start3A_129 = tpu.memref_squeeze %dma_start3A_128 : memref<1x128xi32, #tpu.memory_space<vmem>> -> memref<128xi32, #tpu.memory_space<vmem>>
    %dma_start3A_130 = arith.constant 0 : i32
    %dma_start3A_131 = tpu.memref_slice %arg4[%add3A, %dma_start3A_125, %dma_start3A_130] : memref<32x79x128xi32, #tpu.memory_space<hbm>> -> memref<1x1x128xi32, #tpu.memory_space<hbm>>
    %dma_start3A_132 = tpu.memref_squeeze %dma_start3A_131 : memref<1x1x128xi32, #tpu.memory_space<hbm>> -> memref<128xi32, #tpu.memory_space<hbm>>
    %dma_start3A_133 = arith.constant 0 : i32
    %dma_start3A_134 = tpu.memref_slice %arg8[%dma_start3A_126, %dma_start3A_133] : memref<3x128xi32, #tpu.memory_space<vmem>> -> memref<1x128xi32, #tpu.memory_space<vmem>>
    %dma_start3A_135 = tpu.memref_squeeze %dma_start3A_134 : memref<1x128xi32, #tpu.memory_space<vmem>> -> memref<128xi32, #tpu.memory_space<vmem>>
    %dma_start3A_136 = arith.constant 0 : i32
    %dma_start3A_137 = tpu.memref_slice %arg4[%add3A, %dma_start3A_125, %dma_start3A_136] : memref<32x79x128xi32, #tpu.memory_space<hbm>> -> memref<1x1x128xi32, #tpu.memory_space<hbm>>
    %dma_start3A_138 = tpu.memref_squeeze %dma_start3A_137 : memref<1x1x128xi32, #tpu.memory_space<hbm>> -> memref<128xi32, #tpu.memory_space<hbm>>
    tpu.enqueue_dma source(%dma_start3A_138 : memref<128xi32, #tpu.memory_space<hbm>>) target(%dma_start3A_135 : memref<128xi32, #tpu.memory_space<vmem>>) target_semaphore(%arg11 : memref<!tpu.dma_semaphore, #tpu.memory_space<semaphore_mem>>)
    %dma_wait3A_139 = arith.constant 0 : i32
    %dma_wait3A_140 = arith.constant 0 : i32
    %dma_wait3A_141 = arith.constant 0 : i32
    %dma_wait3A_142 = arith.constant 0 : i32
    %dma_wait3A_143 = tpu.memref_slice %arg7[%dma_wait3A_141, %dma_wait3A_142] : memref<3x128xi32, #tpu.memory_space<vmem>> -> memref<1x128xi32, #tpu.memory_space<vmem>>
    %dma_wait3A_144 = tpu.memref_squeeze %dma_wait3A_143 : memref<1x128xi32, #tpu.memory_space<vmem>> -> memref<128xi32, #tpu.memory_space<vmem>>
    %dma_wait3A_145 = arith.constant 0 : i32
    %dma_wait3A_146 = tpu.memref_slice %arg3[%dma_wait3A_139, %dma_wait3A_140, %dma_wait3A_145] : memref<32x79x128xi32, #tpu.memory_space<hbm>> -> memref<1x1x128xi32, #tpu.memory_space<hbm>>
    %dma_wait3A_147 = tpu.memref_squeeze %dma_wait3A_146 : memref<1x1x128xi32, #tpu.memory_space<hbm>> -> memref<128xi32, #tpu.memory_space<hbm>>
    %dma_wait3A_148 = arith.constant 0 : i32
    %dma_wait3A_149 = tpu.memref_slice %arg7[%dma_wait3A_141, %dma_wait3A_148] : memref<3x128xi32, #tpu.memory_space<vmem>> -> memref<1x128xi32, #tpu.memory_space<vmem>>
    %dma_wait3A_150 = tpu.memref_squeeze %dma_wait3A_149 : memref<1x128xi32, #tpu.memory_space<vmem>> -> memref<128xi32, #tpu.memory_space<vmem>>
    %dma_wait3A_151 = arith.constant 0 : i32
    %dma_wait3A_152 = tpu.memref_slice %arg3[%dma_wait3A_139, %dma_wait3A_140, %dma_wait3A_151] : memref<32x79x128xi32, #tpu.memory_space<hbm>> -> memref<1x1x128xi32, #tpu.memory_space<hbm>>
    %dma_wait3A_153 = tpu.memref_squeeze %dma_wait3A_152 : memref<1x1x128xi32, #tpu.memory_space<hbm>> -> memref<128xi32, #tpu.memory_space<hbm>>
    tpu.wait_dma2 semaphore(%arg11 : memref<!tpu.dma_semaphore, #tpu.memory_space<semaphore_mem>>) src(%dma_wait3A_153 : memref<128xi32, #tpu.memory_space<hbm>>) dst(%dma_wait3A_150 : memref<128xi32, #tpu.memory_space<vmem>>)
    %dma_wait3A_154 = arith.constant 0 : i32
    %dma_wait3A_155 = arith.constant 0 : i32
    %dma_wait3A_156 = arith.constant 0 : i32
    %dma_wait3A_157 = arith.constant 0 : i32
    %dma_wait3A_158 = tpu.memref_slice %arg8[%dma_wait3A_156, %dma_wait3A_157] : memref<3x128xi32, #tpu.memory_space<vmem>> -> memref<1x128xi32, #tpu.memory_space<vmem>>
    %dma_wait3A_159 = tpu.memref_squeeze %dma_wait3A_158 : memref<1x128xi32, #tpu.memory_space<vmem>> -> memref<128xi32, #tpu.memory_space<vmem>>
    %dma_wait3A_160 = arith.constant 0 : i32
    %dma_wait3A_161 = tpu.memref_slice %arg3[%dma_wait3A_154, %dma_wait3A_155, %dma_wait3A_160] : memref<32x79x128xi32, #tpu.memory_space<hbm>> -> memref<1x1x128xi32, #tpu.memory_space<hbm>>
    %dma_wait3A_162 = tpu.memref_squeeze %dma_wait3A_161 : memref<1x1x128xi32, #tpu.memory_space<hbm>> -> memref<128xi32, #tpu.memory_space<hbm>>
    %dma_wait3A_163 = arith.constant 0 : i32
    %dma_wait3A_164 = tpu.memref_slice %arg8[%dma_wait3A_156, %dma_wait3A_163] : memref<3x128xi32, #tpu.memory_space<vmem>> -> memref<1x128xi32, #tpu.memory_space<vmem>>
    %dma_wait3A_165 = tpu.memref_squeeze %dma_wait3A_164 : memref<1x128xi32, #tpu.memory_space<vmem>> -> memref<128xi32, #tpu.memory_space<vmem>>
    %dma_wait3A_166 = arith.constant 0 : i32
    %dma_wait3A_167 = tpu.memref_slice %arg3[%dma_wait3A_154, %dma_wait3A_155, %dma_wait3A_166] : memref<32x79x128xi32, #tpu.memory_space<hbm>> -> memref<1x1x128xi32, #tpu.memory_space<hbm>>
    %dma_wait3A_168 = tpu.memref_squeeze %dma_wait3A_167 : memref<1x1x128xi32, #tpu.memory_space<hbm>> -> memref<128xi32, #tpu.memory_space<hbm>>
    tpu.wait_dma2 semaphore(%arg11 : memref<!tpu.dma_semaphore, #tpu.memory_space<semaphore_mem>>) src(%dma_wait3A_168 : memref<128xi32, #tpu.memory_space<hbm>>) dst(%dma_wait3A_165 : memref<128xi32, #tpu.memory_space<vmem>>)
    %dma_start3A_169 = arith.constant 1 : i32
    %dma_start3A_170 = arith.constant 1 : i32
    %dma_start3A_171 = arith.constant 0 : i32
    %dma_start3A_172 = arith.constant 0 : i32
    %dma_start3A_173 = tpu.memref_slice %arg9[%dma_start3A_170, %dma_start3A_171, %dma_start3A_172] : memref<3x128x128xf32, #tpu.memory_space<vmem>> -> memref<1x128x128xf32, #tpu.memory_space<vmem>>
    %dma_start3A_174 = tpu.memref_squeeze %dma_start3A_173 : memref<1x128x128xf32, #tpu.memory_space<vmem>> -> memref<128x128xf32, #tpu.memory_space<vmem>>
    %dma_start3A_175 = arith.constant 0 : i32
    %dma_start3A_176 = tpu.memref_slice %arg7[%dma_start3A_169, %dma_start3A_175] : memref<3x128xi32, #tpu.memory_space<vmem>> -> memref<1x128xi32, #tpu.memory_space<vmem>>
    %dma_start3A_177 = tpu.memref_squeeze %dma_start3A_176 : memref<1x128xi32, #tpu.memory_space<vmem>> -> memref<128xi32, #tpu.memory_space<vmem>>
    %dma_start3A_178 = arith.constant 0 : i32
    %dma_start3A_179 = arith.constant 0 : i32
    %dma_start3A_180 = tpu.memref_slice %arg2[%dma_start3A_178, %dma_start3A_179] : memref<10000x128xf32, #tpu.memory_space<hbm>> -> memref<10000x128xf32, #tpu.memory_space<hbm>>
    tpu.enqueue_indirect_dma source(%dma_start3A_180 : memref<10000x128xf32, #tpu.memory_space<hbm>>) target(%dma_start3A_174 : memref<128x128xf32, #tpu.memory_space<vmem>>) offsets(%dma_start3A_177 : memref<128xi32, #tpu.memory_space<vmem>>) semaphore(%arg12 : memref<!tpu.dma_semaphore, #tpu.memory_space<semaphore_mem>>)
    %dma_start3A_181 = arith.constant 0 : i32
    %dma_start3A_182 = arith.constant 0 : i32
    %dma_start3A_183 = arith.constant 0 : i32
    %dma_start3A_184 = arith.constant 0 : i32
    %dma_start3A_185 = tpu.memref_slice %arg9[%dma_start3A_181, %dma_start3A_183, %dma_start3A_184] : memref<3x128x128xf32, #tpu.memory_space<vmem>> -> memref<1x128x128xf32, #tpu.memory_space<vmem>>
    %dma_start3A_186 = tpu.memref_squeeze %dma_start3A_185 : memref<1x128x128xf32, #tpu.memory_space<vmem>> -> memref<128x128xf32, #tpu.memory_space<vmem>>
    %dma_start3A_187 = arith.constant 0 : i32
    %dma_start3A_188 = tpu.memref_slice %arg8[%dma_start3A_182, %dma_start3A_187] : memref<3x128xi32, #tpu.memory_space<vmem>> -> memref<1x128xi32, #tpu.memory_space<vmem>>
    %dma_start3A_189 = tpu.memref_squeeze %dma_start3A_188 : memref<1x128xi32, #tpu.memory_space<vmem>> -> memref<128xi32, #tpu.memory_space<vmem>>
    %dma_start3A_190 = arith.constant 0 : i32
    %dma_start3A_191 = arith.constant 0 : i32
    %dma_start3A_192 = tpu.memref_slice %arg10[%dma_start3A_190, %dma_start3A_191] : memref<10112x128xf32, #tpu.memory_space<vmem_shared>> -> memref<10112x128xf32, #tpu.memory_space<vmem_shared>>
    tpu.enqueue_indirect_dma source(%dma_start3A_186 : memref<128x128xf32, #tpu.memory_space<vmem>>) target(%dma_start3A_192 : memref<10112x128xf32, #tpu.memory_space<vmem_shared>>) offsets(%dma_start3A_189 : memref<128xi32, #tpu.memory_space<vmem>>) semaphore(%arg13 : memref<!tpu.dma_semaphore, #tpu.memory_space<semaphore_mem>>) {add = true}
    %scan3A = arith.constant 0 : i32
    %scan3A_193 = arith.constant 0 : i32
    %scan3A_194 = arith.constant 26 : i32
    %scan3A_195 = arith.addi %scan3A_193, %scan3A_194 : i32
    %scan3A_196 = arith.constant 1 : i32
    scf.for %scan3A_253 = %scan3A_193 to %scan3A_195 step %scan3A_196  : i32 {
      %mul3A_254 = arith.constant 3 : i32
      %mul3A_255 = arith.muli %mul3A_254, %scan3A_253 : i32
      %add3A_256 = arith.constant 1 : i32
      %add3A_257 = arith.addi %mul3A_255, %add3A_256 : i32
      %dma_wait3A_258 = arith.constant 0 : i32
      %dma_wait3A_259 = arith.constant 1 : i32
      %dma_wait3A_260 = arith.constant 0 : i32
      %dma_wait3A_261 = arith.constant 0 : i32
      %dma_wait3A_262 = tpu.memref_slice %arg9[%dma_wait3A_259, %dma_wait3A_260, %dma_wait3A_261] : memref<3x128x128xf32, #tpu.memory_space<vmem>> -> memref<1x128x128xf32, #tpu.memory_space<vmem>>
      %dma_wait3A_263 = tpu.memref_squeeze %dma_wait3A_262 : memref<1x128x128xf32, #tpu.memory_space<vmem>> -> memref<128x128xf32, #tpu.memory_space<vmem>>
      %dma_wait3A_264 = arith.constant 0 : i32
      %dma_wait3A_265 = tpu.memref_slice %arg7[%dma_wait3A_258, %dma_wait3A_264] : memref<3x128xi32, #tpu.memory_space<vmem>> -> memref<1x128xi32, #tpu.memory_space<vmem>>
      %dma_wait3A_266 = tpu.memref_squeeze %dma_wait3A_265 : memref<1x128xi32, #tpu.memory_space<vmem>> -> memref<128xi32, #tpu.memory_space<vmem>>
      %dma_wait3A_267 = arith.constant 0 : i32
      %dma_wait3A_268 = arith.constant 0 : i32
      %dma_wait3A_269 = tpu.memref_slice %arg2[%dma_wait3A_267, %dma_wait3A_268] : memref<10000x128xf32, #tpu.memory_space<hbm>> -> memref<10000x128xf32, #tpu.memory_space<hbm>>
      tpu.wait_indirect_dma semaphore(%arg12 : memref<!tpu.dma_semaphore, #tpu.memory_space<semaphore_mem>>) src(%dma_wait3A_269 : memref<10000x128xf32, #tpu.memory_space<hbm>>) dst(%dma_wait3A_263 : memref<128x128xf32, #tpu.memory_space<vmem>>)
      %dma_wait3A_270 = arith.constant 0 : i32
      %dma_wait3A_271 = arith.constant 0 : i32
      %dma_wait3A_272 = arith.constant 0 : i32
      %dma_wait3A_273 = arith.constant 0 : i32
      %dma_wait3A_274 = tpu.memref_slice %arg9[%dma_wait3A_270, %dma_wait3A_272, %dma_wait3A_273] : memref<3x128x128xf32, #tpu.memory_space<vmem>> -> memref<1x128x128xf32, #tpu.memory_space<vmem>>
      %dma_wait3A_275 = tpu.memref_squeeze %dma_wait3A_274 : memref<1x128x128xf32, #tpu.memory_space<vmem>> -> memref<128x128xf32, #tpu.memory_space<vmem>>
      %dma_wait3A_276 = arith.constant 0 : i32
      %dma_wait3A_277 = tpu.memref_slice %arg8[%dma_wait3A_271, %dma_wait3A_276] : memref<3x128xi32, #tpu.memory_space<vmem>> -> memref<1x128xi32, #tpu.memory_space<vmem>>
      %dma_wait3A_278 = tpu.memref_squeeze %dma_wait3A_277 : memref<1x128xi32, #tpu.memory_space<vmem>> -> memref<128xi32, #tpu.memory_space<vmem>>
      %dma_wait3A_279 = arith.constant 0 : i32
      %dma_wait3A_280 = arith.constant 0 : i32
      %dma_wait3A_281 = tpu.memref_slice %arg10[%dma_wait3A_279, %dma_wait3A_280] : memref<10112x128xf32, #tpu.memory_space<vmem_shared>> -> memref<10112x128xf32, #tpu.memory_space<vmem_shared>>
      tpu.wait_indirect_dma semaphore(%arg13 : memref<!tpu.dma_semaphore, #tpu.memory_space<semaphore_mem>>) src(%dma_wait3A_275 : memref<128x128xf32, #tpu.memory_space<vmem>>) dst(%dma_wait3A_281 : memref<10112x128xf32, #tpu.memory_space<vmem_shared>>)
      %add3A_282 = arith.constant 2 : i32
      %add3A_283 = arith.addi %add3A_257, %add3A_282 : i32
      %rem3A = arith.constant 79 : i32
      %rem3A_284 = arith.remsi %add3A_283, %rem3A : i32
      %dma_start3A_285 = arith.constant 0 : i32
      %dma_start3A_286 = arith.constant 0 : i32
      %dma_start3A_287 = tpu.memref_slice %arg7[%dma_start3A_285, %dma_start3A_286] : memref<3x128xi32, #tpu.memory_space<vmem>> -> memref<1x128xi32, #tpu.memory_space<vmem>>
      %dma_start3A_288 = tpu.memref_squeeze %dma_start3A_287 : memref<1x128xi32, #tpu.memory_space<vmem>> -> memref<128xi32, #tpu.memory_space<vmem>>
      %dma_start3A_289 = arith.constant 0 : i32
      %dma_start3A_290 = tpu.memref_slice %arg3[%add3A, %rem3A_284, %dma_start3A_289] : memref<32x79x128xi32, #tpu.memory_space<hbm>> -> memref<1x1x128xi32, #tpu.memory_space<hbm>>
      %dma_start3A_291 = tpu.memref_squeeze %dma_start3A_290 : memref<1x1x128xi32, #tpu.memory_space<hbm>> -> memref<128xi32, #tpu.memory_space<hbm>>
      %dma_start3A_292 = arith.constant 0 : i32
      %dma_start3A_293 = tpu.memref_slice %arg7[%dma_start3A_285, %dma_start3A_292] : memref<3x128xi32, #tpu.memory_space<vmem>> -> memref<1x128xi32, #tpu.memory_space<vmem>>
      %dma_start3A_294 = tpu.memref_squeeze %dma_start3A_293 : memref<1x128xi32, #tpu.memory_space<vmem>> -> memref<128xi32, #tpu.memory_space<vmem>>
      %dma_start3A_295 = arith.constant 0 : i32
      %dma_start3A_296 = tpu.memref_slice %arg3[%add3A, %rem3A_284, %dma_start3A_295] : memref<32x79x128xi32, #tpu.memory_space<hbm>> -> memref<1x1x128xi32, #tpu.memory_space<hbm>>
      %dma_start3A_297 = tpu.memref_squeeze %dma_start3A_296 : memref<1x1x128xi32, #tpu.memory_space<hbm>> -> memref<128xi32, #tpu.memory_space<hbm>>
      tpu.enqueue_dma source(%dma_start3A_297 : memref<128xi32, #tpu.memory_space<hbm>>) target(%dma_start3A_294 : memref<128xi32, #tpu.memory_space<vmem>>) target_semaphore(%arg11 : memref<!tpu.dma_semaphore, #tpu.memory_space<semaphore_mem>>)
      %dma_start3A_298 = arith.constant 0 : i32
      %dma_start3A_299 = arith.constant 0 : i32
      %dma_start3A_300 = tpu.memref_slice %arg8[%dma_start3A_298, %dma_start3A_299] : memref<3x128xi32, #tpu.memory_space<vmem>> -> memref<1x128xi32, #tpu.memory_space<vmem>>
      %dma_start3A_301 = tpu.memref_squeeze %dma_start3A_300 : memref<1x128xi32, #tpu.memory_space<vmem>> -> memref<128xi32, #tpu.memory_space<vmem>>
      %dma_start3A_302 = arith.constant 0 : i32
      %dma_start3A_303 = tpu.memref_slice %arg4[%add3A, %rem3A_284, %dma_start3A_302] : memref<32x79x128xi32, #tpu.memory_space<hbm>> -> memref<1x1x128xi32, #tpu.memory_space<hbm>>
      %dma_start3A_304 = tpu.memref_squeeze %dma_start3A_303 : memref<1x1x128xi32, #tpu.memory_space<hbm>> -> memref<128xi32, #tpu.memory_space<hbm>>
      %dma_start3A_305 = arith.constant 0 : i32
      %dma_start3A_306 = tpu.memref_slice %arg8[%dma_start3A_298, %dma_start3A_305] : memref<3x128xi32, #tpu.memory_space<vmem>> -> memref<1x128xi32, #tpu.memory_space<vmem>>
      %dma_start3A_307 = tpu.memref_squeeze %dma_start3A_306 : memref<1x128xi32, #tpu.memory_space<vmem>> -> memref<128xi32, #tpu.memory_space<vmem>>
      %dma_start3A_308 = arith.constant 0 : i32
      %dma_start3A_309 = tpu.memref_slice %arg4[%add3A, %rem3A_284, %dma_start3A_308] : memref<32x79x128xi32, #tpu.memory_space<hbm>> -> memref<1x1x128xi32, #tpu.memory_space<hbm>>
      %dma_start3A_310 = tpu.memref_squeeze %dma_start3A_309 : memref<1x1x128xi32, #tpu.memory_space<hbm>> -> memref<128xi32, #tpu.memory_space<hbm>>
      tpu.enqueue_dma source(%dma_start3A_310 : memref<128xi32, #tpu.memory_space<hbm>>) target(%dma_start3A_307 : memref<128xi32, #tpu.memory_space<vmem>>) target_semaphore(%arg11 : memref<!tpu.dma_semaphore, #tpu.memory_space<semaphore_mem>>)
      %dma_wait3A_311 = arith.constant 0 : i32
      %dma_wait3A_312 = arith.constant 0 : i32
      %dma_wait3A_313 = arith.constant 0 : i32
      %dma_wait3A_314 = arith.constant 0 : i32
      %dma_wait3A_315 = tpu.memref_slice %arg7[%dma_wait3A_313, %dma_wait3A_314] : memref<3x128xi32, #tpu.memory_space<vmem>> -> memref<1x128xi32, #tpu.memory_space<vmem>>
      %dma_wait3A_316 = tpu.memref_squeeze %dma_wait3A_315 : memref<1x128xi32, #tpu.memory_space<vmem>> -> memref<128xi32, #tpu.memory_space<vmem>>
      %dma_wait3A_317 = arith.constant 0 : i32
      %dma_wait3A_318 = tpu.memref_slice %arg3[%dma_wait3A_311, %dma_wait3A_312, %dma_wait3A_317] : memref<32x79x128xi32, #tpu.memory_space<hbm>> -> memref<1x1x128xi32, #tpu.memory_space<hbm>>
      %dma_wait3A_319 = tpu.memref_squeeze %dma_wait3A_318 : memref<1x1x128xi32, #tpu.memory_space<hbm>> -> memref<128xi32, #tpu.memory_space<hbm>>
      %dma_wait3A_320 = arith.constant 0 : i32
      %dma_wait3A_321 = tpu.memref_slice %arg7[%dma_wait3A_313, %dma_wait3A_320] : memref<3x128xi32, #tpu.memory_space<vmem>> -> memref<1x128xi32, #tpu.memory_space<vmem>>
      %dma_wait3A_322 = tpu.memref_squeeze %dma_wait3A_321 : memref<1x128xi32, #tpu.memory_space<vmem>> -> memref<128xi32, #tpu.memory_space<vmem>>
      %dma_wait3A_323 = arith.constant 0 : i32
      %dma_wait3A_324 = tpu.memref_slice %arg3[%dma_wait3A_311, %dma_wait3A_312, %dma_wait3A_323] : memref<32x79x128xi32, #tpu.memory_space<hbm>> -> memref<1x1x128xi32, #tpu.memory_space<hbm>>
      %dma_wait3A_325 = tpu.memref_squeeze %dma_wait3A_324 : memref<1x1x128xi32, #tpu.memory_space<hbm>> -> memref<128xi32, #tpu.memory_space<hbm>>
      tpu.wait_dma2 semaphore(%arg11 : memref<!tpu.dma_semaphore, #tpu.memory_space<semaphore_mem>>) src(%dma_wait3A_325 : memref<128xi32, #tpu.memory_space<hbm>>) dst(%dma_wait3A_322 : memref<128xi32, #tpu.memory_space<vmem>>)
      %dma_wait3A_326 = arith.constant 0 : i32
      %dma_wait3A_327 = arith.constant 0 : i32
      %dma_wait3A_328 = arith.constant 0 : i32
      %dma_wait3A_329 = arith.constant 0 : i32
      %dma_wait3A_330 = tpu.memref_slice %arg8[%dma_wait3A_328, %dma_wait3A_329] : memref<3x128xi32, #tpu.memory_space<vmem>> -> memref<1x128xi32, #tpu.memory_space<vmem>>
      %dma_wait3A_331 = tpu.memref_squeeze %dma_wait3A_330 : memref<1x128xi32, #tpu.memory_space<vmem>> -> memref<128xi32, #tpu.memory_space<vmem>>
      %dma_wait3A_332 = arith.constant 0 : i32
      %dma_wait3A_333 = tpu.memref_slice %arg3[%dma_wait3A_326, %dma_wait3A_327, %dma_wait3A_332] : memref<32x79x128xi32, #tpu.memory_space<hbm>> -> memref<1x1x128xi32, #tpu.memory_space<hbm>>
      %dma_wait3A_334 = tpu.memref_squeeze %dma_wait3A_333 : memref<1x1x128xi32, #tpu.memory_space<hbm>> -> memref<128xi32, #tpu.memory_space<hbm>>
      %dma_wait3A_335 = arith.constant 0 : i32
      %dma_wait3A_336 = tpu.memref_slice %arg8[%dma_wait3A_328, %dma_wait3A_335] : memref<3x128xi32, #tpu.memory_space<vmem>> -> memref<1x128xi32, #tpu.memory_space<vmem>>
      %dma_wait3A_337 = tpu.memref_squeeze %dma_wait3A_336 : memref<1x128xi32, #tpu.memory_space<vmem>> -> memref<128xi32, #tpu.memory_space<vmem>>
      %dma_wait3A_338 = arith.constant 0 : i32
      %dma_wait3A_339 = tpu.memref_slice %arg3[%dma_wait3A_326, %dma_wait3A_327, %dma_wait3A_338] : memref<32x79x128xi32, #tpu.memory_space<hbm>> -> memref<1x1x128xi32, #tpu.memory_space<hbm>>
      %dma_wait3A_340 = tpu.memref_squeeze %dma_wait3A_339 : memref<1x1x128xi32, #tpu.memory_space<hbm>> -> memref<128xi32, #tpu.memory_space<hbm>>
      tpu.wait_dma2 semaphore(%arg11 : memref<!tpu.dma_semaphore, #tpu.memory_space<semaphore_mem>>) src(%dma_wait3A_340 : memref<128xi32, #tpu.memory_space<hbm>>) dst(%dma_wait3A_337 : memref<128xi32, #tpu.memory_space<vmem>>)
      %dma_start3A_341 = arith.constant 2 : i32
      %dma_start3A_342 = arith.constant 2 : i32
      %dma_start3A_343 = arith.constant 0 : i32
      %dma_start3A_344 = arith.constant 0 : i32
      %dma_start3A_345 = tpu.memref_slice %arg9[%dma_start3A_342, %dma_start3A_343, %dma_start3A_344] : memref<3x128x128xf32, #tpu.memory_space<vmem>> -> memref<1x128x128xf32, #tpu.memory_space<vmem>>
      %dma_start3A_346 = tpu.memref_squeeze %dma_start3A_345 : memref<1x128x128xf32, #tpu.memory_space<vmem>> -> memref<128x128xf32, #tpu.memory_space<vmem>>
      %dma_start3A_347 = arith.constant 0 : i32
      %dma_start3A_348 = tpu.memref_slice %arg7[%dma_start3A_341, %dma_start3A_347] : memref<3x128xi32, #tpu.memory_space<vmem>> -> memref<1x128xi32, #tpu.memory_space<vmem>>
      %dma_start3A_349 = tpu.memref_squeeze %dma_start3A_348 : memref<1x128xi32, #tpu.memory_space<vmem>> -> memref<128xi32, #tpu.memory_space<vmem>>
      %dma_start3A_350 = arith.constant 0 : i32
      %dma_start3A_351 = arith.constant 0 : i32
      %dma_start3A_352 = tpu.memref_slice %arg2[%dma_start3A_350, %dma_start3A_351] : memref<10000x128xf32, #tpu.memory_space<hbm>> -> memref<10000x128xf32, #tpu.memory_space<hbm>>
      tpu.enqueue_indirect_dma source(%dma_start3A_352 : memref<10000x128xf32, #tpu.memory_space<hbm>>) target(%dma_start3A_346 : memref<128x128xf32, #tpu.memory_space<vmem>>) offsets(%dma_start3A_349 : memref<128xi32, #tpu.memory_space<vmem>>) semaphore(%arg12 : memref<!tpu.dma_semaphore, #tpu.memory_space<semaphore_mem>>)
      %dma_start3A_353 = arith.constant 1 : i32
      %dma_start3A_354 = arith.constant 1 : i32
      %dma_start3A_355 = arith.constant 0 : i32
      %dma_start3A_356 = arith.constant 0 : i32
      %dma_start3A_357 = tpu.memref_slice %arg9[%dma_start3A_353, %dma_start3A_355, %dma_start3A_356] : memref<3x128x128xf32, #tpu.memory_space<vmem>> -> memref<1x128x128xf32, #tpu.memory_space<vmem>>
      %dma_start3A_358 = tpu.memref_squeeze %dma_start3A_357 : memref<1x128x128xf32, #tpu.memory_space<vmem>> -> memref<128x128xf32, #tpu.memory_space<vmem>>
      %dma_start3A_359 = arith.constant 0 : i32
      %dma_start3A_360 = tpu.memref_slice %arg8[%dma_start3A_354, %dma_start3A_359] : memref<3x128xi32, #tpu.memory_space<vmem>> -> memref<1x128xi32, #tpu.memory_space<vmem>>
      %dma_start3A_361 = tpu.memref_squeeze %dma_start3A_360 : memref<1x128xi32, #tpu.memory_space<vmem>> -> memref<128xi32, #tpu.memory_space<vmem>>
      %dma_start3A_362 = arith.constant 0 : i32
      %dma_start3A_363 = arith.constant 0 : i32
      %dma_start3A_364 = tpu.memref_slice %arg10[%dma_start3A_362, %dma_start3A_363] : memref<10112x128xf32, #tpu.memory_space<vmem_shared>> -> memref<10112x128xf32, #tpu.memory_space<vmem_shared>>
      tpu.enqueue_indirect_dma source(%dma_start3A_358 : memref<128x128xf32, #tpu.memory_space<vmem>>) target(%dma_start3A_364 : memref<10112x128xf32, #tpu.memory_space<vmem_shared>>) offsets(%dma_start3A_361 : memref<128xi32, #tpu.memory_space<vmem>>) semaphore(%arg13 : memref<!tpu.dma_semaphore, #tpu.memory_space<semaphore_mem>>) {add = true}
      %mul3A_365 = arith.constant 3 : i32
      %mul3A_366 = arith.muli %mul3A_365, %scan3A_253 : i32
      %add3A_367 = arith.constant 2 : i32
      %add3A_368 = arith.addi %mul3A_366, %add3A_367 : i32
      %dma_wait3A_369 = arith.constant 0 : i32
      %dma_wait3A_370 = arith.constant 2 : i32
      %dma_wait3A_371 = arith.constant 0 : i32
      %dma_wait3A_372 = arith.constant 0 : i32
      %dma_wait3A_373 = tpu.memref_slice %arg9[%dma_wait3A_370, %dma_wait3A_371, %dma_wait3A_372] : memref<3x128x128xf32, #tpu.memory_space<vmem>> -> memref<1x128x128xf32, #tpu.memory_space<vmem>>
      %dma_wait3A_374 = tpu.memref_squeeze %dma_wait3A_373 : memref<1x128x128xf32, #tpu.memory_space<vmem>> -> memref<128x128xf32, #tpu.memory_space<vmem>>
      %dma_wait3A_375 = arith.constant 0 : i32
      %dma_wait3A_376 = tpu.memref_slice %arg7[%dma_wait3A_369, %dma_wait3A_375] : memref<3x128xi32, #tpu.memory_space<vmem>> -> memref<1x128xi32, #tpu.memory_space<vmem>>
      %dma_wait3A_377 = tpu.memref_squeeze %dma_wait3A_376 : memref<1x128xi32, #tpu.memory_space<vmem>> -> memref<128xi32, #tpu.memory_space<vmem>>
      %dma_wait3A_378 = arith.constant 0 : i32
      %dma_wait3A_379 = arith.constant 0 : i32
      %dma_wait3A_380 = tpu.memref_slice %arg2[%dma_wait3A_378, %dma_wait3A_379] : memref<10000x128xf32, #tpu.memory_space<hbm>> -> memref<10000x128xf32, #tpu.memory_space<hbm>>
      tpu.wait_indirect_dma semaphore(%arg12 : memref<!tpu.dma_semaphore, #tpu.memory_space<semaphore_mem>>) src(%dma_wait3A_380 : memref<10000x128xf32, #tpu.memory_space<hbm>>) dst(%dma_wait3A_374 : memref<128x128xf32, #tpu.memory_space<vmem>>)
      %dma_wait3A_381 = arith.constant 1 : i32
      %dma_wait3A_382 = arith.constant 0 : i32
      %dma_wait3A_383 = arith.constant 0 : i32
      %dma_wait3A_384 = arith.constant 0 : i32
      %dma_wait3A_385 = tpu.memref_slice %arg9[%dma_wait3A_381, %dma_wait3A_383, %dma_wait3A_384] : memref<3x128x128xf32, #tpu.memory_space<vmem>> -> memref<1x128x128xf32, #tpu.memory_space<vmem>>
      %dma_wait3A_386 = tpu.memref_squeeze %dma_wait3A_385 : memref<1x128x128xf32, #tpu.memory_space<vmem>> -> memref<128x128xf32, #tpu.memory_space<vmem>>
      %dma_wait3A_387 = arith.constant 0 : i32
      %dma_wait3A_388 = tpu.memref_slice %arg8[%dma_wait3A_382, %dma_wait3A_387] : memref<3x128xi32, #tpu.memory_space<vmem>> -> memref<1x128xi32, #tpu.memory_space<vmem>>
      %dma_wait3A_389 = tpu.memref_squeeze %dma_wait3A_388 : memref<1x128xi32, #tpu.memory_space<vmem>> -> memref<128xi32, #tpu.memory_space<vmem>>
      %dma_wait3A_390 = arith.constant 0 : i32
      %dma_wait3A_391 = arith.constant 0 : i32
      %dma_wait3A_392 = tpu.memref_slice %arg10[%dma_wait3A_390, %dma_wait3A_391] : memref<10112x128xf32, #tpu.memory_space<vmem_shared>> -> memref<10112x128xf32, #tpu.memory_space<vmem_shared>>
      tpu.wait_indirect_dma semaphore(%arg13 : memref<!tpu.dma_semaphore, #tpu.memory_space<semaphore_mem>>) src(%dma_wait3A_386 : memref<128x128xf32, #tpu.memory_space<vmem>>) dst(%dma_wait3A_392 : memref<10112x128xf32, #tpu.memory_space<vmem_shared>>)
      %add3A_393 = arith.constant 2 : i32
      %add3A_394 = arith.addi %add3A_368, %add3A_393 : i32
      %rem3A_395 = arith.constant 79 : i32
      %rem3A_396 = arith.remsi %add3A_394, %rem3A_395 : i32
      %dma_start3A_397 = arith.constant 1 : i32
      %dma_start3A_398 = arith.constant 0 : i32
      %dma_start3A_399 = tpu.memref_slice %arg7[%dma_start3A_397, %dma_start3A_398] : memref<3x128xi32, #tpu.memory_space<vmem>> -> memref<1x128xi32, #tpu.memory_space<vmem>>
      %dma_start3A_400 = tpu.memref_squeeze %dma_start3A_399 : memref<1x128xi32, #tpu.memory_space<vmem>> -> memref<128xi32, #tpu.memory_space<vmem>>
      %dma_start3A_401 = arith.constant 0 : i32
      %dma_start3A_402 = tpu.memref_slice %arg3[%add3A, %rem3A_396, %dma_start3A_401] : memref<32x79x128xi32, #tpu.memory_space<hbm>> -> memref<1x1x128xi32, #tpu.memory_space<hbm>>
      %dma_start3A_403 = tpu.memref_squeeze %dma_start3A_402 : memref<1x1x128xi32, #tpu.memory_space<hbm>> -> memref<128xi32, #tpu.memory_space<hbm>>
      %dma_start3A_404 = arith.constant 0 : i32
      %dma_start3A_405 = tpu.memref_slice %arg7[%dma_start3A_397, %dma_start3A_404] : memref<3x128xi32, #tpu.memory_space<vmem>> -> memref<1x128xi32, #tpu.memory_space<vmem>>
      %dma_start3A_406 = tpu.memref_squeeze %dma_start3A_405 : memref<1x128xi32, #tpu.memory_space<vmem>> -> memref<128xi32, #tpu.memory_space<vmem>>
      %dma_start3A_407 = arith.constant 0 : i32
      %dma_start3A_408 = tpu.memref_slice %arg3[%add3A, %rem3A_396, %dma_start3A_407] : memref<32x79x128xi32, #tpu.memory_space<hbm>> -> memref<1x1x128xi32, #tpu.memory_space<hbm>>
      %dma_start3A_409 = tpu.memref_squeeze %dma_start3A_408 : memref<1x1x128xi32, #tpu.memory_space<hbm>> -> memref<128xi32, #tpu.memory_space<hbm>>
      tpu.enqueue_dma source(%dma_start3A_409 : memref<128xi32, #tpu.memory_space<hbm>>) target(%dma_start3A_406 : memref<128xi32, #tpu.memory_space<vmem>>) target_semaphore(%arg11 : memref<!tpu.dma_semaphore, #tpu.memory_space<semaphore_mem>>)
      %dma_start3A_410 = arith.constant 1 : i32
      %dma_start3A_411 = arith.constant 0 : i32
      %dma_start3A_412 = tpu.memref_slice %arg8[%dma_start3A_410, %dma_start3A_411] : memref<3x128xi32, #tpu.memory_space<vmem>> -> memref<1x128xi32, #tpu.memory_space<vmem>>
      %dma_start3A_413 = tpu.memref_squeeze %dma_start3A_412 : memref<1x128xi32, #tpu.memory_space<vmem>> -> memref<128xi32, #tpu.memory_space<vmem>>
      %dma_start3A_414 = arith.constant 0 : i32
      %dma_start3A_415 = tpu.memref_slice %arg4[%add3A, %rem3A_396, %dma_start3A_414] : memref<32x79x128xi32, #tpu.memory_space<hbm>> -> memref<1x1x128xi32, #tpu.memory_space<hbm>>
      %dma_start3A_416 = tpu.memref_squeeze %dma_start3A_415 : memref<1x1x128xi32, #tpu.memory_space<hbm>> -> memref<128xi32, #tpu.memory_space<hbm>>
      %dma_start3A_417 = arith.constant 0 : i32
      %dma_start3A_418 = tpu.memref_slice %arg8[%dma_start3A_410, %dma_start3A_417] : memref<3x128xi32, #tpu.memory_space<vmem>> -> memref<1x128xi32, #tpu.memory_space<vmem>>
      %dma_start3A_419 = tpu.memref_squeeze %dma_start3A_418 : memref<1x128xi32, #tpu.memory_space<vmem>> -> memref<128xi32, #tpu.memory_space<vmem>>
      %dma_start3A_420 = arith.constant 0 : i32
      %dma_start3A_421 = tpu.memref_slice %arg4[%add3A, %rem3A_396, %dma_start3A_420] : memref<32x79x128xi32, #tpu.memory_space<hbm>> -> memref<1x1x128xi32, #tpu.memory_space<hbm>>
      %dma_start3A_422 = tpu.memref_squeeze %dma_start3A_421 : memref<1x1x128xi32, #tpu.memory_space<hbm>> -> memref<128xi32, #tpu.memory_space<hbm>>
      tpu.enqueue_dma source(%dma_start3A_422 : memref<128xi32, #tpu.memory_space<hbm>>) target(%dma_start3A_419 : memref<128xi32, #tpu.memory_space<vmem>>) target_semaphore(%arg11 : memref<!tpu.dma_semaphore, #tpu.memory_space<semaphore_mem>>)
      %dma_wait3A_423 = arith.constant 0 : i32
      %dma_wait3A_424 = arith.constant 0 : i32
      %dma_wait3A_425 = arith.constant 0 : i32
      %dma_wait3A_426 = arith.constant 0 : i32
      %dma_wait3A_427 = tpu.memref_slice %arg7[%dma_wait3A_425, %dma_wait3A_426] : memref<3x128xi32, #tpu.memory_space<vmem>> -> memref<1x128xi32, #tpu.memory_space<vmem>>
      %dma_wait3A_428 = tpu.memref_squeeze %dma_wait3A_427 : memref<1x128xi32, #tpu.memory_space<vmem>> -> memref<128xi32, #tpu.memory_space<vmem>>
      %dma_wait3A_429 = arith.constant 0 : i32
      %dma_wait3A_430 = tpu.memref_slice %arg3[%dma_wait3A_423, %dma_wait3A_424, %dma_wait3A_429] : memref<32x79x128xi32, #tpu.memory_space<hbm>> -> memref<1x1x128xi32, #tpu.memory_space<hbm>>
      %dma_wait3A_431 = tpu.memref_squeeze %dma_wait3A_430 : memref<1x1x128xi32, #tpu.memory_space<hbm>> -> memref<128xi32, #tpu.memory_space<hbm>>
      %dma_wait3A_432 = arith.constant 0 : i32
      %dma_wait3A_433 = tpu.memref_slice %arg7[%dma_wait3A_425, %dma_wait3A_432] : memref<3x128xi32, #tpu.memory_space<vmem>> -> memref<1x128xi32, #tpu.memory_space<vmem>>
      %dma_wait3A_434 = tpu.memref_squeeze %dma_wait3A_433 : memref<1x128xi32, #tpu.memory_space<vmem>> -> memref<128xi32, #tpu.memory_space<vmem>>
      %dma_wait3A_435 = arith.constant 0 : i32
      %dma_wait3A_436 = tpu.memref_slice %arg3[%dma_wait3A_423, %dma_wait3A_424, %dma_wait3A_435] : memref<32x79x128xi32, #tpu.memory_space<hbm>> -> memref<1x1x128xi32, #tpu.memory_space<hbm>>
      %dma_wait3A_437 = tpu.memref_squeeze %dma_wait3A_436 : memref<1x1x128xi32, #tpu.memory_space<hbm>> -> memref<128xi32, #tpu.memory_space<hbm>>
      tpu.wait_dma2 semaphore(%arg11 : memref<!tpu.dma_semaphore, #tpu.memory_space<semaphore_mem>>) src(%dma_wait3A_437 : memref<128xi32, #tpu.memory_space<hbm>>) dst(%dma_wait3A_434 : memref<128xi32, #tpu.memory_space<vmem>>)
      %dma_wait3A_438 = arith.constant 0 : i32
      %dma_wait3A_439 = arith.constant 0 : i32
      %dma_wait3A_440 = arith.constant 0 : i32
      %dma_wait3A_441 = arith.constant 0 : i32
      %dma_wait3A_442 = tpu.memref_slice %arg8[%dma_wait3A_440, %dma_wait3A_441] : memref<3x128xi32, #tpu.memory_space<vmem>> -> memref<1x128xi32, #tpu.memory_space<vmem>>
      %dma_wait3A_443 = tpu.memref_squeeze %dma_wait3A_442 : memref<1x128xi32, #tpu.memory_space<vmem>> -> memref<128xi32, #tpu.memory_space<vmem>>
      %dma_wait3A_444 = arith.constant 0 : i32
      %dma_wait3A_445 = tpu.memref_slice %arg3[%dma_wait3A_438, %dma_wait3A_439, %dma_wait3A_444] : memref<32x79x128xi32, #tpu.memory_space<hbm>> -> memref<1x1x128xi32, #tpu.memory_space<hbm>>
      %dma_wait3A_446 = tpu.memref_squeeze %dma_wait3A_445 : memref<1x1x128xi32, #tpu.memory_space<hbm>> -> memref<128xi32, #tpu.memory_space<hbm>>
      %dma_wait3A_447 = arith.constant 0 : i32
      %dma_wait3A_448 = tpu.memref_slice %arg8[%dma_wait3A_440, %dma_wait3A_447] : memref<3x128xi32, #tpu.memory_space<vmem>> -> memref<1x128xi32, #tpu.memory_space<vmem>>
      %dma_wait3A_449 = tpu.memref_squeeze %dma_wait3A_448 : memref<1x128xi32, #tpu.memory_space<vmem>> -> memref<128xi32, #tpu.memory_space<vmem>>
      %dma_wait3A_450 = arith.constant 0 : i32
      %dma_wait3A_451 = tpu.memref_slice %arg3[%dma_wait3A_438, %dma_wait3A_439, %dma_wait3A_450] : memref<32x79x128xi32, #tpu.memory_space<hbm>> -> memref<1x1x128xi32, #tpu.memory_space<hbm>>
      %dma_wait3A_452 = tpu.memref_squeeze %dma_wait3A_451 : memref<1x1x128xi32, #tpu.memory_space<hbm>> -> memref<128xi32, #tpu.memory_space<hbm>>
      tpu.wait_dma2 semaphore(%arg11 : memref<!tpu.dma_semaphore, #tpu.memory_space<semaphore_mem>>) src(%dma_wait3A_452 : memref<128xi32, #tpu.memory_space<hbm>>) dst(%dma_wait3A_449 : memref<128xi32, #tpu.memory_space<vmem>>)
      %dma_start3A_453 = arith.constant 0 : i32
      %dma_start3A_454 = arith.constant 0 : i32
      %dma_start3A_455 = arith.constant 0 : i32
      %dma_start3A_456 = arith.constant 0 : i32
      %dma_start3A_457 = tpu.memref_slice %arg9[%dma_start3A_454, %dma_start3A_455, %dma_start3A_456] : memref<3x128x128xf32, #tpu.memory_space<vmem>> -> memref<1x128x128xf32, #tpu.memory_space<vmem>>
      %dma_start3A_458 = tpu.memref_squeeze %dma_start3A_457 : memref<1x128x128xf32, #tpu.memory_space<vmem>> -> memref<128x128xf32, #tpu.memory_space<vmem>>
      %dma_start3A_459 = arith.constant 0 : i32
      %dma_start3A_460 = tpu.memref_slice %arg7[%dma_start3A_453, %dma_start3A_459] : memref<3x128xi32, #tpu.memory_space<vmem>> -> memref<1x128xi32, #tpu.memory_space<vmem>>
      %dma_start3A_461 = tpu.memref_squeeze %dma_start3A_460 : memref<1x128xi32, #tpu.memory_space<vmem>> -> memref<128xi32, #tpu.memory_space<vmem>>
      %dma_start3A_462 = arith.constant 0 : i32
      %dma_start3A_463 = arith.constant 0 : i32
      %dma_start3A_464 = tpu.memref_slice %arg2[%dma_start3A_462, %dma_start3A_463] : memref<10000x128xf32, #tpu.memory_space<hbm>> -> memref<10000x128xf32, #tpu.memory_space<hbm>>
      tpu.enqueue_indirect_dma source(%dma_start3A_464 : memref<10000x128xf32, #tpu.memory_space<hbm>>) target(%dma_start3A_458 : memref<128x128xf32, #tpu.memory_space<vmem>>) offsets(%dma_start3A_461 : memref<128xi32, #tpu.memory_space<vmem>>) semaphore(%arg12 : memref<!tpu.dma_semaphore, #tpu.memory_space<semaphore_mem>>)
      %dma_start3A_465 = arith.constant 2 : i32
      %dma_start3A_466 = arith.constant 2 : i32
      %dma_start3A_467 = arith.constant 0 : i32
      %dma_start3A_468 = arith.constant 0 : i32
      %dma_start3A_469 = tpu.memref_slice %arg9[%dma_start3A_465, %dma_start3A_467, %dma_start3A_468] : memref<3x128x128xf32, #tpu.memory_space<vmem>> -> memref<1x128x128xf32, #tpu.memory_space<vmem>>
      %dma_start3A_470 = tpu.memref_squeeze %dma_start3A_469 : memref<1x128x128xf32, #tpu.memory_space<vmem>> -> memref<128x128xf32, #tpu.memory_space<vmem>>
      %dma_start3A_471 = arith.constant 0 : i32
      %dma_start3A_472 = tpu.memref_slice %arg8[%dma_start3A_466, %dma_start3A_471] : memref<3x128xi32, #tpu.memory_space<vmem>> -> memref<1x128xi32, #tpu.memory_space<vmem>>
      %dma_start3A_473 = tpu.memref_squeeze %dma_start3A_472 : memref<1x128xi32, #tpu.memory_space<vmem>> -> memref<128xi32, #tpu.memory_space<vmem>>
      %dma_start3A_474 = arith.constant 0 : i32
      %dma_start3A_475 = arith.constant 0 : i32
      %dma_start3A_476 = tpu.memref_slice %arg10[%dma_start3A_474, %dma_start3A_475] : memref<10112x128xf32, #tpu.memory_space<vmem_shared>> -> memref<10112x128xf32, #tpu.memory_space<vmem_shared>>
      tpu.enqueue_indirect_dma source(%dma_start3A_470 : memref<128x128xf32, #tpu.memory_space<vmem>>) target(%dma_start3A_476 : memref<10112x128xf32, #tpu.memory_space<vmem_shared>>) offsets(%dma_start3A_473 : memref<128xi32, #tpu.memory_space<vmem>>) semaphore(%arg13 : memref<!tpu.dma_semaphore, #tpu.memory_space<semaphore_mem>>) {add = true}
      %mul3A_477 = arith.constant 3 : i32
      %mul3A_478 = arith.muli %mul3A_477, %scan3A_253 : i32
      %add3A_479 = arith.constant 3 : i32
      %add3A_480 = arith.addi %mul3A_478, %add3A_479 : i32
      %dma_wait3A_481 = arith.constant 0 : i32
      %dma_wait3A_482 = arith.constant 0 : i32
      %dma_wait3A_483 = arith.constant 0 : i32
      %dma_wait3A_484 = arith.constant 0 : i32
      %dma_wait3A_485 = tpu.memref_slice %arg9[%dma_wait3A_482, %dma_wait3A_483, %dma_wait3A_484] : memref<3x128x128xf32, #tpu.memory_space<vmem>> -> memref<1x128x128xf32, #tpu.memory_space<vmem>>
      %dma_wait3A_486 = tpu.memref_squeeze %dma_wait3A_485 : memref<1x128x128xf32, #tpu.memory_space<vmem>> -> memref<128x128xf32, #tpu.memory_space<vmem>>
      %dma_wait3A_487 = arith.constant 0 : i32
      %dma_wait3A_488 = tpu.memref_slice %arg7[%dma_wait3A_481, %dma_wait3A_487] : memref<3x128xi32, #tpu.memory_space<vmem>> -> memref<1x128xi32, #tpu.memory_space<vmem>>
      %dma_wait3A_489 = tpu.memref_squeeze %dma_wait3A_488 : memref<1x128xi32, #tpu.memory_space<vmem>> -> memref<128xi32, #tpu.memory_space<vmem>>
      %dma_wait3A_490 = arith.constant 0 : i32
      %dma_wait3A_491 = arith.constant 0 : i32
      %dma_wait3A_492 = tpu.memref_slice %arg2[%dma_wait3A_490, %dma_wait3A_491] : memref<10000x128xf32, #tpu.memory_space<hbm>> -> memref<10000x128xf32, #tpu.memory_space<hbm>>
      tpu.wait_indirect_dma semaphore(%arg12 : memref<!tpu.dma_semaphore, #tpu.memory_space<semaphore_mem>>) src(%dma_wait3A_492 : memref<10000x128xf32, #tpu.memory_space<hbm>>) dst(%dma_wait3A_486 : memref<128x128xf32, #tpu.memory_space<vmem>>)
      %dma_wait3A_493 = arith.constant 2 : i32
      %dma_wait3A_494 = arith.constant 0 : i32
      %dma_wait3A_495 = arith.constant 0 : i32
      %dma_wait3A_496 = arith.constant 0 : i32
      %dma_wait3A_497 = tpu.memref_slice %arg9[%dma_wait3A_493, %dma_wait3A_495, %dma_wait3A_496] : memref<3x128x128xf32, #tpu.memory_space<vmem>> -> memref<1x128x128xf32, #tpu.memory_space<vmem>>
      %dma_wait3A_498 = tpu.memref_squeeze %dma_wait3A_497 : memref<1x128x128xf32, #tpu.memory_space<vmem>> -> memref<128x128xf32, #tpu.memory_space<vmem>>
      %dma_wait3A_499 = arith.constant 0 : i32
      %dma_wait3A_500 = tpu.memref_slice %arg8[%dma_wait3A_494, %dma_wait3A_499] : memref<3x128xi32, #tpu.memory_space<vmem>> -> memref<1x128xi32, #tpu.memory_space<vmem>>
      %dma_wait3A_501 = tpu.memref_squeeze %dma_wait3A_500 : memref<1x128xi32, #tpu.memory_space<vmem>> -> memref<128xi32, #tpu.memory_space<vmem>>
      %dma_wait3A_502 = arith.constant 0 : i32
      %dma_wait3A_503 = arith.constant 0 : i32
      %dma_wait3A_504 = tpu.memref_slice %arg10[%dma_wait3A_502, %dma_wait3A_503] : memref<10112x128xf32, #tpu.memory_space<vmem_shared>> -> memref<10112x128xf32, #tpu.memory_space<vmem_shared>>
      tpu.wait_indirect_dma semaphore(%arg13 : memref<!tpu.dma_semaphore, #tpu.memory_space<semaphore_mem>>) src(%dma_wait3A_498 : memref<128x128xf32, #tpu.memory_space<vmem>>) dst(%dma_wait3A_504 : memref<10112x128xf32, #tpu.memory_space<vmem_shared>>)
      %add3A_505 = arith.constant 2 : i32
      %add3A_506 = arith.addi %add3A_480, %add3A_505 : i32
      %rem3A_507 = arith.constant 79 : i32
      %rem3A_508 = arith.remsi %add3A_506, %rem3A_507 : i32
      %dma_start3A_509 = arith.constant 2 : i32
      %dma_start3A_510 = arith.constant 0 : i32
      %dma_start3A_511 = tpu.memref_slice %arg7[%dma_start3A_509, %dma_start3A_510] : memref<3x128xi32, #tpu.memory_space<vmem>> -> memref<1x128xi32, #tpu.memory_space<vmem>>
      %dma_start3A_512 = tpu.memref_squeeze %dma_start3A_511 : memref<1x128xi32, #tpu.memory_space<vmem>> -> memref<128xi32, #tpu.memory_space<vmem>>
      %dma_start3A_513 = arith.constant 0 : i32
      %dma_start3A_514 = tpu.memref_slice %arg3[%add3A, %rem3A_508, %dma_start3A_513] : memref<32x79x128xi32, #tpu.memory_space<hbm>> -> memref<1x1x128xi32, #tpu.memory_space<hbm>>
      %dma_start3A_515 = tpu.memref_squeeze %dma_start3A_514 : memref<1x1x128xi32, #tpu.memory_space<hbm>> -> memref<128xi32, #tpu.memory_space<hbm>>
      %dma_start3A_516 = arith.constant 0 : i32
      %dma_start3A_517 = tpu.memref_slice %arg7[%dma_start3A_509, %dma_start3A_516] : memref<3x128xi32, #tpu.memory_space<vmem>> -> memref<1x128xi32, #tpu.memory_space<vmem>>
      %dma_start3A_518 = tpu.memref_squeeze %dma_start3A_517 : memref<1x128xi32, #tpu.memory_space<vmem>> -> memref<128xi32, #tpu.memory_space<vmem>>
      %dma_start3A_519 = arith.constant 0 : i32
      %dma_start3A_520 = tpu.memref_slice %arg3[%add3A, %rem3A_508, %dma_start3A_519] : memref<32x79x128xi32, #tpu.memory_space<hbm>> -> memref<1x1x128xi32, #tpu.memory_space<hbm>>
      %dma_start3A_521 = tpu.memref_squeeze %dma_start3A_520 : memref<1x1x128xi32, #tpu.memory_space<hbm>> -> memref<128xi32, #tpu.memory_space<hbm>>
      tpu.enqueue_dma source(%dma_start3A_521 : memref<128xi32, #tpu.memory_space<hbm>>) target(%dma_start3A_518 : memref<128xi32, #tpu.memory_space<vmem>>) target_semaphore(%arg11 : memref<!tpu.dma_semaphore, #tpu.memory_space<semaphore_mem>>)
      %dma_start3A_522 = arith.constant 2 : i32
      %dma_start3A_523 = arith.constant 0 : i32
      %dma_start3A_524 = tpu.memref_slice %arg8[%dma_start3A_522, %dma_start3A_523] : memref<3x128xi32, #tpu.memory_space<vmem>> -> memref<1x128xi32, #tpu.memory_space<vmem>>
      %dma_start3A_525 = tpu.memref_squeeze %dma_start3A_524 : memref<1x128xi32, #tpu.memory_space<vmem>> -> memref<128xi32, #tpu.memory_space<vmem>>
      %dma_start3A_526 = arith.constant 0 : i32
      %dma_start3A_527 = tpu.memref_slice %arg4[%add3A, %rem3A_508, %dma_start3A_526] : memref<32x79x128xi32, #tpu.memory_space<hbm>> -> memref<1x1x128xi32, #tpu.memory_space<hbm>>
      %dma_start3A_528 = tpu.memref_squeeze %dma_start3A_527 : memref<1x1x128xi32, #tpu.memory_space<hbm>> -> memref<128xi32, #tpu.memory_space<hbm>>
      %dma_start3A_529 = arith.constant 0 : i32
      %dma_start3A_530 = tpu.memref_slice %arg8[%dma_start3A_522, %dma_start3A_529] : memref<3x128xi32, #tpu.memory_space<vmem>> -> memref<1x128xi32, #tpu.memory_space<vmem>>
      %dma_start3A_531 = tpu.memref_squeeze %dma_start3A_530 : memref<1x128xi32, #tpu.memory_space<vmem>> -> memref<128xi32, #tpu.memory_space<vmem>>
      %dma_start3A_532 = arith.constant 0 : i32
      %dma_start3A_533 = tpu.memref_slice %arg4[%add3A, %rem3A_508, %dma_start3A_532] : memref<32x79x128xi32, #tpu.memory_space<hbm>> -> memref<1x1x128xi32, #tpu.memory_space<hbm>>
      %dma_start3A_534 = tpu.memref_squeeze %dma_start3A_533 : memref<1x1x128xi32, #tpu.memory_space<hbm>> -> memref<128xi32, #tpu.memory_space<hbm>>
      tpu.enqueue_dma source(%dma_start3A_534 : memref<128xi32, #tpu.memory_space<hbm>>) target(%dma_start3A_531 : memref<128xi32, #tpu.memory_space<vmem>>) target_semaphore(%arg11 : memref<!tpu.dma_semaphore, #tpu.memory_space<semaphore_mem>>)
      %dma_wait3A_535 = arith.constant 0 : i32
      %dma_wait3A_536 = arith.constant 0 : i32
      %dma_wait3A_537 = arith.constant 0 : i32
      %dma_wait3A_538 = arith.constant 0 : i32
      %dma_wait3A_539 = tpu.memref_slice %arg7[%dma_wait3A_537, %dma_wait3A_538] : memref<3x128xi32, #tpu.memory_space<vmem>> -> memref<1x128xi32, #tpu.memory_space<vmem>>
      %dma_wait3A_540 = tpu.memref_squeeze %dma_wait3A_539 : memref<1x128xi32, #tpu.memory_space<vmem>> -> memref<128xi32, #tpu.memory_space<vmem>>
      %dma_wait3A_541 = arith.constant 0 : i32
      %dma_wait3A_542 = tpu.memref_slice %arg3[%dma_wait3A_535, %dma_wait3A_536, %dma_wait3A_541] : memref<32x79x128xi32, #tpu.memory_space<hbm>> -> memref<1x1x128xi32, #tpu.memory_space<hbm>>
      %dma_wait3A_543 = tpu.memref_squeeze %dma_wait3A_542 : memref<1x1x128xi32, #tpu.memory_space<hbm>> -> memref<128xi32, #tpu.memory_space<hbm>>
      %dma_wait3A_544 = arith.constant 0 : i32
      %dma_wait3A_545 = tpu.memref_slice %arg7[%dma_wait3A_537, %dma_wait3A_544] : memref<3x128xi32, #tpu.memory_space<vmem>> -> memref<1x128xi32, #tpu.memory_space<vmem>>
      %dma_wait3A_546 = tpu.memref_squeeze %dma_wait3A_545 : memref<1x128xi32, #tpu.memory_space<vmem>> -> memref<128xi32, #tpu.memory_space<vmem>>
      %dma_wait3A_547 = arith.constant 0 : i32
      %dma_wait3A_548 = tpu.memref_slice %arg3[%dma_wait3A_535, %dma_wait3A_536, %dma_wait3A_547] : memref<32x79x128xi32, #tpu.memory_space<hbm>> -> memref<1x1x128xi32, #tpu.memory_space<hbm>>
      %dma_wait3A_549 = tpu.memref_squeeze %dma_wait3A_548 : memref<1x1x128xi32, #tpu.memory_space<hbm>> -> memref<128xi32, #tpu.memory_space<hbm>>
      tpu.wait_dma2 semaphore(%arg11 : memref<!tpu.dma_semaphore, #tpu.memory_space<semaphore_mem>>) src(%dma_wait3A_549 : memref<128xi32, #tpu.memory_space<hbm>>) dst(%dma_wait3A_546 : memref<128xi32, #tpu.memory_space<vmem>>)
      %dma_wait3A_550 = arith.constant 0 : i32
      %dma_wait3A_551 = arith.constant 0 : i32
      %dma_wait3A_552 = arith.constant 0 : i32
      %dma_wait3A_553 = arith.constant 0 : i32
      %dma_wait3A_554 = tpu.memref_slice %arg8[%dma_wait3A_552, %dma_wait3A_553] : memref<3x128xi32, #tpu.memory_space<vmem>> -> memref<1x128xi32, #tpu.memory_space<vmem>>
      %dma_wait3A_555 = tpu.memref_squeeze %dma_wait3A_554 : memref<1x128xi32, #tpu.memory_space<vmem>> -> memref<128xi32, #tpu.memory_space<vmem>>
      %dma_wait3A_556 = arith.constant 0 : i32
      %dma_wait3A_557 = tpu.memref_slice %arg3[%dma_wait3A_550, %dma_wait3A_551, %dma_wait3A_556] : memref<32x79x128xi32, #tpu.memory_space<hbm>> -> memref<1x1x128xi32, #tpu.memory_space<hbm>>
      %dma_wait3A_558 = tpu.memref_squeeze %dma_wait3A_557 : memref<1x1x128xi32, #tpu.memory_space<hbm>> -> memref<128xi32, #tpu.memory_space<hbm>>
      %dma_wait3A_559 = arith.constant 0 : i32
      %dma_wait3A_560 = tpu.memref_slice %arg8[%dma_wait3A_552, %dma_wait3A_559] : memref<3x128xi32, #tpu.memory_space<vmem>> -> memref<1x128xi32, #tpu.memory_space<vmem>>
      %dma_wait3A_561 = tpu.memref_squeeze %dma_wait3A_560 : memref<1x128xi32, #tpu.memory_space<vmem>> -> memref<128xi32, #tpu.memory_space<vmem>>
      %dma_wait3A_562 = arith.constant 0 : i32
      %dma_wait3A_563 = tpu.memref_slice %arg3[%dma_wait3A_550, %dma_wait3A_551, %dma_wait3A_562] : memref<32x79x128xi32, #tpu.memory_space<hbm>> -> memref<1x1x128xi32, #tpu.memory_space<hbm>>
      %dma_wait3A_564 = tpu.memref_squeeze %dma_wait3A_563 : memref<1x1x128xi32, #tpu.memory_space<hbm>> -> memref<128xi32, #tpu.memory_space<hbm>>
      tpu.wait_dma2 semaphore(%arg11 : memref<!tpu.dma_semaphore, #tpu.memory_space<semaphore_mem>>) src(%dma_wait3A_564 : memref<128xi32, #tpu.memory_space<hbm>>) dst(%dma_wait3A_561 : memref<128xi32, #tpu.memory_space<vmem>>)
      %dma_start3A_565 = arith.constant 1 : i32
      %dma_start3A_566 = arith.constant 1 : i32
      %dma_start3A_567 = arith.constant 0 : i32
      %dma_start3A_568 = arith.constant 0 : i32
      %dma_start3A_569 = tpu.memref_slice %arg9[%dma_start3A_566, %dma_start3A_567, %dma_start3A_568] : memref<3x128x128xf32, #tpu.memory_space<vmem>> -> memref<1x128x128xf32, #tpu.memory_space<vmem>>
      %dma_start3A_570 = tpu.memref_squeeze %dma_start3A_569 : memref<1x128x128xf32, #tpu.memory_space<vmem>> -> memref<128x128xf32, #tpu.memory_space<vmem>>
      %dma_start3A_571 = arith.constant 0 : i32
      %dma_start3A_572 = tpu.memref_slice %arg7[%dma_start3A_565, %dma_start3A_571] : memref<3x128xi32, #tpu.memory_space<vmem>> -> memref<1x128xi32, #tpu.memory_space<vmem>>
      %dma_start3A_573 = tpu.memref_squeeze %dma_start3A_572 : memref<1x128xi32, #tpu.memory_space<vmem>> -> memref<128xi32, #tpu.memory_space<vmem>>
      %dma_start3A_574 = arith.constant 0 : i32
      %dma_start3A_575 = arith.constant 0 : i32
      %dma_start3A_576 = tpu.memref_slice %arg2[%dma_start3A_574, %dma_start3A_575] : memref<10000x128xf32, #tpu.memory_space<hbm>> -> memref<10000x128xf32, #tpu.memory_space<hbm>>
      tpu.enqueue_indirect_dma source(%dma_start3A_576 : memref<10000x128xf32, #tpu.memory_space<hbm>>) target(%dma_start3A_570 : memref<128x128xf32, #tpu.memory_space<vmem>>) offsets(%dma_start3A_573 : memref<128xi32, #tpu.memory_space<vmem>>) semaphore(%arg12 : memref<!tpu.dma_semaphore, #tpu.memory_space<semaphore_mem>>)
      %dma_start3A_577 = arith.constant 0 : i32
      %dma_start3A_578 = arith.constant 0 : i32
      %dma_start3A_579 = arith.constant 0 : i32
      %dma_start3A_580 = arith.constant 0 : i32
      %dma_start3A_581 = tpu.memref_slice %arg9[%dma_start3A_577, %dma_start3A_579, %dma_start3A_580] : memref<3x128x128xf32, #tpu.memory_space<vmem>> -> memref<1x128x128xf32, #tpu.memory_space<vmem>>
      %dma_start3A_582 = tpu.memref_squeeze %dma_start3A_581 : memref<1x128x128xf32, #tpu.memory_space<vmem>> -> memref<128x128xf32, #tpu.memory_space<vmem>>
      %dma_start3A_583 = arith.constant 0 : i32
      %dma_start3A_584 = tpu.memref_slice %arg8[%dma_start3A_578, %dma_start3A_583] : memref<3x128xi32, #tpu.memory_space<vmem>> -> memref<1x128xi32, #tpu.memory_space<vmem>>
      %dma_start3A_585 = tpu.memref_squeeze %dma_start3A_584 : memref<1x128xi32, #tpu.memory_space<vmem>> -> memref<128xi32, #tpu.memory_space<vmem>>
      %dma_start3A_586 = arith.constant 0 : i32
      %dma_start3A_587 = arith.constant 0 : i32
      %dma_start3A_588 = tpu.memref_slice %arg10[%dma_start3A_586, %dma_start3A_587] : memref<10112x128xf32, #tpu.memory_space<vmem_shared>> -> memref<10112x128xf32, #tpu.memory_space<vmem_shared>>
      tpu.enqueue_indirect_dma source(%dma_start3A_582 : memref<128x128xf32, #tpu.memory_space<vmem>>) target(%dma_start3A_588 : memref<10112x128xf32, #tpu.memory_space<vmem_shared>>) offsets(%dma_start3A_585 : memref<128xi32, #tpu.memory_space<vmem>>) semaphore(%arg13 : memref<!tpu.dma_semaphore, #tpu.memory_space<semaphore_mem>>) {add = true}
    }
    %scan3A_197 = arith.constant 26 : i32
    %dma_wait3A_198 = arith.constant 0 : i32
    %dma_wait3A_199 = arith.constant 0 : i32
    %dma_wait3A_200 = arith.constant 0 : i32
    %dma_wait3A_201 = arith.constant 0 : i32
    %dma_wait3A_202 = tpu.memref_slice %arg9[%dma_wait3A_198, %dma_wait3A_200, %dma_wait3A_201] : memref<3x128x128xf32, #tpu.memory_space<vmem>> -> memref<1x128x128xf32, #tpu.memory_space<vmem>>
    %dma_wait3A_203 = tpu.memref_squeeze %dma_wait3A_202 : memref<1x128x128xf32, #tpu.memory_space<vmem>> -> memref<128x128xf32, #tpu.memory_space<vmem>>
    %dma_wait3A_204 = arith.constant 0 : i32
    %dma_wait3A_205 = tpu.memref_slice %arg8[%dma_wait3A_199, %dma_wait3A_204] : memref<3x128xi32, #tpu.memory_space<vmem>> -> memref<1x128xi32, #tpu.memory_space<vmem>>
    %dma_wait3A_206 = tpu.memref_squeeze %dma_wait3A_205 : memref<1x128xi32, #tpu.memory_space<vmem>> -> memref<128xi32, #tpu.memory_space<vmem>>
    %dma_wait3A_207 = arith.constant 0 : i32
    %dma_wait3A_208 = arith.constant 0 : i32
    %dma_wait3A_209 = tpu.memref_slice %arg10[%dma_wait3A_207, %dma_wait3A_208] : memref<10112x128xf32, #tpu.memory_space<vmem_shared>> -> memref<10112x128xf32, #tpu.memory_space<vmem_shared>>
    tpu.wait_indirect_dma semaphore(%arg13 : memref<!tpu.dma_semaphore, #tpu.memory_space<semaphore_mem>>) src(%dma_wait3A_203 : memref<128x128xf32, #tpu.memory_space<vmem>>) dst(%dma_wait3A_209 : memref<10112x128xf32, #tpu.memory_space<vmem_shared>>)
    %dma_wait3A_210 = arith.constant 0 : i32
    %dma_wait3A_211 = arith.constant 1 : i32
    %dma_wait3A_212 = arith.constant 0 : i32
    %dma_wait3A_213 = arith.constant 0 : i32
    %dma_wait3A_214 = tpu.memref_slice %arg9[%dma_wait3A_211, %dma_wait3A_212, %dma_wait3A_213] : memref<3x128x128xf32, #tpu.memory_space<vmem>> -> memref<1x128x128xf32, #tpu.memory_space<vmem>>
    %dma_wait3A_215 = tpu.memref_squeeze %dma_wait3A_214 : memref<1x128x128xf32, #tpu.memory_space<vmem>> -> memref<128x128xf32, #tpu.memory_space<vmem>>
    %dma_wait3A_216 = arith.constant 0 : i32
    %dma_wait3A_217 = tpu.memref_slice %arg7[%dma_wait3A_210, %dma_wait3A_216] : memref<3x128xi32, #tpu.memory_space<vmem>> -> memref<1x128xi32, #tpu.memory_space<vmem>>
    %dma_wait3A_218 = tpu.memref_squeeze %dma_wait3A_217 : memref<1x128xi32, #tpu.memory_space<vmem>> -> memref<128xi32, #tpu.memory_space<vmem>>
    %dma_wait3A_219 = arith.constant 0 : i32
    %dma_wait3A_220 = arith.constant 0 : i32
    %dma_wait3A_221 = tpu.memref_slice %arg2[%dma_wait3A_219, %dma_wait3A_220] : memref<10000x128xf32, #tpu.memory_space<hbm>> -> memref<10000x128xf32, #tpu.memory_space<hbm>>
    tpu.wait_indirect_dma semaphore(%arg12 : memref<!tpu.dma_semaphore, #tpu.memory_space<semaphore_mem>>) src(%dma_wait3A_221 : memref<10000x128xf32, #tpu.memory_space<hbm>>) dst(%dma_wait3A_215 : memref<128x128xf32, #tpu.memory_space<vmem>>)
    %dma_wait3A_222 = arith.constant 0 : i32
    %dma_wait3A_223 = arith.constant 0 : i32
    %dma_wait3A_224 = arith.constant 0 : i32
    %dma_wait3A_225 = arith.constant 0 : i32
    %dma_wait3A_226 = tpu.memref_slice %arg7[%dma_wait3A_224, %dma_wait3A_225] : memref<3x128xi32, #tpu.memory_space<vmem>> -> memref<1x128xi32, #tpu.memory_space<vmem>>
    %dma_wait3A_227 = tpu.memref_squeeze %dma_wait3A_226 : memref<1x128xi32, #tpu.memory_space<vmem>> -> memref<128xi32, #tpu.memory_space<vmem>>
    %dma_wait3A_228 = arith.constant 0 : i32
    %dma_wait3A_229 = tpu.memref_slice %arg3[%dma_wait3A_222, %dma_wait3A_223, %dma_wait3A_228] : memref<32x79x128xi32, #tpu.memory_space<hbm>> -> memref<1x1x128xi32, #tpu.memory_space<hbm>>
    %dma_wait3A_230 = tpu.memref_squeeze %dma_wait3A_229 : memref<1x1x128xi32, #tpu.memory_space<hbm>> -> memref<128xi32, #tpu.memory_space<hbm>>
    %dma_wait3A_231 = arith.constant 0 : i32
    %dma_wait3A_232 = tpu.memref_slice %arg7[%dma_wait3A_224, %dma_wait3A_231] : memref<3x128xi32, #tpu.memory_space<vmem>> -> memref<1x128xi32, #tpu.memory_space<vmem>>
    %dma_wait3A_233 = tpu.memref_squeeze %dma_wait3A_232 : memref<1x128xi32, #tpu.memory_space<vmem>> -> memref<128xi32, #tpu.memory_space<vmem>>
    %dma_wait3A_234 = arith.constant 0 : i32
    %dma_wait3A_235 = tpu.memref_slice %arg3[%dma_wait3A_222, %dma_wait3A_223, %dma_wait3A_234] : memref<32x79x128xi32, #tpu.memory_space<hbm>> -> memref<1x1x128xi32, #tpu.memory_space<hbm>>
    %dma_wait3A_236 = tpu.memref_squeeze %dma_wait3A_235 : memref<1x1x128xi32, #tpu.memory_space<hbm>> -> memref<128xi32, #tpu.memory_space<hbm>>
    tpu.wait_dma2 semaphore(%arg11 : memref<!tpu.dma_semaphore, #tpu.memory_space<semaphore_mem>>) src(%dma_wait3A_236 : memref<128xi32, #tpu.memory_space<hbm>>) dst(%dma_wait3A_233 : memref<128xi32, #tpu.memory_space<vmem>>)
    %dma_wait3A_237 = arith.constant 0 : i32
    %dma_wait3A_238 = arith.constant 0 : i32
    %dma_wait3A_239 = arith.constant 0 : i32
    %dma_wait3A_240 = arith.constant 0 : i32
    %dma_wait3A_241 = tpu.memref_slice %arg8[%dma_wait3A_239, %dma_wait3A_240] : memref<3x128xi32, #tpu.memory_space<vmem>> -> memref<1x128xi32, #tpu.memory_space<vmem>>
    %dma_wait3A_242 = tpu.memref_squeeze %dma_wait3A_241 : memref<1x128xi32, #tpu.memory_space<vmem>> -> memref<128xi32, #tpu.memory_space<vmem>>
    %dma_wait3A_243 = arith.constant 0 : i32
    %dma_wait3A_244 = tpu.memref_slice %arg3[%dma_wait3A_237, %dma_wait3A_238, %dma_wait3A_243] : memref<32x79x128xi32, #tpu.memory_space<hbm>> -> memref<1x1x128xi32, #tpu.memory_space<hbm>>
    %dma_wait3A_245 = tpu.memref_squeeze %dma_wait3A_244 : memref<1x1x128xi32, #tpu.memory_space<hbm>> -> memref<128xi32, #tpu.memory_space<hbm>>
    %dma_wait3A_246 = arith.constant 0 : i32
    %dma_wait3A_247 = tpu.memref_slice %arg8[%dma_wait3A_239, %dma_wait3A_246] : memref<3x128xi32, #tpu.memory_space<vmem>> -> memref<1x128xi32, #tpu.memory_space<vmem>>
    %dma_wait3A_248 = tpu.memref_squeeze %dma_wait3A_247 : memref<1x128xi32, #tpu.memory_space<vmem>> -> memref<128xi32, #tpu.memory_space<vmem>>
    %dma_wait3A_249 = arith.constant 0 : i32
    %dma_wait3A_250 = tpu.memref_slice %arg3[%dma_wait3A_237, %dma_wait3A_238, %dma_wait3A_249] : memref<32x79x128xi32, #tpu.memory_space<hbm>> -> memref<1x1x128xi32, #tpu.memory_space<hbm>>
    %dma_wait3A_251 = tpu.memref_squeeze %dma_wait3A_250 : memref<1x1x128xi32, #tpu.memory_space<hbm>> -> memref<128xi32, #tpu.memory_space<hbm>>
    tpu.wait_dma2 semaphore(%arg11 : memref<!tpu.dma_semaphore, #tpu.memory_space<semaphore_mem>>) src(%dma_wait3A_251 : memref<128xi32, #tpu.memory_space<hbm>>) dst(%dma_wait3A_248 : memref<128xi32, #tpu.memory_space<vmem>>)
    %barrier3A_252 = arith.constant 0 : index
    tpu.barrier barrier_id(%barrier3A_252)
    "tpu.region"() ({
      %run_scoped3A = tpu.sem_alloc : memref<!tpu.dma_semaphore, #tpu.memory_space<semaphore_mem>>
      %dma_start3A_253 = arith.constant 0 : i32
      %dma_start3A_254 = tpu.memref_slice %arg6[%arg0, %mul3A_2, %dma_start3A_253] : memref<2x10112x128xf32, #tpu.memory_space<hbm>> -> memref<1x632x128xf32, #tpu.memory_space<hbm>>
      %dma_start3A_255 = tpu.memref_squeeze %dma_start3A_254 : memref<1x632x128xf32, #tpu.memory_space<hbm>> -> memref<632x128xf32, #tpu.memory_space<hbm>>
      %dma_start3A_256 = arith.constant 0 : i32
      %dma_start3A_257 = tpu.memref_slice %arg10[%mul3A_2, %dma_start3A_256] : memref<10112x128xf32, #tpu.memory_space<vmem_shared>> -> memref<632x128xf32, #tpu.memory_space<vmem_shared>>
      tpu.enqueue_dma source(%dma_start3A_257 : memref<632x128xf32, #tpu.memory_space<vmem_shared>>) target(%dma_start3A_255 : memref<632x128xf32, #tpu.memory_space<hbm>>) target_semaphore(%run_scoped3A : memref<!tpu.dma_semaphore, #tpu.memory_space<semaphore_mem>>)
      %dma_wait3A_258 = arith.constant 0 : i32
      %dma_wait3A_259 = tpu.memref_slice %arg6[%arg0, %mul3A_2, %dma_wait3A_258] : memref<2x10112x128xf32, #tpu.memory_space<hbm>> -> memref<1x632x128xf32, #tpu.memory_space<hbm>>
      %dma_wait3A_260 = tpu.memref_squeeze %dma_wait3A_259 : memref<1x632x128xf32, #tpu.memory_space<hbm>> -> memref<632x128xf32, #tpu.memory_space<hbm>>
      %dma_wait3A_261 = arith.constant 0 : i32
      %dma_wait3A_262 = tpu.memref_slice %arg10[%mul3A_2, %dma_wait3A_261] : memref<10112x128xf32, #tpu.memory_space<vmem_shared>> -> memref<632x128xf32, #tpu.memory_space<vmem_shared>>
      tpu.wait_dma2 semaphore(%run_scoped3A : memref<!tpu.dma_semaphore, #tpu.memory_space<semaphore_mem>>) src(%dma_wait3A_262 : memref<632x128xf32, #tpu.memory_space<vmem_shared>>) dst(%dma_wait3A_260 : memref<632x128xf32, #tpu.memory_space<hbm>>)
      tpu.yield
    }) : () -> ()
    return
  }
}

module attributes {stable_mosaic.version = 14 : i64} {
  func.func @_tc_mid_body(%arg0: i32, %arg1: memref<1000x128xf32, #tpu.memory_space<vmem>>, %arg2: memref<1000x128xf32, #tpu.memory_space<vmem>>, %arg3: memref<2x1000x128xf32, #tpu.memory_space<vmem>>, %arg4: memref<1000x1xf32, #tpu.memory_space<vmem>>, %arg5: memref<1x128xf32, #tpu.memory_space<vmem>>, %arg6: memref<128x128xf32, #tpu.memory_space<vmem>>, %arg7: memref<1000x128xf32, #tpu.memory_space<vmem>>, %arg8: memref<1000x128xf32, #tpu.memory_space<vmem>>) attributes {dimension_semantics = [#tpu.dimension_semantics<arbitrary>], iteration_bounds = array<i64: 10>, scalar_prefetch = 0 : i64, scratch_operands = 0 : i64, tpu.core_type = #tpu.core_type<tc>, window_params = [{transform_indices = @transform_0, window_bounds = array<i64: 1000, 128>}, {transform_indices = @transform_1, window_bounds = array<i64: 1000, 128>}, {transform_indices = @transform_2, window_bounds = array<i64: 2, 1000, 128>}, {transform_indices = @transform_3, window_bounds = array<i64: 1000, 1>}, {pipeline_mode = #tpu.pipeline_mode<synchronous>, transform_indices = @transform_4, window_bounds = array<i64: 1, 128>}, {pipeline_mode = #tpu.pipeline_mode<synchronous>, transform_indices = @transform_5, window_bounds = array<i64: 128, 128>}, {transform_indices = @transform_6, window_bounds = array<i64: 1000, 128>}, {transform_indices = @transform_7, window_bounds = array<i64: 1000, 128>}]} {
    %get3A = arith.constant 0 : index
    %get3A_0 = arith.constant 0 : index
    %get3A_1 = vector.load %arg4[%get3A, %get3A_0] : memref<1000x1xf32, #tpu.memory_space<vmem>>, vector<1000x1xf32>
    %get3A_2 = arith.constant 0 : index
    %get3A_3 = arith.constant 0 : index
    %get3A_4 = arith.constant 0 : index
    %get3A_5 = vector.load %arg3[%get3A_2, %get3A_3, %get3A_4] : memref<2x1000x128xf32, #tpu.memory_space<vmem>>, vector<1x1000x128xf32>
    %get3A_6 = vector.shape_cast %get3A_5 : vector<1x1000x128xf32> to vector<1000x128xf32>
    %get3A_7 = arith.constant 1 : index
    %get3A_8 = arith.constant 0 : index
    %get3A_9 = arith.constant 0 : index
    %get3A_10 = vector.load %arg3[%get3A_7, %get3A_8, %get3A_9] : memref<2x1000x128xf32, #tpu.memory_space<vmem>>, vector<1x1000x128xf32>
    %get3A_11 = vector.shape_cast %get3A_10 : vector<1x1000x128xf32> to vector<1000x128xf32>
    %add3A = arith.addf %get3A_6, %get3A_11 : vector<1000x128xf32>
    %get3A_12 = arith.constant 0 : index
    %get3A_13 = arith.constant 0 : index
    %get3A_14 = vector.load %arg2[%get3A_12, %get3A_13] : memref<1000x128xf32, #tpu.memory_space<vmem>>, vector<1000x128xf32>
    %add3A_15 = arith.addf %add3A, %get3A_14 : vector<1000x128xf32>
    %mul3A = vector.broadcast %get3A_1 : vector<1000x1xf32> to vector<1000x128xf32>
    %mul3A_16 = arith.mulf %add3A_15, %mul3A : vector<1000x128xf32>
    %get3A_17 = arith.constant 0 : index
    %get3A_18 = arith.constant 0 : index
    %get3A_19 = vector.load %arg5[%get3A_17, %get3A_18] : memref<1x128xf32, #tpu.memory_space<vmem>>, vector<1x128xf32>
    %add3A_20 = vector.broadcast %get3A_19 : vector<1x128xf32> to vector<1000x128xf32>
    %add3A_21 = arith.addf %mul3A_16, %add3A_20 : vector<1000x128xf32>
    %get3A_22 = arith.constant 0 : index
    %get3A_23 = arith.constant 0 : index
    %get3A_24 = vector.load %arg1[%get3A_22, %get3A_23] : memref<1000x128xf32, #tpu.memory_space<vmem>>, vector<1000x128xf32>
    %max3A = arith.constant 0.000000e+00 : f32
    %max3A_25 = vector.broadcast %max3A : f32 to vector<1000x128xf32>
    %max3A_26 = arith.maximumf %add3A_21, %max3A_25 : vector<1000x128xf32>
    %add3A_27 = arith.addf %get3A_24, %max3A_26 : vector<1000x128xf32>
    %swap3A = arith.constant 0 : index
    %swap3A_28 = arith.constant 0 : index
    %swap3A_29 = vector.load %arg7[%swap3A, %swap3A_28] : memref<1000x128xf32, #tpu.memory_space<vmem>>, vector<1000x128xf32>
    tpu.vector_store %arg7[%swap3A, %swap3A_28], %add3A_27 {strides = array<i32>} : memref<1000x128xf32, #tpu.memory_space<vmem>>, vector<1000x128xf32>,
    %get3A_30 = arith.constant 0 : index
    %get3A_31 = arith.constant 0 : index
    %get3A_32 = vector.load %arg6[%get3A_30, %get3A_31] : memref<128x128xf32, #tpu.memory_space<vmem>>, vector<128x128xf32>
    %dot_general3A = arith.constant dense<0.000000e+00> : vector<1000x128xf32>
    %dot_general3A_33 = tpu.matmul %add3A_27, %get3A_32, %dot_general3A {dimension_numbers = #tpu.dot_dimension_numbers<[1], [0], [0], [1], [0, 0, 1, 1], [], []>, transpose_lhs_hint = false} : vector<1000x128xf32>, vector<128x128xf32>, vector<1000x128xf32> -> vector<1000x128xf32>
    %mul3A_34 = vector.broadcast %get3A_1 : vector<1000x1xf32> to vector<1000x128xf32>
    %mul3A_35 = arith.mulf %dot_general3A_33, %mul3A_34 : vector<1000x128xf32>
    %swap3A_36 = arith.constant 0 : index
    %swap3A_37 = arith.constant 0 : index
    %swap3A_38 = vector.load %arg8[%swap3A_36, %swap3A_37] : memref<1000x128xf32, #tpu.memory_space<vmem>>, vector<1000x128xf32>
    tpu.vector_store %arg8[%swap3A_36, %swap3A_37], %mul3A_35 {strides = array<i32>} : memref<1000x128xf32, #tpu.memory_space<vmem>>, vector<1000x128xf32>,
    return
  }
  func.func @transform_0(%arg0: i32) -> (i32, i32) {
    %c0_i32 = arith.constant 0 : i32
    %c0_i32_0 = arith.constant 0 : i32
    return %arg0, %c0_i32 : i32, i32
  }
  func.func @transform_1(%arg0: i32) -> (i32, i32) {
    %c0_i32 = arith.constant 0 : i32
    %c0_i32_0 = arith.constant 0 : i32
    return %arg0, %c0_i32 : i32, i32
  }
  func.func @transform_2(%arg0: i32) -> (i32, i32, i32) {
    %c0_i32 = arith.constant 0 : i32
    %c0_i32_0 = arith.constant 0 : i32
    %c0_i32_1 = arith.constant 0 : i32
    return %c0_i32, %arg0, %c0_i32_0 : i32, i32, i32
  }
  func.func @transform_3(%arg0: i32) -> (i32, i32) {
    %c0_i32 = arith.constant 0 : i32
    %c0_i32_0 = arith.constant 0 : i32
    return %arg0, %c0_i32 : i32, i32
  }
  func.func @transform_4(%arg0: i32) -> (i32, i32) {
    %c0_i32 = arith.constant 0 : i32
    %c0_i32_0 = arith.constant 0 : i32
    %c0_i32_1 = arith.constant 0 : i32
    return %c0_i32, %c0_i32_0 : i32, i32
  }
  func.func @transform_5(%arg0: i32) -> (i32, i32) {
    %c0_i32 = arith.constant 0 : i32
    %c0_i32_0 = arith.constant 0 : i32
    %c0_i32_1 = arith.constant 0 : i32
    return %c0_i32, %c0_i32_0 : i32, i32
  }
  func.func @transform_6(%arg0: i32) -> (i32, i32) {
    %c0_i32 = arith.constant 0 : i32
    %c0_i32_0 = arith.constant 0 : i32
    return %arg0, %c0_i32 : i32, i32
  }
  func.func @transform_7(%arg0: i32) -> (i32, i32) {
    %c0_i32 = arith.constant 0 : i32
    %c0_i32_0 = arith.constant 0 : i32
    return %arg0, %c0_i32 : i32, i32
  }
}

module attributes {stable_mosaic.version = 14 : i64} {
  func.func @_tc_pre_body(%arg0: i32, %arg1: memref<1000x640xf32, #tpu.memory_space<vmem>>, %arg2: memref<1000x1xi32, #tpu.memory_space<vmem>>, %arg3: memref<640x128xf32, #tpu.memory_space<vmem>>, %arg4: memref<5x128xf32, #tpu.memory_space<vmem>>, %arg5: memref<1x128xf32, #tpu.memory_space<vmem>>, %arg6: memref<128x128xf32, #tpu.memory_space<vmem>>, %arg7: memref<1000x1xf32, #tpu.memory_space<vmem>>, %arg8: memref<1000x128xf32, #tpu.memory_space<vmem>>, %arg9: memref<1000x128xf32, #tpu.memory_space<vmem>>) attributes {dimension_semantics = [#tpu.dimension_semantics<arbitrary>], iteration_bounds = array<i64: 10>, scalar_prefetch = 0 : i64, scratch_operands = 0 : i64, tpu.core_type = #tpu.core_type<tc>, window_params = [{transform_indices = @transform_0, window_bounds = array<i64: 1000, 640>}, {transform_indices = @transform_1, window_bounds = array<i64: 1000, 1>}, {pipeline_mode = #tpu.pipeline_mode<synchronous>, transform_indices = @transform_2, window_bounds = array<i64: 640, 128>}, {pipeline_mode = #tpu.pipeline_mode<synchronous>, transform_indices = @transform_3, window_bounds = array<i64: 5, 128>}, {pipeline_mode = #tpu.pipeline_mode<synchronous>, transform_indices = @transform_4, window_bounds = array<i64: 1, 128>}, {pipeline_mode = #tpu.pipeline_mode<synchronous>, transform_indices = @transform_5, window_bounds = array<i64: 128, 128>}, {transform_indices = @transform_6, window_bounds = array<i64: 1000, 1>}, {transform_indices = @transform_7, window_bounds = array<i64: 1000, 128>}, {transform_indices = @transform_8, window_bounds = array<i64: 1000, 128>}]} {
    %get3A = arith.constant 0 : index
    %get3A_0 = arith.constant 0 : index
    %get3A_1 = vector.load %arg1[%get3A, %get3A_0] : memref<1000x640xf32, #tpu.memory_space<vmem>>, vector<1000x640xf32>
    %get3A_2 = arith.constant 0 : index
    %get3A_3 = arith.constant 0 : index
    %get3A_4 = vector.load %arg3[%get3A_2, %get3A_3] : memref<640x128xf32, #tpu.memory_space<vmem>>, vector<640x128xf32>
    %dot_general3A = arith.constant dense<0.000000e+00> : vector<1000x128xf32>
    %dot_general3A_5 = tpu.matmul %get3A_1, %get3A_4, %dot_general3A {dimension_numbers = #tpu.dot_dimension_numbers<[1], [0], [0], [1], [0, 0, 1, 1], [], []>, transpose_lhs_hint = false} : vector<1000x640xf32>, vector<640x128xf32>, vector<1000x128xf32> -> vector<1000x128xf32>
    %get3A_6 = arith.constant 0 : index
    %get3A_7 = arith.constant 0 : index
    %get3A_8 = vector.load %arg2[%get3A_6, %get3A_7] : memref<1000x1xi32, #tpu.memory_space<vmem>>, vector<1000x1xi32>
    %iota3A = tpu.iota {dimensions = array<i32: 1>} : vector<1x5xi32>
    %eq3A = vector.broadcast %get3A_8 : vector<1000x1xi32> to vector<1000x5xi32>
    %eq3A_9 = vector.broadcast %iota3A : vector<1x5xi32> to vector<1000x5xi32>
    %eq3A_10 = arith.cmpi eq, %eq3A, %eq3A_9 : vector<1000x5xi32>
    %convert_element_type3A = arith.extui %eq3A_10 : vector<1000x5xi1> to vector<1000x5xi32>
    %convert_element_type3A_11 = arith.sitofp %convert_element_type3A : vector<1000x5xi32> to vector<1000x5xf32>
    %get3A_12 = arith.constant 0 : index
    %get3A_13 = arith.constant 0 : index
    %get3A_14 = vector.load %arg4[%get3A_12, %get3A_13] : memref<5x128xf32, #tpu.memory_space<vmem>>, vector<5x128xf32>
    %dot_general3A_15 = arith.constant dense<0.000000e+00> : vector<1000x128xf32>
    %dot_general3A_16 = tpu.matmul %convert_element_type3A_11, %get3A_14, %dot_general3A_15 {dimension_numbers = #tpu.dot_dimension_numbers<[1], [0], [0], [1], [0, 0, 1, 1], [], []>, transpose_lhs_hint = false} : vector<1000x5xf32>, vector<5x128xf32>, vector<1000x128xf32> -> vector<1000x128xf32>
    %add3A = arith.addf %dot_general3A_5, %dot_general3A_16 : vector<1000x128xf32>
    %get3A_17 = arith.constant 0 : index
    %get3A_18 = arith.constant 0 : index
    %get3A_19 = vector.load %arg5[%get3A_17, %get3A_18] : memref<1x128xf32, #tpu.memory_space<vmem>>, vector<1x128xf32>
    %add3A_20 = vector.broadcast %get3A_19 : vector<1x128xf32> to vector<1000x128xf32>
    %add3A_21 = arith.addf %add3A, %add3A_20 : vector<1000x128xf32>
    %swap3A = arith.constant 0 : index
    %swap3A_22 = arith.constant 0 : index
    %swap3A_23 = vector.load %arg8[%swap3A, %swap3A_22] : memref<1000x128xf32, #tpu.memory_space<vmem>>, vector<1000x128xf32>
    tpu.vector_store %arg8[%swap3A, %swap3A_22], %add3A_21 {strides = array<i32>} : memref<1000x128xf32, #tpu.memory_space<vmem>>, vector<1000x128xf32>,
    %get3A_24 = arith.constant 0 : index
    %get3A_25 = arith.constant 0 : index
    %get3A_26 = vector.load %arg6[%get3A_24, %get3A_25] : memref<128x128xf32, #tpu.memory_space<vmem>>, vector<128x128xf32>
    %dot_general3A_27 = arith.constant dense<0.000000e+00> : vector<1000x128xf32>
    %dot_general3A_28 = tpu.matmul %add3A_21, %get3A_26, %dot_general3A_27 {dimension_numbers = #tpu.dot_dimension_numbers<[1], [0], [0], [1], [0, 0, 1, 1], [], []>, transpose_lhs_hint = false} : vector<1000x128xf32>, vector<128x128xf32>, vector<1000x128xf32> -> vector<1000x128xf32>
    %get3A_29 = arith.constant 0 : index
    %get3A_30 = arith.constant 0 : index
    %get3A_31 = vector.load %arg7[%get3A_29, %get3A_30] : memref<1000x1xf32, #tpu.memory_space<vmem>>, vector<1000x1xf32>
    %mul3A = vector.broadcast %get3A_31 : vector<1000x1xf32> to vector<1000x128xf32>
    %mul3A_32 = arith.mulf %dot_general3A_28, %mul3A : vector<1000x128xf32>
    %swap3A_33 = arith.constant 0 : index
    %swap3A_34 = arith.constant 0 : index
    %swap3A_35 = vector.load %arg9[%swap3A_33, %swap3A_34] : memref<1000x128xf32, #tpu.memory_space<vmem>>, vector<1000x128xf32>
    tpu.vector_store %arg9[%swap3A_33, %swap3A_34], %mul3A_32 {strides = array<i32>} : memref<1000x128xf32, #tpu.memory_space<vmem>>, vector<1000x128xf32>,
    return
  }
  func.func @transform_0(%arg0: i32) -> (i32, i32) {
    %c0_i32 = arith.constant 0 : i32
    %c0_i32_0 = arith.constant 0 : i32
    return %arg0, %c0_i32 : i32, i32
  }
  func.func @transform_1(%arg0: i32) -> (i32, i32) {
    %c0_i32 = arith.constant 0 : i32
    %c0_i32_0 = arith.constant 0 : i32
    return %arg0, %c0_i32 : i32, i32
  }
  func.func @transform_2(%arg0: i32) -> (i32, i32) {
    %c0_i32 = arith.constant 0 : i32
    %c0_i32_0 = arith.constant 0 : i32
    %c0_i32_1 = arith.constant 0 : i32
    return %c0_i32, %c0_i32_0 : i32, i32
  }
  func.func @transform_3(%arg0: i32) -> (i32, i32) {
    %c0_i32 = arith.constant 0 : i32
    %c0_i32_0 = arith.constant 0 : i32
    %c0_i32_1 = arith.constant 0 : i32
    return %c0_i32, %c0_i32_0 : i32, i32
  }
  func.func @transform_4(%arg0: i32) -> (i32, i32) {
    %c0_i32 = arith.constant 0 : i32
    %c0_i32_0 = arith.constant 0 : i32
    %c0_i32_1 = arith.constant 0 : i32
    return %c0_i32, %c0_i32_0 : i32, i32
  }
  func.func @transform_5(%arg0: i32) -> (i32, i32) {
    %c0_i32 = arith.constant 0 : i32
    %c0_i32_0 = arith.constant 0 : i32
    %c0_i32_1 = arith.constant 0 : i32
    return %c0_i32, %c0_i32_0 : i32, i32
  }
  func.func @transform_6(%arg0: i32) -> (i32, i32) {
    %c0_i32 = arith.constant 0 : i32
    %c0_i32_0 = arith.constant 0 : i32
    return %arg0, %c0_i32 : i32, i32
  }
  func.func @transform_7(%arg0: i32) -> (i32, i32) {
    %c0_i32 = arith.constant 0 : i32
    %c0_i32_0 = arith.constant 0 : i32
    return %arg0, %c0_i32 : i32, i32
  }
  func.func @transform_8(%arg0: i32) -> (i32, i32) {
    %c0_i32 = arith.constant 0 : i32
    %c0_i32_0 = arith.constant 0 : i32
    return %arg0, %c0_i32 : i32, i32
  }
}

module attributes {stable_mosaic.version = 14 : i64} {
  func.func @_tc_fin_body(%arg0: i32, %arg1: memref<1000x128xf32, #tpu.memory_space<vmem>>, %arg2: memref<1000x128xf32, #tpu.memory_space<vmem>>, %arg3: memref<2x1000x128xf32, #tpu.memory_space<vmem>>, %arg4: memref<1000x1xf32, #tpu.memory_space<vmem>>, %arg5: memref<1x128xf32, #tpu.memory_space<vmem>>, %arg6: memref<1x128xf32, #tpu.memory_space<vmem>>, %arg7: memref<1x128xf32, #tpu.memory_space<vmem>>, %arg8: memref<1000x128xf32, #tpu.memory_space<vmem>>) attributes {dimension_semantics = [#tpu.dimension_semantics<arbitrary>], iteration_bounds = array<i64: 10>, scalar_prefetch = 0 : i64, scratch_operands = 0 : i64, tpu.core_type = #tpu.core_type<tc>, window_params = [{transform_indices = @transform_0, window_bounds = array<i64: 1000, 128>}, {transform_indices = @transform_1, window_bounds = array<i64: 1000, 128>}, {transform_indices = @transform_2, window_bounds = array<i64: 2, 1000, 128>}, {transform_indices = @transform_3, window_bounds = array<i64: 1000, 1>}, {pipeline_mode = #tpu.pipeline_mode<synchronous>, transform_indices = @transform_4, window_bounds = array<i64: 1, 128>}, {pipeline_mode = #tpu.pipeline_mode<synchronous>, transform_indices = @transform_5, window_bounds = array<i64: 1, 128>}, {pipeline_mode = #tpu.pipeline_mode<synchronous>, transform_indices = @transform_6, window_bounds = array<i64: 1, 128>}, {transform_indices = @transform_7, window_bounds = array<i64: 1000, 128>}]} {
    %get3A = arith.constant 0 : index
    %get3A_0 = arith.constant 0 : index
    %get3A_1 = arith.constant 0 : index
    %get3A_2 = vector.load %arg3[%get3A, %get3A_0, %get3A_1] : memref<2x1000x128xf32, #tpu.memory_space<vmem>>, vector<1x1000x128xf32>
    %get3A_3 = vector.shape_cast %get3A_2 : vector<1x1000x128xf32> to vector<1000x128xf32>
    %get3A_4 = arith.constant 1 : index
    %get3A_5 = arith.constant 0 : index
    %get3A_6 = arith.constant 0 : index
    %get3A_7 = vector.load %arg3[%get3A_4, %get3A_5, %get3A_6] : memref<2x1000x128xf32, #tpu.memory_space<vmem>>, vector<1x1000x128xf32>
    %get3A_8 = vector.shape_cast %get3A_7 : vector<1x1000x128xf32> to vector<1000x128xf32>
    %add3A = arith.addf %get3A_3, %get3A_8 : vector<1000x128xf32>
    %get3A_9 = arith.constant 0 : index
    %get3A_10 = arith.constant 0 : index
    %get3A_11 = vector.load %arg2[%get3A_9, %get3A_10] : memref<1000x128xf32, #tpu.memory_space<vmem>>, vector<1000x128xf32>
    %add3A_12 = arith.addf %add3A, %get3A_11 : vector<1000x128xf32>
    %get3A_13 = arith.constant 0 : index
    %get3A_14 = arith.constant 0 : index
    %get3A_15 = vector.load %arg4[%get3A_13, %get3A_14] : memref<1000x1xf32, #tpu.memory_space<vmem>>, vector<1000x1xf32>
    %mul3A = vector.broadcast %get3A_15 : vector<1000x1xf32> to vector<1000x128xf32>
    %mul3A_16 = arith.mulf %add3A_12, %mul3A : vector<1000x128xf32>
    %get3A_17 = arith.constant 0 : index
    %get3A_18 = arith.constant 0 : index
    %get3A_19 = vector.load %arg5[%get3A_17, %get3A_18] : memref<1x128xf32, #tpu.memory_space<vmem>>, vector<1x128xf32>
    %add3A_20 = vector.broadcast %get3A_19 : vector<1x128xf32> to vector<1000x128xf32>
    %add3A_21 = arith.addf %mul3A_16, %add3A_20 : vector<1000x128xf32>
    %get3A_22 = arith.constant 0 : index
    %get3A_23 = arith.constant 0 : index
    %get3A_24 = vector.load %arg1[%get3A_22, %get3A_23] : memref<1000x128xf32, #tpu.memory_space<vmem>>, vector<1000x128xf32>
    %max3A = arith.constant 0.000000e+00 : f32
    %max3A_25 = vector.broadcast %max3A : f32 to vector<1000x128xf32>
    %max3A_26 = arith.maximumf %add3A_21, %max3A_25 : vector<1000x128xf32>
    %add3A_27 = arith.addf %get3A_24, %max3A_26 : vector<1000x128xf32>
    %reduce_sum3A = arith.constant dense<0.000000e+00> : vector<1000xf32>
    %reduce_sum3A_28 = vector.multi_reduction <add>, %add3A_27, %reduce_sum3A [1] : vector<1000x128xf32> to vector<1000xf32>
    %broadcast_in_dim3A = vector.shape_cast %reduce_sum3A_28 : vector<1000xf32> to vector<1000x1xf32>
    %div3A = arith.constant 1.280000e+02 : f32
    %div3A_29 = vector.broadcast %div3A : f32 to vector<1000x1xf32>
    %div3A_30 = arith.divf %broadcast_in_dim3A, %div3A_29 : vector<1000x1xf32>
    %sub3A = vector.broadcast %div3A_30 : vector<1000x1xf32> to vector<1000x128xf32>
    %sub3A_31 = arith.subf %add3A_27, %sub3A : vector<1000x128xf32>
    %mul3A_32 = arith.mulf %sub3A_31, %sub3A_31 : vector<1000x128xf32>
    %reduce_sum3A_33 = arith.constant dense<0.000000e+00> : vector<1000xf32>
    %reduce_sum3A_34 = vector.multi_reduction <add>, %mul3A_32, %reduce_sum3A_33 [1] : vector<1000x128xf32> to vector<1000xf32>
    %broadcast_in_dim3A_35 = vector.shape_cast %reduce_sum3A_34 : vector<1000xf32> to vector<1000x1xf32>
    %div3A_36 = arith.constant 1.280000e+02 : f32
    %div3A_37 = vector.broadcast %div3A_36 : f32 to vector<1000x1xf32>
    %div3A_38 = arith.divf %broadcast_in_dim3A_35, %div3A_37 : vector<1000x1xf32>
    %add3A_39 = arith.constant 9.99999974E-6 : f32
    %add3A_40 = vector.broadcast %add3A_39 : f32 to vector<1000x1xf32>
    %add3A_41 = arith.addf %div3A_38, %add3A_40 : vector<1000x1xf32>
    %rsqrt3A = math.rsqrt %add3A_41 : vector<1000x1xf32>
    %mul3A_42 = vector.broadcast %rsqrt3A : vector<1000x1xf32> to vector<1000x128xf32>
    %mul3A_43 = arith.mulf %sub3A_31, %mul3A_42 : vector<1000x128xf32>
    %get3A_44 = arith.constant 0 : index
    %get3A_45 = arith.constant 0 : index
    %get3A_46 = vector.load %arg6[%get3A_44, %get3A_45] : memref<1x128xf32, #tpu.memory_space<vmem>>, vector<1x128xf32>
    %mul3A_47 = vector.broadcast %get3A_46 : vector<1x128xf32> to vector<1000x128xf32>
    %mul3A_48 = arith.mulf %mul3A_43, %mul3A_47 : vector<1000x128xf32>
    %get3A_49 = arith.constant 0 : index
    %get3A_50 = arith.constant 0 : index
    %get3A_51 = vector.load %arg7[%get3A_49, %get3A_50] : memref<1x128xf32, #tpu.memory_space<vmem>>, vector<1x128xf32>
    %add3A_52 = vector.broadcast %get3A_51 : vector<1x128xf32> to vector<1000x128xf32>
    %add3A_53 = arith.addf %mul3A_48, %add3A_52 : vector<1000x128xf32>
    %swap3A = arith.constant 0 : index
    %swap3A_54 = arith.constant 0 : index
    %swap3A_55 = vector.load %arg8[%swap3A, %swap3A_54] : memref<1000x128xf32, #tpu.memory_space<vmem>>, vector<1000x128xf32>
    tpu.vector_store %arg8[%swap3A, %swap3A_54], %add3A_53 {strides = array<i32>} : memref<1000x128xf32, #tpu.memory_space<vmem>>, vector<1000x128xf32>,
    return
  }
  func.func @transform_0(%arg0: i32) -> (i32, i32) {
    %c0_i32 = arith.constant 0 : i32
    %c0_i32_0 = arith.constant 0 : i32
    return %arg0, %c0_i32 : i32, i32
  }
  func.func @transform_1(%arg0: i32) -> (i32, i32) {
    %c0_i32 = arith.constant 0 : i32
    %c0_i32_0 = arith.constant 0 : i32
    return %arg0, %c0_i32 : i32, i32
  }
  func.func @transform_2(%arg0: i32) -> (i32, i32, i32) {
    %c0_i32 = arith.constant 0 : i32
    %c0_i32_0 = arith.constant 0 : i32
    %c0_i32_1 = arith.constant 0 : i32
    return %c0_i32, %arg0, %c0_i32_0 : i32, i32, i32
  }
  func.func @transform_3(%arg0: i32) -> (i32, i32) {
    %c0_i32 = arith.constant 0 : i32
    %c0_i32_0 = arith.constant 0 : i32
    return %arg0, %c0_i32 : i32, i32
  }
  func.func @transform_4(%arg0: i32) -> (i32, i32) {
    %c0_i32 = arith.constant 0 : i32
    %c0_i32_0 = arith.constant 0 : i32
    %c0_i32_1 = arith.constant 0 : i32
    return %c0_i32, %c0_i32_0 : i32, i32
  }
  func.func @transform_5(%arg0: i32) -> (i32, i32) {
    %c0_i32 = arith.constant 0 : i32
    %c0_i32_0 = arith.constant 0 : i32
    %c0_i32_1 = arith.constant 0 : i32
    return %c0_i32, %c0_i32_0 : i32, i32
  }
  func.func @transform_6(%arg0: i32) -> (i32, i32) {
    %c0_i32 = arith.constant 0 : i32
    %c0_i32_0 = arith.constant 0 : i32
    %c0_i32_1 = arith.constant 0 : i32
    return %c0_i32, %c0_i32_0 : i32, i32
  }
  func.func @transform_7(%arg0: i32) -> (i32, i32) {
    %c0_i32 = arith.constant 0 : i32
    %c0_i32_0 = arith.constant 0 : i32
    return %arg0, %c0_i32 : i32, i32
  }
}

</mosaic_0001>

<sc_bundles>
// kernel: kernel.11.cloned.1.call-start
scs
__scs_entry_jumppad:
0x0: {  	(pc) =	sbr.rel $0x88, $3  }
0x1: {  	(tag) =	ssettag $0x0;
	lr =	simm.s32 $0x1  }
0x2: {  	[smem:$0x3F95] =	sst lr;
	_ =	strace $0xD0000000  }
0x3: {  	_ = 	snop  }
0x4: {  	_ = 	snop  }
0x5: {  	_ = 	snop  }
0x6: {  	_ = 	snop  }
0x7: {  	_ = 	snop  }
__scs_overlays_trampoline_lowered:
0x8: {  	[smem:$0x3FA4] =	sst s0  }
0x9: {  	[smem:$0x3FA5] =	sst s1  }
0xa: {  	[smem:$0x3FA6] =	sst s2  }
0xb: {  	[smem:$0x3FA7] =	sst s3  }
0xc: {  	[smem:$0x3FA8] =	sst s4  }
0xd: {  	[smem:$0x3FA9] =	sst s5  }
0xe: {  	[smem:$0x3FAA] =	sst s6  }
0xf: {  	[smem:$0x3FAB] =	sst s7  }
0x10: {  	[smem:$0x3FAC] =	sst s8  }
0x11: {  	[smem:$0x3FAD] =	sst s9;
	s0 =	simm.s32 @!p0 $0x0  }
0x12: {  	s1 =	sld [smem:$0x3F93];
	s0 =	simm.s32 @p0 $0x1  }
0x13: {  	[smem:$0x3FAE] =	sst s0;
	s0 =	simm.s32 @!p1 $0x0  }
0x14: {  	s2 =	sld [smem:$0x3F92];
	s0 =	simm.s32 @p1 $0x1  }
0x15: {  	[smem:$0x3FAF] =	sst s0;
	s0 =	simm.s32 @!p2 $0x0  }
0x16: {  	s3 =	sld [smem:$0x3FDB];
	s0 =	simm.s32 @p2 $0x1  }
0x17: {  	s4 =	simm.s32 $0x1BF5;
	[smem:$0x3FB1] =	sst s0  }
0x18: {  	s0 =	sld [smem:$0x3F94];
	_ =	swait.ge [sflag:s4], $0x0  }
0x19: {  	s7 =	sld [smem:$0x3F95]  }
0x1a: {  	s8 =	sadd.s32 $0xFFFFE003, lr  }
0x1b: {  	s9 =	sadd.s32 $0xFFFFFEF7, lr;
	s5 =	simm.s32 $0xFFFFFFFF;
	p2 =	slt.u32 s8, $0xFFFFF086  }
0x1c: {  	p1 =	slt.u32 s9, $0xF7A;
	s5 =	simm.s32 @!p2 $0x0  }
0x1d: {  	s5 =	simm.s32 @p1 $0x1;
	p0 =	seq.s32 s7, s2  }
0x1e: {  	s7 =	smul.u32 @!p0 $0xF7A, s2;
	p2 =	seq.s32 @!p0 s5, $0x0  }
0x1f: {  	s9 =	smul.u32 $0xF7A, s1;
	s8 =	simm.s32 @!p0 $0x1BF5;
	p2 =	por !p2, p0  }
0x20: {  	[sflag:s8] =	ssyncset.s32 @!p0 $0xFFFFF086;
	s6 =	sadd.s32 @!p0 s3, s7;
	s7 =	simm.s32 @!p0 $0x108  }
0x21: {  	s3 =	sadd.s32 s3, s9;
	s6 =	sadd.s32 @!p0 $0x88, s6;
	s7 =	simm.s32 @p2 $0x1082  }
0x22: {  	[simem:s7], [sflag:s8] =	dma.local @!p0 [hbm:s6], $0xF7A  }
0x23: {  	s9 =	sor.u32 $0xD0000000, s2;
	s6 =	simm.s32 $0x108;
	_ =	swait.ge @!p0 [sflag:s8], $0x0  }
0x24: {  	s3 =	sadd.s32 $0x88, s3;
	s6 =	simm.s32 @!p1 $0x1082;
	[sflag:s4] =	ssyncset.s32 $0xFFFFF086  }
0x25: {  	[simem:s6], [sflag:s4] =	dma.local [hbm:s3], $0xF7A  }
0x26: {  	[smem:$0x3F95] =	sst s1;
	(tag) =	ssettag s2;
	_ =	strace s9  }
0x27: {  	s1 =	sld [smem:$0x3FA5]  }
0x28: {  	s2 =	sld [smem:$0x3FA6]  }
0x29: {  	s4 =	sld [smem:$0x3FA8]  }
0x2a: {  	p0 =	seq.s32 s5, $0x0;
	s5 =	sld [smem:$0x3FA9]  }
0x2b: {  	s6 =	sld [smem:$0x3FAA]  }
0x2c: {  	s7 =	sld [smem:$0x3FAB]  }
0x2d: {  	s3 =	simm.s32 $0x108;
	s8 =	sld [smem:$0x3FAC]  }
0x2e: {  	s3 =	simm.s32 @!p0 $0x1082;
	s9 =	sld [smem:$0x3FAD]  }
0x2f: {  	lr =	sadd.s32 s0, s3;
	s0 =	sld [smem:$0x3FA4]  }
0x30: {  	s3 =	sld [smem:$0x3FA7]  }
0x31: {  	[smem:$0x3FB0] =	sst s10  }
0x32: {  	s10 =	sld [smem:$0x3FAE];
	_ =	sdelay $0x3  }
0x33: {  	p0 =	seq.s32 s10, $0x1;
	s10 =	sld [smem:$0x3FB0];
	_ =	sdelay $0x3  }
0x34: {  	[smem:$0x3FB0] =	sst s10  }
0x35: {  	s10 =	sld [smem:$0x3FAF];
	_ =	sdelay $0x3  }
0x36: {  	p1 =	seq.s32 s10, $0x1;
	s10 =	sld [smem:$0x3FB0];
	_ =	sdelay $0x3  }
0x37: {  	[smem:$0x3FB0] =	sst s10  }
0x38: {  	s10 =	sld [smem:$0x3FB1]  }
0x39: {  	_ = 	snop;
	(pc) =	sbr.ind lr, $3  }
0x3a: {  	_ = 	snop  }
0x3b: {  	_ = 	snop  }
0x3c: {  	p2 =	seq.s32 s10, $0x1;
	s10 =	sld [smem:$0x3FB0]  }
0x3d: {  	_ =	shalt  }
0x3e: {  	_ =	shalt  }
0x3f: {  	_ =	shalt  }
0x40: {  	_ =	shalt  }
0x41: {  	_ =	shalt  }
0x42: {  	_ =	shalt  }
0x43: {  	_ =	shalt  }
0x44: {  	_ =	shalt  }
0x45: {  	_ =	shalt  }
0x46: {  	_ =	shalt  }
0x47: {  	_ =	shalt  }
0x48: {  	_ =	shalt  }
0x49: {  	_ =	shalt  }
0x4a: {  	_ =	shalt  }
0x4b: {  	_ =	shalt  }
0x4c: {  	_ =	shalt  }
0x4d: {  	_ =	shalt  }
0x4e: {  	_ =	shalt  }
0x4f: {  	_ =	shalt  }
0x50: {  	_ =	shalt  }
0x51: {  	_ =	shalt  }
0x52: {  	_ =	shalt  }
0x53: {  	_ =	shalt  }
0x54: {  	_ =	shalt  }
0x55: {  	_ =	shalt  }
0x56: {  	_ =	shalt  }
0x57: {  	_ =	shalt  }
0x58: {  	_ =	shalt  }
0x59: {  	_ =	shalt  }
0x5a: {  	_ =	shalt  }
0x5b: {  	_ =	shalt  }
0x5c: {  	_ =	shalt  }
0x5d: {  	_ =	shalt  }
0x5e: {  	_ =	shalt  }
0x5f: {  	_ =	shalt  }
0x60: {  	_ =	shalt  }
0x61: {  	_ =	shalt  }
0x62: {  	_ =	shalt  }
0x63: {  	_ =	shalt  }
0x64: {  	_ =	shalt  }
0x65: {  	_ =	shalt  }
0x66: {  	_ =	shalt  }
0x67: {  	_ =	shalt  }
0x68: {  	_ =	shalt  }
0x69: {  	_ =	shalt  }
0x6a: {  	_ =	shalt  }
0x6b: {  	_ =	shalt  }
0x6c: {  	_ =	shalt  }
0x6d: {  	_ =	shalt  }
0x6e: {  	_ =	shalt  }
0x6f: {  	_ =	shalt  }
0x70: {  	_ =	shalt  }
0x71: {  	_ =	shalt  }
0x72: {  	_ =	shalt  }
0x73: {  	_ =	shalt  }
0x74: {  	_ =	shalt  }
0x75: {  	_ =	shalt  }
0x76: {  	_ =	shalt  }
0x77: {  	_ =	shalt  }
0x78: {  	_ =	shalt  }
0x79: {  	_ =	shalt  }
0x7a: {  	_ =	shalt  }
0x7b: {  	_ =	shalt  }
0x7c: {  	_ =	shalt  }
0x7d: {  	_ =	shalt  }
0x7e: {  	_ =	shalt  }
0x7f: {  	_ =	shalt  }
0x80: {  	_ =	shalt  }
0x81: {  	_ =	shalt  }
0x82: {  	_ =	shalt  }
0x83: {  	_ =	shalt  }
0x84: {  	_ =	shalt  }
0x85: {  	_ =	shalt  }
0x86: {  	_ =	shalt  }
0x87: {  	_ =	shalt  }
.Lfunc_end0:
.L_simem_size_0:
called_computation.1_lowered:
.L_overlay_start_0:
0x88: {  	s2 =	sld [smem:$0x3FD9]  }
0x89: {  	s3 =	sld [smem:$0x3FFE];
	_ =	sdelay $0x1  }
0x8a: {  	s1 =	srdreg.scid  }
0x8b: {  	s0 =	sand.u32 $0x1, s1  }
0x8c: {  	s17 =	sshll.u32 s0, $0xA;
	s2 =	sadd.s32 s3, s2  }
0x8d: {  	s2 =	sadd.s32 s2, s17  }
0x8e: {  	[smem:$0x3FBC] =	sst s2  }
0x8f: {  	_ = 	snop  }
0x90: {  	s2 =	sld [smem:$0x3FD0];
	(tm) =	ssettm $0x1  }
0x91: {  	s18 =	sld [smem:$0x3FFB];
	_ =	sdelay $0x3  }
0x92: {  	_ =	strace s18  }
0x93: {  	s3 =	sld [smem:$0x3FFC];
	_ =	sdelay $0x3  }
0x94: {  	_ =	strace s3  }
0x95: {  	s3 =	sld [smem:$0x3FFD];
	_ =	sdelay $0x3  }
0x96: {  	_ =	strace s3  }
0x97: {  	_ =	strace $0x8FFFFFFF  }
0x98: {  	s19 =	sld [smem:$0x3FDB];
	_ =	sdelay $0x1  }
0x99: {  	s4 =	simm.s32 $_scs_section_size  }
0x9a: {  	s5 =	simm.s32 $_size__tile_overlayer_lowered;
	s6 =	simm.s32 $_tile_overlayer_lowered  }
0x9b: {  	s22 =	simm.s32 $0x1BFF;
	s21 =	sshll.u32 s6, $0x1;
	s3 =	sadd.s32 s4, s19  }
0x9c: {  	s7 =	simm.s32 $0x0;
	s20 =	sshll.u32 s5, $0x1;
	s5 =	sadd.s32 s21, s3  }
0x9d: {  	[timem:s7], [sflag:s22] =	dma.local [hbm:s5], s20  }
0x9e: {  	_ =	swait.ge [sflag:s22], s20  }
0x9f: {  	s4 =	ssub.s32 $0x0, s20;
	[sflag:s22] =	ssyncset.done $0x0  }
0xa0: {  	[sflag:s22] =	ssyncadd.s32 s4;
	_ =	sdelay $0x1  }
0xa1: {  	s23 =	simm.s32 $0x1B8B  }
0xa2: {  	_ =	swait.ge [sflag:s23], $0x1  }
0xa3: {  	[sflag:s23] =	ssyncset.done $0x0  }
0xa4: {  	s25 =	simm.s32 $0x1B8E;
	s24 =	sld [smem:$0x3FFE];
	[sflag:s23] =	ssyncadd.s32 $0xFFFFFFFF  }
0xa5: {  	s26 =	simm.s32 $execute0_lowered;
	[smem:$0x3FD2] =	sst s25  }
0xa6: {  	s5 =	sshll.u32 s26, $0x1;
	_ =	strace $0x80000049;
	[dreg:$0x1] =	wrdreg $0xFFFFFFFF  }
0xa7: {  	s28 =	simm.s32 $_size_execute0_lowered;
	s3 =	sadd.s32 s3, s5;
	[dreg:$0x0] =	wrdreg $0x0  }
0xa8: {  	s5 =	sshll.u32 s28, $0x1;
	[dreg:$0x2] =	wrdreg s3  }
0xa9: {  	[dreg:$0x3] =	wrdreg s5  }
0xaa: {  	[dreg:$0x4] =	wrdreg $0xC0  }
0xab: {  	_ =	task [dreg:s7], $0x5FFFF  }
0xac: {  	[dreg:$0x1] =	wrdreg $0xFFFFFFFF  }
0xad: {  	[dreg:$0x0] =	wrdreg $0x60  }
0xae: {  	[dreg:$0x2] =	wrdreg s2  }
0xaf: {  	[dreg:$0x3] =	wrdreg s24  }
0xb0: {  	[dreg:$0x4] =	wrdreg $0xC4000  }
0xb1: {  	[dreg:$0x5] =	wrdreg $0x9  }
0xb2: {  	_ =	task.clear_ibuf [dreg:s7], $0x6FFFF;
	_ =	strace $0x90000049  }
0xb3: {  	s29 =	simm.s32 $0x9;
	_ =	strace $0x8000004B  }
0xb4: {  	_ =	swait.ge [sflag:s29], $0x1  }
0xb5: {  	[sflag:s29] =	ssyncadd.s32 $0xFFFFFFFF  }
0xb6: {  	_ =	strace $0x9000004B  }
0xb7: {  	_ =	sfence  }
0xb8: {  	s30 =	sld [smem:$0x0];
	_ =	sdelay $0x2  }
0xb9: {  	s31 =	sshll.u32 s1, $0xD;
	s1 =	sshrl.u32 s1, $0x2  }
0xba: {  	s3 =	sand.u32 $0x4000, s31;
	s1 =	sadd.s32 s1, s30  }
0xbb: {  	s0 =	sor.u32 s3, s0;
	s1 =	sshll.u32 s1, $0x11  }
0xbc: {  	s0 =	sor.u32 s1, s0  }
0xbd: {  	s0 =	sadd.s32 $0x8F2B, s0  }
0xbe: {  	[sflag:s0] =	ssyncadd.remote.s32 $0x1  }
0xbf: {  	_ =	sfence.sel $0xFFFF  }
0xc0: {  	[dreg:$0x0] =	wrdreg $0xFFFFFFFF;
	(pc) =	sbr.abs _section_cstart, $3  }
0xc1: {  	[dreg:$0x1] =	wrdreg $0xFFFFFFFF  }
0xc2: {  	_ =	task.clear_ibuf [dreg:s7], $0x2FFFF;
	_ =	strace $0x9FFFFFFF  }
0xc3: {  	(tm) =	ssettm $0x7FFFFFFF  }
tec
execute0_lowered:
.L_overlay_start_1:
0x0: {  	(tag) =	ssettag $0x1  }
0x1: {  	s2 =	rddreg [dreg:$0x0]  }
0x2: {  	s0 =	rddreg [dreg:$0x1]  }
0x3: {  	s3 =	rddreg [dreg:$0x2]  }
0x4: {  	s11 =	stileid.u32;
	s1 =	srdreg.scid  }
0x5: {  	s4 =	simm.s32 $0x0;
	s19 =	simm.s32 $0x4;
	s28 =	simm.s32 $0x4400  }
0x6: {  	s29 =	simm.s32 $0x3;
	s30 =	simm.s32 $0x8400;
	s31 =	simm.s32 $0x280  }
0x7: {  	s7 =	smul.u32 $0x13C00, s11;
	s1 =	sand.u32 $0x1, s1;
	[smem:$0x7FF] =	sst s4  }
0x8: {  	s5 =	sadd.s32 $0x16800, s0;
	s6 =	sadd.s32 $0xC800, s0;
	s20 =	smul.u32 $0x4F000, s11  }
0x9: {  	s23 =	sshll.u32 s11, $0x6;
	s8 =	smul.u32 $0x13C000, s1;
	_ =	strace $0x8000004A  }
0xa: {  	s10 =	sshll.u32 s1, $0x4;
	s1 =	ssub.s32 $0x2, s1;
	s9 =	sshrl.u32 s7, $0x3  }
0xb: {  	s21 =	sor.u32 s11, s10;
	s22 =	sshrl.u32 s1, $0x1;
	s9 =	sadd.s32 s9, s0  }
0xc: {  	s7 =	sadd.s32 s7, s8;
	s8 =	sshrl.u32 s20, $0x2;
	s1 =	ssub.s32 s1, s22  }
0xd: {  	s20 =	simm.s32 $0x200;
	s22 =	simm.s32 $0x80;
	s7 =	sshrl.u32 s7, $0x3  }
0xe: {  	s8 =	sadd.s32 s8, s3;
	s9 =	sadd.s32 $0x47A00, s9;
	s17 =	smax.u32 s1, $0x1  }
0xf: {  	s0 =	sadd.s32 s7, s0;
	s7 =	smul.u32 $0x2800, s21;
	[dreg:$0x4] =	wrdreg s9  }
0x10: {  	s9 =	sor.u32 $0x1C04, s23;
	s18 =	sshrl.u32 s8, $0x3;
	s21 =	simm.s32 $0x1  }
0x11: {  	s23 =	simm.s32 $0x400;
	s16 =	sadd.s32 $0x6F200, s0;
	s14 =	sshrl.u32 s7, $0x3  }
0x12: {  	s0 =	simm.s32 $0x0;
	s24 =	sadd.s32 s5, s14;
	s25 =	sadd.s32 s6, s14  }
0x13: {  	s13 =	sor.u32 $0x10, s14;
	s15 =	sor.u32 $0x20, s14;
	[dreg:$0x5] =	wrdreg s24  }
0x14: {  	[dreg:$0x6] =	wrdreg s25;
	s26 =	sadd.s32 s5, s13;
	s13 =	sadd.s32 s6, s13  }
0x15: {  	s14 =	sadd.s32 s5, s15;
	s15 =	sadd.s32 s6, s15;
	s24 =	simm.s32 $0x2  }
0x16: {  	s25 =	simm.s32 $0x100;
	[dreg:$0x7] =	wrdreg s26;
	s26 =	simm.s32 $0x300  }
.LBB2_1:
0x17: {  	s1 =	rddreg [dreg:$0x4]  }
0x18: {  	[spmem:s18], [sflag:s9] =	dma.local [hbm:s1], $0x2780  }
0x19: {  	_ =	swait.ge [sflag:s19], $0x2780  }
0x1a: {  	[sflag:s19] =	ssyncset.done $0x0  }
0x1b: {  	[sflag:s19] =	ssyncadd.s32 $0xFFFFD880  }
0x1c: {  	[bflag:$0x0] =	sbarrier.arrive $0xFFFF  }
0x1d: {  	s11 =	rddreg [dreg:$0x5]  }
0x1e: {  	[tilespmem:s4], [sflag:$0x1] =	stream.linear.gather [hbm4b:s11+s4], $0x80, $0x38;
	v63 =	vld [tilespmem:$0x0]  }
0x1f: {  	s12 =	rddreg [dreg:$0x6]  }
0x20: {  	[tilespmem:s20], [sflag:$0x1] =	stream.linear.gather [hbm4b:s12+s4], $0x80, $0x38;
	v63 =	vld [tilespmem:$0x0]  }
0x21: {  	_ =	swait.ge [sflag:s21], $0x80  }
0x22: {  	[sflag:s21] =	ssyncset.done $0x0  }
0x23: {  	[sflag:s21] =	ssyncadd.s32 $0xFFFFFF80  }
0x24: {  	_ =	swait.ge [sflag:s21], $0x80  }
0x25: {  	[sflag:s21] =	ssyncset.done $0x0  }
0x26: {  	[sflag:s21] =	ssyncadd.s32 $0xFFFFFF80  }
0x27: {  	[tilespmem:s23], [sflag:$0x2] =	stream.indirect.gather [hbm4b:s2+s22], $0x80, s4, s22, $0xb8;
	v63 =	vld [tilespmem:$0x0]  }
0x28: {  	s8 =	rddreg [dreg:$0x7]  }
0x29: {  	[tilespmem:s22], [sflag:$0x1] =	stream.linear.gather [hbm4b:s8+s4], $0x80, $0x38;
	v63 =	vld [tilespmem:$0x0]  }
0x2a: {  	_ = 	snop  }
0x2b: {  	[tilespmem:s31], [sflag:$0x1] =	stream.linear.gather [hbm4b:s13+s4], $0x80, $0x38;
	v63 =	vld [tilespmem:$0x0]  }
0x2c: {  	_ =	swait.ge [sflag:s24], $0x4000  }
0x2d: {  	[sflag:s24] =	ssyncset.done $0x0  }
0x2e: {  	[sflag:s24] =	ssyncadd.s32 $0xFFFFC000  }
0x2f: {  	[tilespmem:s25], [sflag:$0x1] =	stream.linear.gather [hbm4b:s14+s4], $0x80, $0x38;
	v63 =	vld [tilespmem:$0x0]  }
0x30: {  	_ = 	snop  }
0x31: {  	[tilespmem:s26], [sflag:$0x1] =	stream.linear.gather [hbm4b:s15+s4], $0x80, $0x38;
	v63 =	vld [tilespmem:$0x0]  }
0x32: {  	_ =	swait.ge [sflag:s21], $0x80  }
0x33: {  	[sflag:s21] =	ssyncset.done $0x0  }
0x34: {  	[sflag:s21] =	ssyncadd.s32 $0xFFFFFF80  }
0x35: {  	_ =	swait.ge [sflag:s21], $0x80  }
0x36: {  	[sflag:s21] =	ssyncset.done $0x0  }
0x37: {  	[sflag:s21] =	ssyncadd.s32 $0xFFFFFF80  }
0x38: {  	[tilespmem:s28], [sflag:$0x2] =	stream.indirect.gather [hbm4b:s2+s22], $0x80, s22, s22, $0xb8;
	v63 =	vld [tilespmem:$0x0]  }
0x39: {  	_ = 	snop  }
0x3a: {  	[spmem:s3] =	stream.indirect.scatter.add.f32 [tilespmem:s23], [sflag:$0x3], $0x80, s20, s22, $0xb8;
	v63 =	vld [tilespmem:$0x0]  }
0x3b: {  	s10 =	simm.s32 $0x180;
	_ =	swait.ge [sflag:s24], $0x4000  }
0x3c: {  	s8 =	sand.u32 $0x3C00, s10;
	[sflag:s24] =	ssyncset.done $0x0  }
0x3d: {  	s1 =	sand.u32 $0x380, s10;
	s8 =	sadd.s32 s7, s8;
	[sflag:s24] =	ssyncadd.s32 $0xFFFFC000  }
0x3e: {  	s1 =	sor.u32 s1, s8;
	_ =	swait.ge [sflag:s29], $0x4000  }
0x3f: {  	s1 =	sshrl.u32 s1, $0x3;
	[sflag:s29] =	ssyncset.done $0x0  }
0x40: {  	s11 =	sadd.s32 s5, s1;
	[sflag:s29] =	ssyncadd.s32 $0xFFFFC000  }
0x41: {  	[tilespmem:s4], [sflag:$0x1] =	stream.linear.gather [hbm4b:s11+s4], $0x80, $0x38;
	v63 =	vld [tilespmem:$0x0]  }
0x42: {  	s1 =	sadd.s32 s6, s1  }
0x43: {  	[tilespmem:s20], [sflag:$0x1] =	stream.linear.gather [hbm4b:s1+s4], $0x80, $0x38;
	v63 =	vld [tilespmem:$0x0]  }
0x44: {  	_ =	swait.ge [sflag:s21], $0x80  }
0x45: {  	[sflag:s21] =	ssyncset.done $0x0  }
0x46: {  	[sflag:s21] =	ssyncadd.s32 $0xFFFFFF80  }
0x47: {  	_ =	swait.ge [sflag:s21], $0x80  }
0x48: {  	[sflag:s21] =	ssyncset.done $0x0  }
0x49: {  	[sflag:s21] =	ssyncadd.s32 $0xFFFFFF80  }
0x4a: {  	[tilespmem:s30], [sflag:$0x2] =	stream.indirect.gather [hbm4b:s2+s22], $0x80, s25, s22, $0xb8;
	v63 =	vld [tilespmem:$0x0]  }
0x4b: {  	p0 =	por $0x0, $0x0;
	s1 =	simm.s32 $0x200  }
0x4c: {  	[spmem:s3] =	stream.indirect.scatter.add.f32 [tilespmem:s28], [sflag:$0x3], $0x80, s31, s22, $0xb8;
	v63 =	vld [tilespmem:$0x0]  }
0x4d: {  	s1 =	simm.s32 @p0 $0x0;
	_ =	swait.ge [sflag:s24], $0x4000  }
0x4e: {  	s12 =	sand.u32 $0x3C00, s1;
	[sflag:s24] =	ssyncset.done $0x0  }
0x4f: {  	s1 =	sand.u32 $0x380, s1;
	s8 =	sadd.s32 s7, s12;
	[sflag:s24] =	ssyncadd.s32 $0xFFFFC000  }
0x50: {  	s1 =	sor.u32 s1, s8;
	_ =	swait.ge [sflag:s29], $0x4000  }
0x51: {  	s1 =	sshrl.u32 s1, $0x3;
	[sflag:s29] =	ssyncset.done $0x0  }
0x52: {  	s10 =	sadd.s32 s5, s1;
	[sflag:s29] =	ssyncadd.s32 $0xFFFFC000  }
0x53: {  	[tilespmem:s22], [sflag:$0x1] =	stream.linear.gather [hbm4b:s10+s4], $0x80, $0x38;
	v63 =	vld [tilespmem:$0x0]  }
0x54: {  	s1 =	sadd.s32 s6, s1  }
0x55: {  	[tilespmem:s31], [sflag:$0x1] =	stream.linear.gather [hbm4b:s1+s4], $0x80, $0x38;
	v63 =	vld [tilespmem:$0x0]  }
0x56: {  	_ =	swait.ge [sflag:s21], $0x80  }
0x57: {  	[sflag:s21] =	ssyncset.done $0x0  }
0x58: {  	[sflag:s21] =	ssyncadd.s32 $0xFFFFFF80  }
0x59: {  	_ =	swait.ge [sflag:s21], $0x80  }
0x5a: {  	[sflag:s21] =	ssyncset.done $0x0  }
0x5b: {  	[sflag:s21] =	ssyncadd.s32 $0xFFFFFF80  }
0x5c: {  	[tilespmem:s23], [sflag:$0x2] =	stream.indirect.gather [hbm4b:s2+s22], $0x80, s4, s22, $0xb8;
	v63 =	vld [tilespmem:$0x0]  }
0x5d: {  	s1 =	simm.s32 $0x280  }
0x5e: {  	[spmem:s3] =	stream.indirect.scatter.add.f32 [tilespmem:s30], [sflag:$0x3], $0x80, s26, s22, $0xb8;
	v63 =	vld [tilespmem:$0x0]  }
0x5f: {  	s1 =	simm.s32 @p0 $0x80;
	_ =	swait.ge [sflag:s24], $0x4000  }
0x60: {  	s11 =	sand.u32 $0x3C00, s1;
	[sflag:s24] =	ssyncset.done $0x0  }
0x61: {  	s1 =	sand.u32 $0x380, s1;
	s8 =	sadd.s32 s7, s11;
	[sflag:s24] =	ssyncadd.s32 $0xFFFFC000  }
0x62: {  	s1 =	sor.u32 s1, s8;
	_ =	swait.ge [sflag:s29], $0x4000  }
0x63: {  	s1 =	sshrl.u32 s1, $0x3;
	[sflag:s29] =	ssyncset.done $0x0  }
0x64: {  	s12 =	sadd.s32 s5, s1;
	[sflag:s29] =	ssyncadd.s32 $0xFFFFC000  }
0x65: {  	[tilespmem:s25], [sflag:$0x1] =	stream.linear.gather [hbm4b:s12+s4], $0x80, $0x38;
	v63 =	vld [tilespmem:$0x0]  }
0x66: {  	s1 =	sadd.s32 s6, s1  }
0x67: {  	[tilespmem:s26], [sflag:$0x1] =	stream.linear.gather [hbm4b:s1+s4], $0x80, $0x38;
	v63 =	vld [tilespmem:$0x0]  }
0x68: {  	_ =	swait.ge [sflag:s21], $0x80  }
0x69: {  	[sflag:s21] =	ssyncset.done $0x0  }
0x6a: {  	[sflag:s21] =	ssyncadd.s32 $0xFFFFFF80  }
0x6b: {  	_ =	swait.ge [sflag:s21], $0x80  }
0x6c: {  	[sflag:s21] =	ssyncset.done $0x0  }
0x6d: {  	s1 =	simm.s32 $0x400;
	[sflag:s21] =	ssyncadd.s32 $0xFFFFFF80  }
0x6e: {  	[tilespmem:s28], [sflag:$0x2] =	stream.indirect.gather [hbm4b:s2+s22], $0x80, s22, s22, $0xb8;
	v63 =	vld [tilespmem:$0x0]  }
.LBB2_2:
0x6f: {  	[spmem:s3] =	stream.indirect.scatter.add.f32 [tilespmem:s23], [sflag:$0x3], $0x80, s20, s22, $0xb8;
	v63 =	vld [tilespmem:$0x0]  }
0x70: {  	s8 =	smov.u32 s1  }
0x71: {  	s10 =	sadd.s32 $0xFFFFFF00, s1;
	p0 =	sne.s32 s1, $0x2800;
	_ =	swait.ge [sflag:s24], $0x4000  }
0x72: {  	s1 =	sadd.s32 $0x180, s1;
	s11 =	sand.u32 $0x3C00, s10;
	[sflag:s24] =	ssyncset.done $0x0  }
0x73: {  	s10 =	sand.u32 $0x380, s10;
	s11 =	sadd.s32 s7, s11;
	[sflag:s24] =	ssyncadd.s32 $0xFFFFC000  }
0x74: {  	s10 =	sor.u32 s10, s11;
	_ =	swait.ge [sflag:s29], $0x4000  }
0x75: {  	s10 =	sshrl.u32 s10, $0x3;
	[sflag:s29] =	ssyncset.done $0x0  }
0x76: {  	s11 =	sadd.s32 s5, s10;
	[sflag:s29] =	ssyncadd.s32 $0xFFFFC000  }
0x77: {  	[tilespmem:s4], [sflag:$0x1] =	stream.linear.gather [hbm4b:s11+s4], $0x80, $0x38;
	v63 =	vld [tilespmem:$0x0]  }
0x78: {  	s10 =	sadd.s32 s6, s10  }
0x79: {  	[tilespmem:s20], [sflag:$0x1] =	stream.linear.gather [hbm4b:s10+s4], $0x80, $0x38;
	v63 =	vld [tilespmem:$0x0]  }
0x7a: {  	_ =	swait.ge [sflag:s21], $0x80  }
0x7b: {  	[sflag:s21] =	ssyncset.done $0x0  }
0x7c: {  	[sflag:s21] =	ssyncadd.s32 $0xFFFFFF80  }
0x7d: {  	_ =	swait.ge [sflag:s21], $0x80  }
0x7e: {  	[sflag:s21] =	ssyncset.done $0x0  }
0x7f: {  	[sflag:s21] =	ssyncadd.s32 $0xFFFFFF80  }
0x80: {  	[tilespmem:s30], [sflag:$0x2] =	stream.indirect.gather [hbm4b:s2+s22], $0x80, s25, s22, $0xb8;
	v63 =	vld [tilespmem:$0x0]  }
0x81: {  	p1 =	seq.s32 s8, $0x2800;
	s10 =	sadd.s32 $0xFFFFFF80, s8  }
0x82: {  	[spmem:s3] =	stream.indirect.scatter.add.f32 [tilespmem:s28], [sflag:$0x3], $0x80, s31, s22, $0xb8;
	v63 =	vld [tilespmem:$0x0]  }
0x83: {  	s8 =	simm.s32 @p1 $0x80;
	s10 =	simm.s32 @p1 $0x0;
	_ =	swait.ge [sflag:s24], $0x4000  }
0x84: {  	s11 =	sand.u32 $0x3C00, s10;
	s10 =	sand.u32 $0x380, s10;
	[sflag:s24] =	ssyncset.done $0x0  }
0x85: {  	s12 =	sand.u32 $0x3C00, s8;
	s11 =	sadd.s32 s7, s11;
	[sflag:s24] =	ssyncadd.s32 $0xFFFFC000  }
0x86: {  	s10 =	sor.u32 s10, s11;
	s11 =	sadd.s32 s7, s12;
	_ =	swait.ge [sflag:s29], $0x4000  }
0x87: {  	s8 =	sand.u32 $0x380, s8;
	s10 =	sshrl.u32 s10, $0x3;
	[sflag:s29] =	ssyncset.done $0x0  }
0x88: {  	s8 =	sor.u32 s8, s11;
	s12 =	sadd.s32 s5, s10;
	[sflag:s29] =	ssyncadd.s32 $0xFFFFC000  }
0x89: {  	[tilespmem:s22], [sflag:$0x1] =	stream.linear.gather [hbm4b:s12+s4], $0x80, $0x38;
	v63 =	vld [tilespmem:$0x0]  }
0x8a: {  	s10 =	sadd.s32 s6, s10;
	s8 =	sshrl.u32 s8, $0x3  }
0x8b: {  	[tilespmem:s31], [sflag:$0x1] =	stream.linear.gather [hbm4b:s10+s4], $0x80, $0x38;
	v63 =	vld [tilespmem:$0x0]  }
0x8c: {  	_ =	swait.ge [sflag:s21], $0x80  }
0x8d: {  	[sflag:s21] =	ssyncset.done $0x0  }
0x8e: {  	[sflag:s21] =	ssyncadd.s32 $0xFFFFFF80  }
0x8f: {  	_ =	swait.ge [sflag:s21], $0x80  }
0x90: {  	[sflag:s21] =	ssyncset.done $0x0  }
0x91: {  	[sflag:s21] =	ssyncadd.s32 $0xFFFFFF80  }
0x92: {  	[tilespmem:s23], [sflag:$0x2] =	stream.indirect.gather [hbm4b:s2+s22], $0x80, s4, s22, $0xb8;
	v63 =	vld [tilespmem:$0x0]  }
0x93: {  	_ = 	snop  }
0x94: {  	[spmem:s3] =	stream.indirect.scatter.add.f32 [tilespmem:s30], [sflag:$0x3], $0x80, s26, s22, $0xb8;
	v63 =	vld [tilespmem:$0x0]  }
0x95: {  	_ =	swait.ge [sflag:s24], $0x4000  }
0x96: {  	[sflag:s24] =	ssyncset.done $0x0  }
0x97: {  	[sflag:s24] =	ssyncadd.s32 $0xFFFFC000  }
0x98: {  	_ =	swait.ge [sflag:s29], $0x4000  }
0x99: {  	[sflag:s29] =	ssyncset.done $0x0  }
0x9a: {  	s10 =	sadd.s32 s5, s8;
	[sflag:s29] =	ssyncadd.s32 $0xFFFFC000  }
0x9b: {  	[tilespmem:s25], [sflag:$0x1] =	stream.linear.gather [hbm4b:s10+s4], $0x80, $0x38;
	v63 =	vld [tilespmem:$0x0]  }
0x9c: {  	s8 =	sadd.s32 s6, s8  }
0x9d: {  	[tilespmem:s26], [sflag:$0x1] =	stream.linear.gather [hbm4b:s8+s4], $0x80, $0x38;
	v63 =	vld [tilespmem:$0x0]  }
0x9e: {  	_ =	swait.ge [sflag:s21], $0x80  }
0x9f: {  	[sflag:s21] =	ssyncset.done $0x0  }
.Ltmp0:
0xa0: {  	[sflag:s21] =	ssyncadd.s32 $0xFFFFFF80;
	(pc) =	sbr.rel @p0 .LBB2_2-.Ltmp0, $4  }
0xa1: {  	_ =	swait.ge [sflag:s21], $0x80  }
0xa2: {  	[sflag:s21] =	ssyncset.done $0x0  }
0xa3: {  	[sflag:s21] =	ssyncadd.s32 $0xFFFFFF80  }
0xa4: {  	[tilespmem:s28], [sflag:$0x2] =	stream.indirect.gather [hbm4b:s2+s22], $0x80, s22, s22, $0xb8;
	v63 =	vld [tilespmem:$0x0]  }
0xa5: {  	[spmem:s3] =	stream.indirect.scatter.add.f32 [tilespmem:s23], [sflag:$0x3], $0x80, s20, s22, $0xb8;
	v63 =	vld [tilespmem:$0x0]  }
0xa6: {  	_ =	swait.ge [sflag:s29], $0x4000  }
0xa7: {  	[sflag:s29] =	ssyncset.done $0x0  }
0xa8: {  	[sflag:s29] =	ssyncadd.s32 $0xFFFFC000  }
0xa9: {  	_ =	swait.ge [sflag:s24], $0x4000  }
0xaa: {  	[sflag:s24] =	ssyncset.done $0x0  }
0xab: {  	[sflag:s24] =	ssyncadd.s32 $0xFFFFC000  }
0xac: {  	_ =	swait.ge [sflag:s21], $0x80  }
0xad: {  	[sflag:s21] =	ssyncset.done $0x0  }
0xae: {  	[sflag:s21] =	ssyncadd.s32 $0xFFFFFF80  }
0xaf: {  	_ =	swait.ge [sflag:s21], $0x80  }
0xb0: {  	s0 =	sadd.s32 $0x1, s0;
	[sflag:s21] =	ssyncset.done $0x0  }
0xb1: {  	p0 =	sne.s32 s0, s17;
	[sflag:s21] =	ssyncadd.s32 $0xFFFFFF80  }
.Ltmp1:
0xb2: {  	[bflag:$0x0] =	sbarrier.arrive $0xFFFF;
	(pc) =	sbr.rel @p0 .LBB2_1-.Ltmp1, $4  }
0xb3: {  	[hbm:s16], [sflag:s9] =	dma.local [spmem:s18], $0x2780  }
0xb4: {  	_ =	swait.ge [sflag:s19], $0x2780  }
0xb5: {  	[sflag:s19] =	ssyncset.done $0x0  }
0xb6: {  	[sflag:s19] =	ssyncadd.s32 $0xFFFFD880  }
0xb7: {  	_ =	sfence.sel $0x180000  }
0xb8: {  	[bflag:$0x0] =	sbarrier.arrive $0xFFFF  }
0xb9: {  	_ =	strace $0x9000004A  }
0xba: {  	s0 =	stileid.u32;
	[bflag:$0x2] =	sbarrier.arrive $0xFFFF  }
0xbb: {  	p0 =	sne.s32 s0, $0x0;
	s0 =	rddreg [dreg:$0x3]  }
0xbc: {  	s0 =	sadd.s32 @!p0 $0x100000, s0  }
0xbd: {  	[sflag:s0] =	ssyncadd.tile.s32 @!p0 $0x1;
	_ =	shalt  }
.Lfunc_end2:
_tile_overlayer_lowered:
.L_overlay_start_2:
0xbe: {  	(tag) =	ssettag $0x2  }
0xbf: {  	s0 =	rddreg [dreg:$0x0];
	s2 =	stileid.u32  }
0xc0: {  	s1 =	rddreg [dreg:$0x1];
	p0 =	sne.s32 s2, $0x0  }
0xc1: {  	s3 =	rddreg [dreg:$0x2];
	[bflag:$0x3] =	sbarrier.arrive $0xFFFF;
	s2 =	simm.s32 @!p0 $0x1C04  }
0xc2: {  	[timem:s3], [sflag:s2] =	dma.local @!p0 [hbm:s0], s1  }
0xc3: {  	s0 =	simm.s32 @!p0 $0x4  }
0xc4: {  	_ =	swait.ge @!p0 [sflag:s0], s1  }
0xc5: {  	s1 =	ssub.s32 @!p0 $0x0, s1;
	[sflag:s0] =	ssyncset.done @!p0 $0x0  }
0xc6: {  	[sflag:s0] =	ssyncadd.s32 @!p0 s1  }
0xc7: {  	[bflag:$0x3] =	sbarrier.arrive $0xFFFF  }
0xc8: {  	_ =	shalt  }

// kernel: kernel.14.cloned.1.call-start
scs
__scs_entry_jumppad:
0x0: {  	(pc) =	sbr.rel $0x88, $3  }
0x1: {  	(tag) =	ssettag $0x0;
	lr =	simm.s32 $0x1  }
0x2: {  	[smem:$0x3F95] =	sst lr;
	_ =	strace $0xD0000000  }
0x3: {  	_ = 	snop  }
0x4: {  	_ = 	snop  }
0x5: {  	_ = 	snop  }
0x6: {  	_ = 	snop  }
0x7: {  	_ = 	snop  }
__scs_overlays_trampoline_lowered:
0x8: {  	[smem:$0x3FA4] =	sst s0  }
0x9: {  	[smem:$0x3FA5] =	sst s1  }
0xa: {  	[smem:$0x3FA6] =	sst s2  }
0xb: {  	[smem:$0x3FA7] =	sst s3  }
0xc: {  	[smem:$0x3FA8] =	sst s4  }
0xd: {  	[smem:$0x3FA9] =	sst s5  }
0xe: {  	[smem:$0x3FAA] =	sst s6  }
0xf: {  	[smem:$0x3FAB] =	sst s7  }
0x10: {  	[smem:$0x3FAC] =	sst s8  }
0x11: {  	[smem:$0x3FAD] =	sst s9;
	s0 =	simm.s32 @!p0 $0x0  }
0x12: {  	s1 =	sld [smem:$0x3F93];
	s0 =	simm.s32 @p0 $0x1  }
0x13: {  	[smem:$0x3FAE] =	sst s0;
	s0 =	simm.s32 @!p1 $0x0  }
0x14: {  	s2 =	sld [smem:$0x3F92];
	s0 =	simm.s32 @p1 $0x1  }
0x15: {  	[smem:$0x3FAF] =	sst s0;
	s0 =	simm.s32 @!p2 $0x0  }
0x16: {  	s3 =	sld [smem:$0x3FDB];
	s0 =	simm.s32 @p2 $0x1  }
0x17: {  	s4 =	simm.s32 $0x1BF5;
	[smem:$0x3FB1] =	sst s0  }
0x18: {  	s0 =	sld [smem:$0x3F94];
	_ =	swait.ge [sflag:s4], $0x0  }
0x19: {  	s7 =	sld [smem:$0x3F95]  }
0x1a: {  	s8 =	sadd.s32 $0xFFFFE003, lr  }
0x1b: {  	s9 =	sadd.s32 $0xFFFFFEF7, lr;
	s5 =	simm.s32 $0xFFFFFFFF;
	p2 =	slt.u32 s8, $0xFFFFF086  }
0x1c: {  	p1 =	slt.u32 s9, $0xF7A;
	s5 =	simm.s32 @!p2 $0x0  }
0x1d: {  	s5 =	simm.s32 @p1 $0x1;
	p0 =	seq.s32 s7, s2  }
0x1e: {  	s7 =	smul.u32 @!p0 $0xF7A, s2;
	p2 =	seq.s32 @!p0 s5, $0x0  }
0x1f: {  	s9 =	smul.u32 $0xF7A, s1;
	s8 =	simm.s32 @!p0 $0x1BF5;
	p2 =	por !p2, p0  }
0x20: {  	[sflag:s8] =	ssyncset.s32 @!p0 $0xFFFFF086;
	s6 =	sadd.s32 @!p0 s3, s7;
	s7 =	simm.s32 @!p0 $0x108  }
0x21: {  	s3 =	sadd.s32 s3, s9;
	s6 =	sadd.s32 @!p0 $0x88, s6;
	s7 =	simm.s32 @p2 $0x1082  }
0x22: {  	[simem:s7], [sflag:s8] =	dma.local @!p0 [hbm:s6], $0xF7A  }
0x23: {  	s9 =	sor.u32 $0xD0000000, s2;
	s6 =	simm.s32 $0x108;
	_ =	swait.ge @!p0 [sflag:s8], $0x0  }
0x24: {  	s3 =	sadd.s32 $0x88, s3;
	s6 =	simm.s32 @!p1 $0x1082;
	[sflag:s4] =	ssyncset.s32 $0xFFFFF086  }
0x25: {  	[simem:s6], [sflag:s4] =	dma.local [hbm:s3], $0xF7A  }
0x26: {  	[smem:$0x3F95] =	sst s1;
	(tag) =	ssettag s2;
	_ =	strace s9  }
0x27: {  	s1 =	sld [smem:$0x3FA5]  }
0x28: {  	s2 =	sld [smem:$0x3FA6]  }
0x29: {  	s4 =	sld [smem:$0x3FA8]  }
0x2a: {  	p0 =	seq.s32 s5, $0x0;
	s5 =	sld [smem:$0x3FA9]  }
0x2b: {  	s6 =	sld [smem:$0x3FAA]  }
0x2c: {  	s7 =	sld [smem:$0x3FAB]  }
0x2d: {  	s3 =	simm.s32 $0x108;
	s8 =	sld [smem:$0x3FAC]  }
0x2e: {  	s3 =	simm.s32 @!p0 $0x1082;
	s9 =	sld [smem:$0x3FAD]  }
0x2f: {  	lr =	sadd.s32 s0, s3;
	s0 =	sld [smem:$0x3FA4]  }
0x30: {  	s3 =	sld [smem:$0x3FA7]  }
0x31: {  	[smem:$0x3FB0] =	sst s10  }
0x32: {  	s10 =	sld [smem:$0x3FAE];
	_ =	sdelay $0x3  }
0x33: {  	p0 =	seq.s32 s10, $0x1;
	s10 =	sld [smem:$0x3FB0];
	_ =	sdelay $0x3  }
0x34: {  	[smem:$0x3FB0] =	sst s10  }
0x35: {  	s10 =	sld [smem:$0x3FAF];
	_ =	sdelay $0x3  }
0x36: {  	p1 =	seq.s32 s10, $0x1;
	s10 =	sld [smem:$0x3FB0];
	_ =	sdelay $0x3  }
0x37: {  	[smem:$0x3FB0] =	sst s10  }
0x38: {  	s10 =	sld [smem:$0x3FB1]  }
0x39: {  	_ = 	snop;
	(pc) =	sbr.ind lr, $3  }
0x3a: {  	_ = 	snop  }
0x3b: {  	_ = 	snop  }
0x3c: {  	p2 =	seq.s32 s10, $0x1;
	s10 =	sld [smem:$0x3FB0]  }
0x3d: {  	_ =	shalt  }
0x3e: {  	_ =	shalt  }
0x3f: {  	_ =	shalt  }
0x40: {  	_ =	shalt  }
0x41: {  	_ =	shalt  }
0x42: {  	_ =	shalt  }
0x43: {  	_ =	shalt  }
0x44: {  	_ =	shalt  }
0x45: {  	_ =	shalt  }
0x46: {  	_ =	shalt  }
0x47: {  	_ =	shalt  }
0x48: {  	_ =	shalt  }
0x49: {  	_ =	shalt  }
0x4a: {  	_ =	shalt  }
0x4b: {  	_ =	shalt  }
0x4c: {  	_ =	shalt  }
0x4d: {  	_ =	shalt  }
0x4e: {  	_ =	shalt  }
0x4f: {  	_ =	shalt  }
0x50: {  	_ =	shalt  }
0x51: {  	_ =	shalt  }
0x52: {  	_ =	shalt  }
0x53: {  	_ =	shalt  }
0x54: {  	_ =	shalt  }
0x55: {  	_ =	shalt  }
0x56: {  	_ =	shalt  }
0x57: {  	_ =	shalt  }
0x58: {  	_ =	shalt  }
0x59: {  	_ =	shalt  }
0x5a: {  	_ =	shalt  }
0x5b: {  	_ =	shalt  }
0x5c: {  	_ =	shalt  }
0x5d: {  	_ =	shalt  }
0x5e: {  	_ =	shalt  }
0x5f: {  	_ =	shalt  }
0x60: {  	_ =	shalt  }
0x61: {  	_ =	shalt  }
0x62: {  	_ =	shalt  }
0x63: {  	_ =	shalt  }
0x64: {  	_ =	shalt  }
0x65: {  	_ =	shalt  }
0x66: {  	_ =	shalt  }
0x67: {  	_ =	shalt  }
0x68: {  	_ =	shalt  }
0x69: {  	_ =	shalt  }
0x6a: {  	_ =	shalt  }
0x6b: {  	_ =	shalt  }
0x6c: {  	_ =	shalt  }
0x6d: {  	_ =	shalt  }
0x6e: {  	_ =	shalt  }
0x6f: {  	_ =	shalt  }
0x70: {  	_ =	shalt  }
0x71: {  	_ =	shalt  }
0x72: {  	_ =	shalt  }
0x73: {  	_ =	shalt  }
0x74: {  	_ =	shalt  }
0x75: {  	_ =	shalt  }
0x76: {  	_ =	shalt  }
0x77: {  	_ =	shalt  }
0x78: {  	_ =	shalt  }
0x79: {  	_ =	shalt  }
0x7a: {  	_ =	shalt  }
0x7b: {  	_ =	shalt  }
0x7c: {  	_ =	shalt  }
0x7d: {  	_ =	shalt  }
0x7e: {  	_ =	shalt  }
0x7f: {  	_ =	shalt  }
0x80: {  	_ =	shalt  }
0x81: {  	_ =	shalt  }
0x82: {  	_ =	shalt  }
0x83: {  	_ =	shalt  }
0x84: {  	_ =	shalt  }
0x85: {  	_ =	shalt  }
0x86: {  	_ =	shalt  }
0x87: {  	_ =	shalt  }
.Lfunc_end0:
.L_simem_size_0:
called_computation.2_lowered:
.L_overlay_start_0:
0x88: {  	s2 =	sld [smem:$0x3FD9]  }
0x89: {  	s3 =	sld [smem:$0x3FFE];
	_ =	sdelay $0x1  }
0x8a: {  	s1 =	srdreg.scid  }
0x8b: {  	s0 =	sand.u32 $0x1, s1  }
0x8c: {  	s17 =	sshll.u32 s0, $0xA;
	s2 =	sadd.s32 s3, s2  }
0x8d: {  	s2 =	sadd.s32 s2, s17  }
0x8e: {  	[smem:$0x3FBC] =	sst s2  }
0x8f: {  	_ = 	snop  }
0x90: {  	s2 =	sld [smem:$0x3FD0];
	(tm) =	ssettm $0x1  }
0x91: {  	s18 =	sld [smem:$0x3FFB];
	_ =	sdelay $0x3  }
0x92: {  	_ =	strace s18  }
0x93: {  	s3 =	sld [smem:$0x3FFC];
	_ =	sdelay $0x3  }
0x94: {  	_ =	strace s3  }
0x95: {  	s3 =	sld [smem:$0x3FFD];
	_ =	sdelay $0x3  }
0x96: {  	_ =	strace s3  }
0x97: {  	_ =	strace $0x8FFFFFFF  }
0x98: {  	s19 =	sld [smem:$0x3FDB];
	_ =	sdelay $0x1  }
0x99: {  	s4 =	simm.s32 $_scs_section_size  }
0x9a: {  	s5 =	simm.s32 $_size__tile_overlayer_lowered;
	s6 =	simm.s32 $_tile_overlayer_lowered  }
0x9b: {  	s22 =	simm.s32 $0x1BFF;
	s21 =	sshll.u32 s6, $0x1;
	s3 =	sadd.s32 s4, s19  }
0x9c: {  	s7 =	simm.s32 $0x0;
	s20 =	sshll.u32 s5, $0x1;
	s5 =	sadd.s32 s21, s3  }
0x9d: {  	[timem:s7], [sflag:s22] =	dma.local [hbm:s5], s20  }
0x9e: {  	_ =	swait.ge [sflag:s22], s20  }
0x9f: {  	s4 =	ssub.s32 $0x0, s20;
	[sflag:s22] =	ssyncset.done $0x0  }
0xa0: {  	[sflag:s22] =	ssyncadd.s32 s4;
	_ =	sdelay $0x1  }
0xa1: {  	s23 =	simm.s32 $0x1B8B  }
0xa2: {  	_ =	swait.ge [sflag:s23], $0x1  }
0xa3: {  	[sflag:s23] =	ssyncset.done $0x0  }
0xa4: {  	s25 =	simm.s32 $0x1B8E;
	s24 =	sld [smem:$0x3FFE];
	[sflag:s23] =	ssyncadd.s32 $0xFFFFFFFF  }
0xa5: {  	s26 =	simm.s32 $execute0_lowered;
	[smem:$0x3FD2] =	sst s25  }
0xa6: {  	s5 =	sshll.u32 s26, $0x1;
	_ =	strace $0x8000004C;
	[dreg:$0x1] =	wrdreg $0xFFFFFFFF  }
0xa7: {  	s28 =	simm.s32 $_size_execute0_lowered;
	s3 =	sadd.s32 s3, s5;
	[dreg:$0x0] =	wrdreg $0x0  }
0xa8: {  	s5 =	sshll.u32 s28, $0x1;
	[dreg:$0x2] =	wrdreg s3  }
0xa9: {  	[dreg:$0x3] =	wrdreg s5  }
0xaa: {  	[dreg:$0x4] =	wrdreg $0xC0  }
0xab: {  	_ =	task [dreg:s7], $0x5FFFF  }
0xac: {  	[dreg:$0x1] =	wrdreg $0xFFFFFFFF  }
0xad: {  	[dreg:$0x0] =	wrdreg $0x60  }
0xae: {  	[dreg:$0x2] =	wrdreg s2  }
0xaf: {  	[dreg:$0x3] =	wrdreg s24  }
0xb0: {  	[dreg:$0x4] =	wrdreg $0xC4000  }
0xb1: {  	[dreg:$0x5] =	wrdreg $0x9  }
0xb2: {  	_ =	task.clear_ibuf [dreg:s7], $0x6FFFF;
	_ =	strace $0x9000004C  }
0xb3: {  	s29 =	simm.s32 $0x9;
	_ =	strace $0x8000004E  }
0xb4: {  	_ =	swait.ge [sflag:s29], $0x1  }
0xb5: {  	[sflag:s29] =	ssyncadd.s32 $0xFFFFFFFF  }
0xb6: {  	_ =	strace $0x9000004E  }
0xb7: {  	_ =	sfence  }
0xb8: {  	s30 =	sld [smem:$0x0];
	_ =	sdelay $0x2  }
0xb9: {  	s31 =	sshll.u32 s1, $0xD;
	s1 =	sshrl.u32 s1, $0x2  }
0xba: {  	s3 =	sand.u32 $0x4000, s31;
	s1 =	sadd.s32 s1, s30  }
0xbb: {  	s0 =	sor.u32 s3, s0;
	s1 =	sshll.u32 s1, $0x11  }
0xbc: {  	s0 =	sor.u32 s1, s0  }
0xbd: {  	s0 =	sadd.s32 $0x8F2B, s0  }
0xbe: {  	[sflag:s0] =	ssyncadd.remote.s32 $0x1  }
0xbf: {  	_ =	sfence.sel $0xFFFF  }
0xc0: {  	[dreg:$0x0] =	wrdreg $0xFFFFFFFF;
	(pc) =	sbr.abs _section_cstart, $3  }
0xc1: {  	[dreg:$0x1] =	wrdreg $0xFFFFFFFF  }
0xc2: {  	_ =	task.clear_ibuf [dreg:s7], $0x2FFFF;
	_ =	strace $0x9FFFFFFF  }
0xc3: {  	(tm) =	ssettm $0x7FFFFFFF  }
tec
execute0_lowered:
.L_overlay_start_1:
0x0: {  	(tag) =	ssettag $0x1  }
0x1: {  	s2 =	rddreg [dreg:$0x0]  }
0x2: {  	s0 =	rddreg [dreg:$0x1]  }
0x3: {  	s3 =	rddreg [dreg:$0x2]  }
0x4: {  	s11 =	stileid.u32;
	s1 =	srdreg.scid  }
0x5: {  	s4 =	simm.s32 $0x0;
	s19 =	simm.s32 $0x4;
	s28 =	simm.s32 $0x4400  }
0x6: {  	s29 =	simm.s32 $0x3;
	s30 =	simm.s32 $0x8400;
	s31 =	simm.s32 $0x280  }
0x7: {  	s7 =	smul.u32 $0x13C00, s11;
	s1 =	sand.u32 $0x1, s1;
	[smem:$0x7FF] =	sst s4  }
0x8: {  	s5 =	sadd.s32 $0x16800, s0;
	s6 =	sadd.s32 $0xC800, s0;
	s20 =	smul.u32 $0x4F000, s11  }
0x9: {  	s23 =	sshll.u32 s11, $0x6;
	s8 =	smul.u32 $0x13C000, s1;
	_ =	strace $0x8000004D  }
0xa: {  	s10 =	sshll.u32 s1, $0x4;
	s1 =	ssub.s32 $0x2, s1;
	s9 =	sshrl.u32 s7, $0x3  }
0xb: {  	s21 =	sor.u32 s11, s10;
	s22 =	sshrl.u32 s1, $0x1;
	s9 =	sadd.s32 s9, s0  }
0xc: {  	s7 =	sadd.s32 s7, s8;
	s8 =	sshrl.u32 s20, $0x2;
	s1 =	ssub.s32 s1, s22  }
0xd: {  	s20 =	simm.s32 $0x200;
	s22 =	simm.s32 $0x80;
	s7 =	sshrl.u32 s7, $0x3  }
0xe: {  	s8 =	sadd.s32 s8, s3;
	s9 =	sadd.s32 $0x47A00, s9;
	s17 =	smax.u32 s1, $0x1  }
0xf: {  	s0 =	sadd.s32 s7, s0;
	s7 =	smul.u32 $0x2800, s21;
	[dreg:$0x4] =	wrdreg s9  }
0x10: {  	s9 =	sor.u32 $0x1C04, s23;
	s18 =	sshrl.u32 s8, $0x3;
	s21 =	simm.s32 $0x1  }
0x11: {  	s23 =	simm.s32 $0x400;
	s16 =	sadd.s32 $0x6F200, s0;
	s14 =	sshrl.u32 s7, $0x3  }
0x12: {  	s0 =	simm.s32 $0x0;
	s24 =	sadd.s32 s5, s14;
	s25 =	sadd.s32 s6, s14  }
0x13: {  	s13 =	sor.u32 $0x10, s14;
	s15 =	sor.u32 $0x20, s14;
	[dreg:$0x5] =	wrdreg s24  }
0x14: {  	[dreg:$0x6] =	wrdreg s25;
	s26 =	sadd.s32 s5, s13;
	s13 =	sadd.s32 s6, s13  }
0x15: {  	s14 =	sadd.s32 s5, s15;
	s15 =	sadd.s32 s6, s15;
	s24 =	simm.s32 $0x2  }
0x16: {  	s25 =	simm.s32 $0x100;
	[dreg:$0x7] =	wrdreg s26;
	s26 =	simm.s32 $0x300  }
.LBB2_1:
0x17: {  	s1 =	rddreg [dreg:$0x4]  }
0x18: {  	[spmem:s18], [sflag:s9] =	dma.local [hbm:s1], $0x2780  }
0x19: {  	_ =	swait.ge [sflag:s19], $0x2780  }
0x1a: {  	[sflag:s19] =	ssyncset.done $0x0  }
0x1b: {  	[sflag:s19] =	ssyncadd.s32 $0xFFFFD880  }
0x1c: {  	[bflag:$0x0] =	sbarrier.arrive $0xFFFF  }
0x1d: {  	s11 =	rddreg [dreg:$0x5]  }
0x1e: {  	[tilespmem:s4], [sflag:$0x1] =	stream.linear.gather [hbm4b:s11+s4], $0x80, $0x38;
	v63 =	vld [tilespmem:$0x0]  }
0x1f: {  	s12 =	rddreg [dreg:$0x6]  }
0x20: {  	[tilespmem:s20], [sflag:$0x1] =	stream.linear.gather [hbm4b:s12+s4], $0x80, $0x38;
	v63 =	vld [tilespmem:$0x0]  }
0x21: {  	_ =	swait.ge [sflag:s21], $0x80  }
0x22: {  	[sflag:s21] =	ssyncset.done $0x0  }
0x23: {  	[sflag:s21] =	ssyncadd.s32 $0xFFFFFF80  }
0x24: {  	_ =	swait.ge [sflag:s21], $0x80  }
0x25: {  	[sflag:s21] =	ssyncset.done $0x0  }
0x26: {  	[sflag:s21] =	ssyncadd.s32 $0xFFFFFF80  }
0x27: {  	[tilespmem:s23], [sflag:$0x2] =	stream.indirect.gather [hbm4b:s2+s22], $0x80, s4, s22, $0xb8;
	v63 =	vld [tilespmem:$0x0]  }
0x28: {  	s8 =	rddreg [dreg:$0x7]  }
0x29: {  	[tilespmem:s22], [sflag:$0x1] =	stream.linear.gather [hbm4b:s8+s4], $0x80, $0x38;
	v63 =	vld [tilespmem:$0x0]  }
0x2a: {  	_ = 	snop  }
0x2b: {  	[tilespmem:s31], [sflag:$0x1] =	stream.linear.gather [hbm4b:s13+s4], $0x80, $0x38;
	v63 =	vld [tilespmem:$0x0]  }
0x2c: {  	_ =	swait.ge [sflag:s24], $0x4000  }
0x2d: {  	[sflag:s24] =	ssyncset.done $0x0  }
0x2e: {  	[sflag:s24] =	ssyncadd.s32 $0xFFFFC000  }
0x2f: {  	[tilespmem:s25], [sflag:$0x1] =	stream.linear.gather [hbm4b:s14+s4], $0x80, $0x38;
	v63 =	vld [tilespmem:$0x0]  }
0x30: {  	_ = 	snop  }
0x31: {  	[tilespmem:s26], [sflag:$0x1] =	stream.linear.gather [hbm4b:s15+s4], $0x80, $0x38;
	v63 =	vld [tilespmem:$0x0]  }
0x32: {  	_ =	swait.ge [sflag:s21], $0x80  }
0x33: {  	[sflag:s21] =	ssyncset.done $0x0  }
0x34: {  	[sflag:s21] =	ssyncadd.s32 $0xFFFFFF80  }
0x35: {  	_ =	swait.ge [sflag:s21], $0x80  }
0x36: {  	[sflag:s21] =	ssyncset.done $0x0  }
0x37: {  	[sflag:s21] =	ssyncadd.s32 $0xFFFFFF80  }
0x38: {  	[tilespmem:s28], [sflag:$0x2] =	stream.indirect.gather [hbm4b:s2+s22], $0x80, s22, s22, $0xb8;
	v63 =	vld [tilespmem:$0x0]  }
0x39: {  	_ = 	snop  }
0x3a: {  	[spmem:s3] =	stream.indirect.scatter.add.f32 [tilespmem:s23], [sflag:$0x3], $0x80, s20, s22, $0xb8;
	v63 =	vld [tilespmem:$0x0]  }
0x3b: {  	s10 =	simm.s32 $0x180;
	_ =	swait.ge [sflag:s24], $0x4000  }
0x3c: {  	s8 =	sand.u32 $0x3C00, s10;
	[sflag:s24] =	ssyncset.done $0x0  }
0x3d: {  	s1 =	sand.u32 $0x380, s10;
	s8 =	sadd.s32 s7, s8;
	[sflag:s24] =	ssyncadd.s32 $0xFFFFC000  }
0x3e: {  	s1 =	sor.u32 s1, s8;
	_ =	swait.ge [sflag:s29], $0x4000  }
0x3f: {  	s1 =	sshrl.u32 s1, $0x3;
	[sflag:s29] =	ssyncset.done $0x0  }
0x40: {  	s11 =	sadd.s32 s5, s1;
	[sflag:s29] =	ssyncadd.s32 $0xFFFFC000  }
0x41: {  	[tilespmem:s4], [sflag:$0x1] =	stream.linear.gather [hbm4b:s11+s4], $0x80, $0x38;
	v63 =	vld [tilespmem:$0x0]  }
0x42: {  	s1 =	sadd.s32 s6, s1  }
0x43: {  	[tilespmem:s20], [sflag:$0x1] =	stream.linear.gather [hbm4b:s1+s4], $0x80, $0x38;
	v63 =	vld [tilespmem:$0x0]  }
0x44: {  	_ =	swait.ge [sflag:s21], $0x80  }
0x45: {  	[sflag:s21] =	ssyncset.done $0x0  }
0x46: {  	[sflag:s21] =	ssyncadd.s32 $0xFFFFFF80  }
0x47: {  	_ =	swait.ge [sflag:s21], $0x80  }
0x48: {  	[sflag:s21] =	ssyncset.done $0x0  }
0x49: {  	[sflag:s21] =	ssyncadd.s32 $0xFFFFFF80  }
0x4a: {  	[tilespmem:s30], [sflag:$0x2] =	stream.indirect.gather [hbm4b:s2+s22], $0x80, s25, s22, $0xb8;
	v63 =	vld [tilespmem:$0x0]  }
0x4b: {  	p0 =	por $0x0, $0x0;
	s1 =	simm.s32 $0x200  }
0x4c: {  	[spmem:s3] =	stream.indirect.scatter.add.f32 [tilespmem:s28], [sflag:$0x3], $0x80, s31, s22, $0xb8;
	v63 =	vld [tilespmem:$0x0]  }
0x4d: {  	s1 =	simm.s32 @p0 $0x0;
	_ =	swait.ge [sflag:s24], $0x4000  }
0x4e: {  	s12 =	sand.u32 $0x3C00, s1;
	[sflag:s24] =	ssyncset.done $0x0  }
0x4f: {  	s1 =	sand.u32 $0x380, s1;
	s8 =	sadd.s32 s7, s12;
	[sflag:s24] =	ssyncadd.s32 $0xFFFFC000  }
0x50: {  	s1 =	sor.u32 s1, s8;
	_ =	swait.ge [sflag:s29], $0x4000  }
0x51: {  	s1 =	sshrl.u32 s1, $0x3;
	[sflag:s29] =	ssyncset.done $0x0  }
0x52: {  	s10 =	sadd.s32 s5, s1;
	[sflag:s29] =	ssyncadd.s32 $0xFFFFC000  }
0x53: {  	[tilespmem:s22], [sflag:$0x1] =	stream.linear.gather [hbm4b:s10+s4], $0x80, $0x38;
	v63 =	vld [tilespmem:$0x0]  }
0x54: {  	s1 =	sadd.s32 s6, s1  }
0x55: {  	[tilespmem:s31], [sflag:$0x1] =	stream.linear.gather [hbm4b:s1+s4], $0x80, $0x38;
	v63 =	vld [tilespmem:$0x0]  }
0x56: {  	_ =	swait.ge [sflag:s21], $0x80  }
0x57: {  	[sflag:s21] =	ssyncset.done $0x0  }
0x58: {  	[sflag:s21] =	ssyncadd.s32 $0xFFFFFF80  }
0x59: {  	_ =	swait.ge [sflag:s21], $0x80  }
0x5a: {  	[sflag:s21] =	ssyncset.done $0x0  }
0x5b: {  	[sflag:s21] =	ssyncadd.s32 $0xFFFFFF80  }
0x5c: {  	[tilespmem:s23], [sflag:$0x2] =	stream.indirect.gather [hbm4b:s2+s22], $0x80, s4, s22, $0xb8;
	v63 =	vld [tilespmem:$0x0]  }
0x5d: {  	s1 =	simm.s32 $0x280  }
0x5e: {  	[spmem:s3] =	stream.indirect.scatter.add.f32 [tilespmem:s30], [sflag:$0x3], $0x80, s26, s22, $0xb8;
	v63 =	vld [tilespmem:$0x0]  }
0x5f: {  	s1 =	simm.s32 @p0 $0x80;
	_ =	swait.ge [sflag:s24], $0x4000  }
0x60: {  	s11 =	sand.u32 $0x3C00, s1;
	[sflag:s24] =	ssyncset.done $0x0  }
0x61: {  	s1 =	sand.u32 $0x380, s1;
	s8 =	sadd.s32 s7, s11;
	[sflag:s24] =	ssyncadd.s32 $0xFFFFC000  }
0x62: {  	s1 =	sor.u32 s1, s8;
	_ =	swait.ge [sflag:s29], $0x4000  }
0x63: {  	s1 =	sshrl.u32 s1, $0x3;
	[sflag:s29] =	ssyncset.done $0x0  }
0x64: {  	s12 =	sadd.s32 s5, s1;
	[sflag:s29] =	ssyncadd.s32 $0xFFFFC000  }
0x65: {  	[tilespmem:s25], [sflag:$0x1] =	stream.linear.gather [hbm4b:s12+s4], $0x80, $0x38;
	v63 =	vld [tilespmem:$0x0]  }
0x66: {  	s1 =	sadd.s32 s6, s1  }
0x67: {  	[tilespmem:s26], [sflag:$0x1] =	stream.linear.gather [hbm4b:s1+s4], $0x80, $0x38;
	v63 =	vld [tilespmem:$0x0]  }
0x68: {  	_ =	swait.ge [sflag:s21], $0x80  }
0x69: {  	[sflag:s21] =	ssyncset.done $0x0  }
0x6a: {  	[sflag:s21] =	ssyncadd.s32 $0xFFFFFF80  }
0x6b: {  	_ =	swait.ge [sflag:s21], $0x80  }
0x6c: {  	[sflag:s21] =	ssyncset.done $0x0  }
0x6d: {  	s1 =	simm.s32 $0x400;
	[sflag:s21] =	ssyncadd.s32 $0xFFFFFF80  }
0x6e: {  	[tilespmem:s28], [sflag:$0x2] =	stream.indirect.gather [hbm4b:s2+s22], $0x80, s22, s22, $0xb8;
	v63 =	vld [tilespmem:$0x0]  }
.LBB2_2:
0x6f: {  	[spmem:s3] =	stream.indirect.scatter.add.f32 [tilespmem:s23], [sflag:$0x3], $0x80, s20, s22, $0xb8;
	v63 =	vld [tilespmem:$0x0]  }
0x70: {  	s8 =	smov.u32 s1  }
0x71: {  	s10 =	sadd.s32 $0xFFFFFF00, s1;
	p0 =	sne.s32 s1, $0x2800;
	_ =	swait.ge [sflag:s24], $0x4000  }
0x72: {  	s1 =	sadd.s32 $0x180, s1;
	s11 =	sand.u32 $0x3C00, s10;
	[sflag:s24] =	ssyncset.done $0x0  }
0x73: {  	s10 =	sand.u32 $0x380, s10;
	s11 =	sadd.s32 s7, s11;
	[sflag:s24] =	ssyncadd.s32 $0xFFFFC000  }
0x74: {  	s10 =	sor.u32 s10, s11;
	_ =	swait.ge [sflag:s29], $0x4000  }
0x75: {  	s10 =	sshrl.u32 s10, $0x3;
	[sflag:s29] =	ssyncset.done $0x0  }
0x76: {  	s11 =	sadd.s32 s5, s10;
	[sflag:s29] =	ssyncadd.s32 $0xFFFFC000  }
0x77: {  	[tilespmem:s4], [sflag:$0x1] =	stream.linear.gather [hbm4b:s11+s4], $0x80, $0x38;
	v63 =	vld [tilespmem:$0x0]  }
0x78: {  	s10 =	sadd.s32 s6, s10  }
0x79: {  	[tilespmem:s20], [sflag:$0x1] =	stream.linear.gather [hbm4b:s10+s4], $0x80, $0x38;
	v63 =	vld [tilespmem:$0x0]  }
0x7a: {  	_ =	swait.ge [sflag:s21], $0x80  }
0x7b: {  	[sflag:s21] =	ssyncset.done $0x0  }
0x7c: {  	[sflag:s21] =	ssyncadd.s32 $0xFFFFFF80  }
0x7d: {  	_ =	swait.ge [sflag:s21], $0x80  }
0x7e: {  	[sflag:s21] =	ssyncset.done $0x0  }
0x7f: {  	[sflag:s21] =	ssyncadd.s32 $0xFFFFFF80  }
0x80: {  	[tilespmem:s30], [sflag:$0x2] =	stream.indirect.gather [hbm4b:s2+s22], $0x80, s25, s22, $0xb8;
	v63 =	vld [tilespmem:$0x0]  }
0x81: {  	p1 =	seq.s32 s8, $0x2800;
	s10 =	sadd.s32 $0xFFFFFF80, s8  }
0x82: {  	[spmem:s3] =	stream.indirect.scatter.add.f32 [tilespmem:s28], [sflag:$0x3], $0x80, s31, s22, $0xb8;
	v63 =	vld [tilespmem:$0x0]  }
0x83: {  	s8 =	simm.s32 @p1 $0x80;
	s10 =	simm.s32 @p1 $0x0;
	_ =	swait.ge [sflag:s24], $0x4000  }
0x84: {  	s11 =	sand.u32 $0x3C00, s10;
	s10 =	sand.u32 $0x380, s10;
	[sflag:s24] =	ssyncset.done $0x0  }
0x85: {  	s12 =	sand.u32 $0x3C00, s8;
	s11 =	sadd.s32 s7, s11;
	[sflag:s24] =	ssyncadd.s32 $0xFFFFC000  }
0x86: {  	s10 =	sor.u32 s10, s11;
	s11 =	sadd.s32 s7, s12;
	_ =	swait.ge [sflag:s29], $0x4000  }
0x87: {  	s8 =	sand.u32 $0x380, s8;
	s10 =	sshrl.u32 s10, $0x3;
	[sflag:s29] =	ssyncset.done $0x0  }
0x88: {  	s8 =	sor.u32 s8, s11;
	s12 =	sadd.s32 s5, s10;
	[sflag:s29] =	ssyncadd.s32 $0xFFFFC000  }
0x89: {  	[tilespmem:s22], [sflag:$0x1] =	stream.linear.gather [hbm4b:s12+s4], $0x80, $0x38;
	v63 =	vld [tilespmem:$0x0]  }
0x8a: {  	s10 =	sadd.s32 s6, s10;
	s8 =	sshrl.u32 s8, $0x3  }
0x8b: {  	[tilespmem:s31], [sflag:$0x1] =	stream.linear.gather [hbm4b:s10+s4], $0x80, $0x38;
	v63 =	vld [tilespmem:$0x0]  }
0x8c: {  	_ =	swait.ge [sflag:s21], $0x80  }
0x8d: {  	[sflag:s21] =	ssyncset.done $0x0  }
0x8e: {  	[sflag:s21] =	ssyncadd.s32 $0xFFFFFF80  }
0x8f: {  	_ =	swait.ge [sflag:s21], $0x80  }
0x90: {  	[sflag:s21] =	ssyncset.done $0x0  }
0x91: {  	[sflag:s21] =	ssyncadd.s32 $0xFFFFFF80  }
0x92: {  	[tilespmem:s23], [sflag:$0x2] =	stream.indirect.gather [hbm4b:s2+s22], $0x80, s4, s22, $0xb8;
	v63 =	vld [tilespmem:$0x0]  }
0x93: {  	_ = 	snop  }
0x94: {  	[spmem:s3] =	stream.indirect.scatter.add.f32 [tilespmem:s30], [sflag:$0x3], $0x80, s26, s22, $0xb8;
	v63 =	vld [tilespmem:$0x0]  }
0x95: {  	_ =	swait.ge [sflag:s24], $0x4000  }
0x96: {  	[sflag:s24] =	ssyncset.done $0x0  }
0x97: {  	[sflag:s24] =	ssyncadd.s32 $0xFFFFC000  }
0x98: {  	_ =	swait.ge [sflag:s29], $0x4000  }
0x99: {  	[sflag:s29] =	ssyncset.done $0x0  }
0x9a: {  	s10 =	sadd.s32 s5, s8;
	[sflag:s29] =	ssyncadd.s32 $0xFFFFC000  }
0x9b: {  	[tilespmem:s25], [sflag:$0x1] =	stream.linear.gather [hbm4b:s10+s4], $0x80, $0x38;
	v63 =	vld [tilespmem:$0x0]  }
0x9c: {  	s8 =	sadd.s32 s6, s8  }
0x9d: {  	[tilespmem:s26], [sflag:$0x1] =	stream.linear.gather [hbm4b:s8+s4], $0x80, $0x38;
	v63 =	vld [tilespmem:$0x0]  }
0x9e: {  	_ =	swait.ge [sflag:s21], $0x80  }
0x9f: {  	[sflag:s21] =	ssyncset.done $0x0  }
.Ltmp0:
0xa0: {  	[sflag:s21] =	ssyncadd.s32 $0xFFFFFF80;
	(pc) =	sbr.rel @p0 .LBB2_2-.Ltmp0, $4  }
0xa1: {  	_ =	swait.ge [sflag:s21], $0x80  }
0xa2: {  	[sflag:s21] =	ssyncset.done $0x0  }
0xa3: {  	[sflag:s21] =	ssyncadd.s32 $0xFFFFFF80  }
0xa4: {  	[tilespmem:s28], [sflag:$0x2] =	stream.indirect.gather [hbm4b:s2+s22], $0x80, s22, s22, $0xb8;
	v63 =	vld [tilespmem:$0x0]  }
0xa5: {  	[spmem:s3] =	stream.indirect.scatter.add.f32 [tilespmem:s23], [sflag:$0x3], $0x80, s20, s22, $0xb8;
	v63 =	vld [tilespmem:$0x0]  }
0xa6: {  	_ =	swait.ge [sflag:s29], $0x4000  }
0xa7: {  	[sflag:s29] =	ssyncset.done $0x0  }
0xa8: {  	[sflag:s29] =	ssyncadd.s32 $0xFFFFC000  }
0xa9: {  	_ =	swait.ge [sflag:s24], $0x4000  }
0xaa: {  	[sflag:s24] =	ssyncset.done $0x0  }
0xab: {  	[sflag:s24] =	ssyncadd.s32 $0xFFFFC000  }
0xac: {  	_ =	swait.ge [sflag:s21], $0x80  }
0xad: {  	[sflag:s21] =	ssyncset.done $0x0  }
0xae: {  	[sflag:s21] =	ssyncadd.s32 $0xFFFFFF80  }
0xaf: {  	_ =	swait.ge [sflag:s21], $0x80  }
0xb0: {  	s0 =	sadd.s32 $0x1, s0;
	[sflag:s21] =	ssyncset.done $0x0  }
0xb1: {  	p0 =	sne.s32 s0, s17;
	[sflag:s21] =	ssyncadd.s32 $0xFFFFFF80  }
.Ltmp1:
0xb2: {  	[bflag:$0x0] =	sbarrier.arrive $0xFFFF;
	(pc) =	sbr.rel @p0 .LBB2_1-.Ltmp1, $4  }
0xb3: {  	[hbm:s16], [sflag:s9] =	dma.local [spmem:s18], $0x2780  }
0xb4: {  	_ =	swait.ge [sflag:s19], $0x2780  }
0xb5: {  	[sflag:s19] =	ssyncset.done $0x0  }
0xb6: {  	[sflag:s19] =	ssyncadd.s32 $0xFFFFD880  }
0xb7: {  	_ =	sfence.sel $0x180000  }
0xb8: {  	[bflag:$0x0] =	sbarrier.arrive $0xFFFF  }
0xb9: {  	_ =	strace $0x9000004D  }
0xba: {  	s0 =	stileid.u32;
	[bflag:$0x2] =	sbarrier.arrive $0xFFFF  }
0xbb: {  	p0 =	sne.s32 s0, $0x0;
	s0 =	rddreg [dreg:$0x3]  }
0xbc: {  	s0 =	sadd.s32 @!p0 $0x100000, s0  }
0xbd: {  	[sflag:s0] =	ssyncadd.tile.s32 @!p0 $0x1;
	_ =	shalt  }
.Lfunc_end2:
_tile_overlayer_lowered:
.L_overlay_start_2:
0xbe: {  	(tag) =	ssettag $0x2  }
0xbf: {  	s0 =	rddreg [dreg:$0x0];
	s2 =	stileid.u32  }
0xc0: {  	s1 =	rddreg [dreg:$0x1];
	p0 =	sne.s32 s2, $0x0  }
0xc1: {  	s3 =	rddreg [dreg:$0x2];
	[bflag:$0x3] =	sbarrier.arrive $0xFFFF;
	s2 =	simm.s32 @!p0 $0x1C04  }
0xc2: {  	[timem:s3], [sflag:s2] =	dma.local @!p0 [hbm:s0], s1  }
0xc3: {  	s0 =	simm.s32 @!p0 $0x4  }
0xc4: {  	_ =	swait.ge @!p0 [sflag:s0], s1  }
0xc5: {  	s1 =	ssub.s32 @!p0 $0x0, s1;
	[sflag:s0] =	ssyncset.done @!p0 $0x0  }
0xc6: {  	[sflag:s0] =	ssyncadd.s32 @!p0 s1  }
0xc7: {  	[bflag:$0x3] =	sbarrier.arrive $0xFFFF  }
0xc8: {  	_ =	shalt  }

// kernel: kernel.8.cloned.1.call-start
scs
__scs_entry_jumppad:
0x0: {  	(pc) =	sbr.rel $0x88, $3  }
0x1: {  	(tag) =	ssettag $0x0;
	lr =	simm.s32 $0x1  }
0x2: {  	[smem:$0x3F95] =	sst lr;
	_ =	strace $0xD0000000  }
0x3: {  	_ = 	snop  }
0x4: {  	_ = 	snop  }
0x5: {  	_ = 	snop  }
0x6: {  	_ = 	snop  }
0x7: {  	_ = 	snop  }
__scs_overlays_trampoline_lowered:
0x8: {  	[smem:$0x3FA4] =	sst s0  }
0x9: {  	[smem:$0x3FA5] =	sst s1  }
0xa: {  	[smem:$0x3FA6] =	sst s2  }
0xb: {  	[smem:$0x3FA7] =	sst s3  }
0xc: {  	[smem:$0x3FA8] =	sst s4  }
0xd: {  	[smem:$0x3FA9] =	sst s5  }
0xe: {  	[smem:$0x3FAA] =	sst s6  }
0xf: {  	[smem:$0x3FAB] =	sst s7  }
0x10: {  	[smem:$0x3FAC] =	sst s8  }
0x11: {  	[smem:$0x3FAD] =	sst s9;
	s0 =	simm.s32 @!p0 $0x0  }
0x12: {  	s1 =	sld [smem:$0x3F93];
	s0 =	simm.s32 @p0 $0x1  }
0x13: {  	[smem:$0x3FAE] =	sst s0;
	s0 =	simm.s32 @!p1 $0x0  }
0x14: {  	s2 =	sld [smem:$0x3F92];
	s0 =	simm.s32 @p1 $0x1  }
0x15: {  	[smem:$0x3FAF] =	sst s0;
	s0 =	simm.s32 @!p2 $0x0  }
0x16: {  	s3 =	sld [smem:$0x3FDB];
	s0 =	simm.s32 @p2 $0x1  }
0x17: {  	s4 =	simm.s32 $0x1BF5;
	[smem:$0x3FB1] =	sst s0  }
0x18: {  	s0 =	sld [smem:$0x3F94];
	_ =	swait.ge [sflag:s4], $0x0  }
0x19: {  	s7 =	sld [smem:$0x3F95]  }
0x1a: {  	s8 =	sadd.s32 $0xFFFFE003, lr  }
0x1b: {  	s9 =	sadd.s32 $0xFFFFFEF7, lr;
	s5 =	simm.s32 $0xFFFFFFFF;
	p2 =	slt.u32 s8, $0xFFFFF086  }
0x1c: {  	p1 =	slt.u32 s9, $0xF7A;
	s5 =	simm.s32 @!p2 $0x0  }
0x1d: {  	s5 =	simm.s32 @p1 $0x1;
	p0 =	seq.s32 s7, s2  }
0x1e: {  	s7 =	smul.u32 @!p0 $0xF7A, s2;
	p2 =	seq.s32 @!p0 s5, $0x0  }
0x1f: {  	s9 =	smul.u32 $0xF7A, s1;
	s8 =	simm.s32 @!p0 $0x1BF5;
	p2 =	por !p2, p0  }
0x20: {  	[sflag:s8] =	ssyncset.s32 @!p0 $0xFFFFF086;
	s6 =	sadd.s32 @!p0 s3, s7;
	s7 =	simm.s32 @!p0 $0x108  }
0x21: {  	s3 =	sadd.s32 s3, s9;
	s6 =	sadd.s32 @!p0 $0x88, s6;
	s7 =	simm.s32 @p2 $0x1082  }
0x22: {  	[simem:s7], [sflag:s8] =	dma.local @!p0 [hbm:s6], $0xF7A  }
0x23: {  	s9 =	sor.u32 $0xD0000000, s2;
	s6 =	simm.s32 $0x108;
	_ =	swait.ge @!p0 [sflag:s8], $0x0  }
0x24: {  	s3 =	sadd.s32 $0x88, s3;
	s6 =	simm.s32 @!p1 $0x1082;
	[sflag:s4] =	ssyncset.s32 $0xFFFFF086  }
0x25: {  	[simem:s6], [sflag:s4] =	dma.local [hbm:s3], $0xF7A  }
0x26: {  	[smem:$0x3F95] =	sst s1;
	(tag) =	ssettag s2;
	_ =	strace s9  }
0x27: {  	s1 =	sld [smem:$0x3FA5]  }
0x28: {  	s2 =	sld [smem:$0x3FA6]  }
0x29: {  	s4 =	sld [smem:$0x3FA8]  }
0x2a: {  	p0 =	seq.s32 s5, $0x0;
	s5 =	sld [smem:$0x3FA9]  }
0x2b: {  	s6 =	sld [smem:$0x3FAA]  }
0x2c: {  	s7 =	sld [smem:$0x3FAB]  }
0x2d: {  	s3 =	simm.s32 $0x108;
	s8 =	sld [smem:$0x3FAC]  }
0x2e: {  	s3 =	simm.s32 @!p0 $0x1082;
	s9 =	sld [smem:$0x3FAD]  }
0x2f: {  	lr =	sadd.s32 s0, s3;
	s0 =	sld [smem:$0x3FA4]  }
0x30: {  	s3 =	sld [smem:$0x3FA7]  }
0x31: {  	[smem:$0x3FB0] =	sst s10  }
0x32: {  	s10 =	sld [smem:$0x3FAE];
	_ =	sdelay $0x3  }
0x33: {  	p0 =	seq.s32 s10, $0x1;
	s10 =	sld [smem:$0x3FB0];
	_ =	sdelay $0x3  }
0x34: {  	[smem:$0x3FB0] =	sst s10  }
0x35: {  	s10 =	sld [smem:$0x3FAF];
	_ =	sdelay $0x3  }
0x36: {  	p1 =	seq.s32 s10, $0x1;
	s10 =	sld [smem:$0x3FB0];
	_ =	sdelay $0x3  }
0x37: {  	[smem:$0x3FB0] =	sst s10  }
0x38: {  	s10 =	sld [smem:$0x3FB1]  }
0x39: {  	_ = 	snop;
	(pc) =	sbr.ind lr, $3  }
0x3a: {  	_ = 	snop  }
0x3b: {  	_ = 	snop  }
0x3c: {  	p2 =	seq.s32 s10, $0x1;
	s10 =	sld [smem:$0x3FB0]  }
0x3d: {  	_ =	shalt  }
0x3e: {  	_ =	shalt  }
0x3f: {  	_ =	shalt  }
0x40: {  	_ =	shalt  }
0x41: {  	_ =	shalt  }
0x42: {  	_ =	shalt  }
0x43: {  	_ =	shalt  }
0x44: {  	_ =	shalt  }
0x45: {  	_ =	shalt  }
0x46: {  	_ =	shalt  }
0x47: {  	_ =	shalt  }
0x48: {  	_ =	shalt  }
0x49: {  	_ =	shalt  }
0x4a: {  	_ =	shalt  }
0x4b: {  	_ =	shalt  }
0x4c: {  	_ =	shalt  }
0x4d: {  	_ =	shalt  }
0x4e: {  	_ =	shalt  }
0x4f: {  	_ =	shalt  }
0x50: {  	_ =	shalt  }
0x51: {  	_ =	shalt  }
0x52: {  	_ =	shalt  }
0x53: {  	_ =	shalt  }
0x54: {  	_ =	shalt  }
0x55: {  	_ =	shalt  }
0x56: {  	_ =	shalt  }
0x57: {  	_ =	shalt  }
0x58: {  	_ =	shalt  }
0x59: {  	_ =	shalt  }
0x5a: {  	_ =	shalt  }
0x5b: {  	_ =	shalt  }
0x5c: {  	_ =	shalt  }
0x5d: {  	_ =	shalt  }
0x5e: {  	_ =	shalt  }
0x5f: {  	_ =	shalt  }
0x60: {  	_ =	shalt  }
0x61: {  	_ =	shalt  }
0x62: {  	_ =	shalt  }
0x63: {  	_ =	shalt  }
0x64: {  	_ =	shalt  }
0x65: {  	_ =	shalt  }
0x66: {  	_ =	shalt  }
0x67: {  	_ =	shalt  }
0x68: {  	_ =	shalt  }
0x69: {  	_ =	shalt  }
0x6a: {  	_ =	shalt  }
0x6b: {  	_ =	shalt  }
0x6c: {  	_ =	shalt  }
0x6d: {  	_ =	shalt  }
0x6e: {  	_ =	shalt  }
0x6f: {  	_ =	shalt  }
0x70: {  	_ =	shalt  }
0x71: {  	_ =	shalt  }
0x72: {  	_ =	shalt  }
0x73: {  	_ =	shalt  }
0x74: {  	_ =	shalt  }
0x75: {  	_ =	shalt  }
0x76: {  	_ =	shalt  }
0x77: {  	_ =	shalt  }
0x78: {  	_ =	shalt  }
0x79: {  	_ =	shalt  }
0x7a: {  	_ =	shalt  }
0x7b: {  	_ =	shalt  }
0x7c: {  	_ =	shalt  }
0x7d: {  	_ =	shalt  }
0x7e: {  	_ =	shalt  }
0x7f: {  	_ =	shalt  }
0x80: {  	_ =	shalt  }
0x81: {  	_ =	shalt  }
0x82: {  	_ =	shalt  }
0x83: {  	_ =	shalt  }
0x84: {  	_ =	shalt  }
0x85: {  	_ =	shalt  }
0x86: {  	_ =	shalt  }
0x87: {  	_ =	shalt  }
.Lfunc_end0:
.L_simem_size_0:
called_computation_lowered:
.L_overlay_start_0:
0x88: {  	s2 =	sld [smem:$0x3FD9]  }
0x89: {  	s3 =	sld [smem:$0x3FFE];
	_ =	sdelay $0x1  }
0x8a: {  	s1 =	srdreg.scid  }
0x8b: {  	s0 =	sand.u32 $0x1, s1  }
0x8c: {  	s17 =	sshll.u32 s0, $0xA;
	s2 =	sadd.s32 s3, s2  }
0x8d: {  	s2 =	sadd.s32 s2, s17  }
0x8e: {  	[smem:$0x3FBC] =	sst s2  }
0x8f: {  	_ = 	snop  }
0x90: {  	s2 =	sld [smem:$0x3FD0];
	(tm) =	ssettm $0x1  }
0x91: {  	s18 =	sld [smem:$0x3FFB];
	_ =	sdelay $0x3  }
0x92: {  	_ =	strace s18  }
0x93: {  	s3 =	sld [smem:$0x3FFC];
	_ =	sdelay $0x3  }
0x94: {  	_ =	strace s3  }
0x95: {  	s3 =	sld [smem:$0x3FFD];
	_ =	sdelay $0x3  }
0x96: {  	_ =	strace s3  }
0x97: {  	_ =	strace $0x8FFFFFFF  }
0x98: {  	s19 =	sld [smem:$0x3FDB];
	_ =	sdelay $0x1  }
0x99: {  	s4 =	simm.s32 $_scs_section_size  }
0x9a: {  	s5 =	simm.s32 $_size__tile_overlayer_lowered;
	s6 =	simm.s32 $_tile_overlayer_lowered  }
0x9b: {  	s22 =	simm.s32 $0x1BFF;
	s21 =	sshll.u32 s6, $0x1;
	s3 =	sadd.s32 s4, s19  }
0x9c: {  	s7 =	simm.s32 $0x0;
	s20 =	sshll.u32 s5, $0x1;
	s5 =	sadd.s32 s21, s3  }
0x9d: {  	[timem:s7], [sflag:s22] =	dma.local [hbm:s5], s20  }
0x9e: {  	_ =	swait.ge [sflag:s22], s20  }
0x9f: {  	s4 =	ssub.s32 $0x0, s20;
	[sflag:s22] =	ssyncset.done $0x0  }
0xa0: {  	[sflag:s22] =	ssyncadd.s32 s4;
	_ =	sdelay $0x1  }
0xa1: {  	s23 =	simm.s32 $0x1B8B  }
0xa2: {  	_ =	swait.ge [sflag:s23], $0x1  }
0xa3: {  	[sflag:s23] =	ssyncset.done $0x0  }
0xa4: {  	s25 =	simm.s32 $0x1B8E;
	s24 =	sld [smem:$0x3FFE];
	[sflag:s23] =	ssyncadd.s32 $0xFFFFFFFF  }
0xa5: {  	s26 =	simm.s32 $execute0_lowered;
	[smem:$0x3FD2] =	sst s25  }
0xa6: {  	s5 =	sshll.u32 s26, $0x1;
	_ =	strace $0x80000046;
	[dreg:$0x1] =	wrdreg $0xFFFFFFFF  }
0xa7: {  	s28 =	simm.s32 $_size_execute0_lowered;
	s3 =	sadd.s32 s3, s5;
	[dreg:$0x0] =	wrdreg $0x0  }
0xa8: {  	s5 =	sshll.u32 s28, $0x1;
	[dreg:$0x2] =	wrdreg s3  }
0xa9: {  	[dreg:$0x3] =	wrdreg s5  }
0xaa: {  	[dreg:$0x4] =	wrdreg $0xC0  }
0xab: {  	_ =	task [dreg:s7], $0x5FFFF  }
0xac: {  	[dreg:$0x1] =	wrdreg $0xFFFFFFFF  }
0xad: {  	[dreg:$0x0] =	wrdreg $0x60  }
0xae: {  	[dreg:$0x2] =	wrdreg s2  }
0xaf: {  	[dreg:$0x3] =	wrdreg s24  }
0xb0: {  	[dreg:$0x4] =	wrdreg $0x9  }
0xb1: {  	_ =	task.clear_ibuf [dreg:s7], $0x5FFFF;
	_ =	strace $0x90000046  }
0xb2: {  	s29 =	simm.s32 $0x9;
	_ =	strace $0x80000048  }
0xb3: {  	_ =	swait.ge [sflag:s29], $0x1  }
0xb4: {  	[sflag:s29] =	ssyncadd.s32 $0xFFFFFFFF  }
0xb5: {  	_ =	strace $0x90000048  }
0xb6: {  	_ =	sfence  }
0xb7: {  	s30 =	sld [smem:$0x0];
	_ =	sdelay $0x2  }
0xb8: {  	s31 =	sshll.u32 s1, $0xD;
	s1 =	sshrl.u32 s1, $0x2  }
0xb9: {  	s3 =	sand.u32 $0x4000, s31;
	s1 =	sadd.s32 s1, s30  }
0xba: {  	s0 =	sor.u32 s3, s0;
	s1 =	sshll.u32 s1, $0x11  }
0xbb: {  	s0 =	sor.u32 s1, s0  }
0xbc: {  	s0 =	sadd.s32 $0x8F2B, s0  }
0xbd: {  	[sflag:s0] =	ssyncadd.remote.s32 $0x1  }
0xbe: {  	_ =	sfence.sel $0xFFFF  }
0xbf: {  	[dreg:$0x0] =	wrdreg $0xFFFFFFFF;
	(pc) =	sbr.abs _section_cstart, $3  }
0xc0: {  	[dreg:$0x1] =	wrdreg $0xFFFFFFFF  }
0xc1: {  	_ =	task.clear_ibuf [dreg:s7], $0x2FFFF;
	_ =	strace $0x9FFFFFFF  }
0xc2: {  	(tm) =	ssettm $0x7FFFFFFF  }
0xc3: {  	_ =	shalt  }
tec
execute0_lowered:
.L_overlay_start_1:
0x0: {  	(tag) =	ssettag $0x1  }
0x1: {  	s0 =	srdreg.scid  }
0x2: {  	s3 =	sand.u32 $0x1, s0  }
0x3: {  	s4 =	rddreg [dreg:$0x0];
	s0 =	stileid.u32;
	s1 =	sshll.u32 s3, $0x4  }
0x4: {  	s6 =	rddreg [dreg:$0x1];
	s2 =	simm.s32 $0x0;
	s1 =	sor.u32 s0, s1  }
0x5: {  	s8 =	simm.s32 $0x1;
	s9 =	simm.s32 $0x2780;
	s1 =	sshrl.u32 s1, $0x3  }
0x6: {  	s10 =	simm.s32 $0x0;
	s30 =	sshll.u32 s0, $0x7;
	s5 =	smul.u32 $0x13C00, s1  }
0x7: {  	[smem:$0x7FF] =	sst s2;
	s3 =	ssub.s32 $0x2, s3;
	s7 =	sand.u32 $0x380, s30  }
0x8: {  	s31 =	sshrl.u32 s3, $0x1;
	s1 =	rddreg [dreg:$0x2];
	s5 =	sor.u32 s7, s5  }
0x9: {  	_ =	strace $0x80000047;
	s7 =	ssub.s32 s3, s31;
	s5 =	sshrl.u32 s5, $0x3  }
0xa: {  	s6 =	sadd.s32 s5, s6;
	s3 =	sadd.s32 s4, s5;
	s5 =	smax.u32 s7, $0x1  }
0xb: {  	v0 =	vimm.f32 $0.0e+00;
	v1 =	vimm.f32 $1.000000000e+00;
	s7 =	simm.s32 $0x400;
	s4 =	sadd.s32 $0x2A00, s6;
	s6 =	simm.s32 $0x80  }
.LBB2_1:
0xc: {  	[tilespmem:s2], [sflag:$0x1] =	stream.strided.gather [hbm4b:s3+s6], $0x2780, s7, s6, $0x38;
	[tilespmem:$0x4F00] =	vst v63  }
0xd: {  	_ =	swait.ge [sflag:s8], $0x2780  }
0xe: {  	[sflag:s8] =	ssyncset.done $0x0  }
0xf: {  	s11 =	simm.s32 $0x0;
	[sflag:s8] =	ssyncadd.s32 $0xFFFFD880  }
.LBB2_2:
0x10: {  	p0 =	sne.s32 s11, $0x9DC0  }
.Ltmp0:
0x11: {  	_ = 	snop;
	(pc) =	sbr.rel @p0 .LBB2_2-.Ltmp0, $3  }
0x12: {  	_ =	sdelay $0x1  }
0x13: {  	s12 =	sshra.s32 s11, $0x2  }
0x14: {  	s11 =	sadd.s32 $0x40, s11;
	[tilespmem:s12+$0x2780] =	vst v0  }
0x15: {  	s12 =	simm.s32 $0x0;
	s11 =	simm.s32 $0x40  }
.LBB2_4:
0x16: {  	p0 =	sne.s32 s11, $0x9DC0;
	v2 =	vld [tilespmem:s12+$0x0];
	_ =	sdelay $0x3  }
.Ltmp1:
0x17: {  	(pc) =	sbr.rel @p0 .LBB2_4-.Ltmp1, $2  }
0x18: {  	_ =	sdelay $0x2  }
0x19: {  	s12 =	sshra.s32 s11, $0x2;
	s11 =	sadd.s32 $0x40, s11;
	[tilespmem:v2+s9+$0x0] =	vst.idx.add.f32.msk $0xffff, v1  }
0x1a: {  	v2 =	vld [tilespmem:s12+$0x0];
	_ =	sdelay $0x5  }
0x1b: {  	s10 =	sadd.s32 $0x1, s10  }
0x1c: {  	p0 =	sne.s32 s10, s5  }
.Ltmp2:
0x1d: {  	[tilespmem:v2+s9+$0x0] =	vst.idx.add.f32.msk $0xffff, v1;
	(pc) =	sbr.rel @p0 .LBB2_1-.Ltmp2, $4  }
0x1e: {  	[hbm4b:s4+s6] =	stream.strided.scatter [tilespmem:s9], [sflag:$0x1], $0x2780, s7, s6, $0x38;
	[tilespmem:$0x4F00] =	vst v63  }
0x1f: {  	_ =	swait.ge [sflag:s8], $0x2780  }
0x20: {  	[sflag:s8] =	ssyncset.done $0x0  }
0x21: {  	[sflag:s8] =	ssyncadd.s32 $0xFFFFD880  }
0x22: {  	_ =	sfence.sel $0x180000  }
0x23: {  	[bflag:$0x0] =	sbarrier.arrive $0xFFFF  }
0x24: {  	p0 =	sne.s32 s0, $0x0;
	_ =	strace $0x90000047  }
0x25: {  	s0 =	sadd.s32 @!p0 $0x100000, s1;
	[bflag:$0x2] =	sbarrier.arrive $0xFFFF  }
0x26: {  	[sflag:s0] =	ssyncadd.tile.s32 @!p0 $0x1;
	_ =	shalt  }
.Lfunc_end2:
_tile_overlayer_lowered:
.L_overlay_start_2:
0x27: {  	(tag) =	ssettag $0x2  }
0x28: {  	s0 =	rddreg [dreg:$0x0];
	s2 =	stileid.u32  }
0x29: {  	s1 =	rddreg [dreg:$0x1];
	p0 =	sne.s32 s2, $0x0  }
0x2a: {  	s3 =	rddreg [dreg:$0x2];
	[bflag:$0x3] =	sbarrier.arrive $0xFFFF;
	s2 =	simm.s32 @!p0 $0x1C01  }
0x2b: {  	[timem:s3], [sflag:s2] =	dma.local @!p0 [hbm:s0], s1  }
0x2c: {  	s0 =	simm.s32 @!p0 $0x1  }
0x2d: {  	_ =	swait.ge @!p0 [sflag:s0], s1  }
0x2e: {  	s1 =	ssub.s32 @!p0 $0x0, s1;
	[sflag:s0] =	ssyncset.done @!p0 $0x0  }
0x2f: {  	[sflag:s0] =	ssyncadd.s32 @!p0 s1  }
0x30: {  	[bflag:$0x3] =	sbarrier.arrive $0xFFFF  }
0x31: {  	_ =	shalt  }

</sc_bundles>
